<compile_context>
chip_gen: v7x
topology: tpu7x:2x2x1
jax: 0.10.2.dev20260603
libtpu: 0.0.44.dev20260713+nightly
codegen_flags: <defaults>
</compile_context>

<pallas_src>
import functools

import jax
import jax.numpy as jnp
from jax import lax
from jax.experimental import pallas as pl
from jax.experimental.pallas import tpu as pltpu
from jax.experimental.pallas import tpu_sc as plsc

B, VIS, D, TOTAL = 512, 64, 96, 256
ROWS_OUT = TOTAL + 1
IMG_ROWS = VIS + 1
L = 16
DGRP = 8
BCH = 128
MASK_ROW = IMG_ROWS
NITEMS = 3
CHUNK = 8
NCH = 16


def _sc_revert(img_t, idx, mt):
    mesh = plsc.VectorSubcoreMesh(core_axis_name="c", subcore_axis_name="s")

    @functools.partial(
        pl.kernel,
        out_type=jax.ShapeDtypeStruct((ROWS_OUT, D, B), jnp.float32),
        mesh=mesh,
        compiler_params=pltpu.CompilerParams(needs_layout_passes=False),
        scratch_types=[
            pltpu.VMEM((IMG_ROWS + 1, DGRP, BCH), jnp.float32),
            pltpu.VMEM((BCH, BCH), jnp.int32),
            pltpu.VMEM((2, CHUNK, DGRP, BCH), jnp.float32),
            pltpu.VMEM((1, D), jnp.float32),
            pltpu.SemaphoreType.DMA,
            pltpu.SemaphoreType.DMA((2,)),
            pltpu.SemaphoreType.DMA,
            pltpu.SemaphoreType.DMA,
        ],
    )
    def k(img_hbm, idx_hbm, mt_hbm, out_hbm, stage, idxv, outb, mtv,
          gsem, ssem, msem, isem):
        wid = lax.axis_index("s") * 2 + lax.axis_index("c")
        lanes = lax.iota(jnp.int32, L)

        pltpu.async_copy(mt_hbm, mtv, msem).wait()

        def params_for(i):
            item = wid * NITEMS + i
            dg = item // 8
            rem = item - dg * 8
            d0 = pl.multiple_of(dg * DGRP, DGRP)
            b0 = pl.multiple_of((rem // 2) * BCH, BCH)
            th = rem - (rem // 2) * 2
            to0 = th * (NCH * CHUNK)
            return d0, b0, th, to0

        def stage_cp_for(i):
            d0, b0, _, _ = params_for(i)
            return pltpu.make_async_copy(
                img_hbm.at[:, pl.ds(d0, DGRP), pl.ds(b0, BCH)],
                stage.at[pl.ds(0, IMG_ROWS)],
                gsem,
            )

        def idx_cp_for(i):
            d0, b0, _, to0 = params_for(i)
            return pltpu.make_async_copy(
                idx_hbm.at[pl.ds(b0, BCH), pl.ds(to0, BCH)],
                idxv,
                isem,
            )

        stage_cp_for(0).start()
        idx_cp_for(0).start()

        def item_body(i, carry):
            d0, b0, th, to0 = params_for(i)

            for dloc in range(DGRP):
                md = plsc.load_gather(
                    mtv, [jnp.zeros((L,), jnp.int32),
                          jnp.full((L,), d0 + dloc, jnp.int32)])
                for g in range(BCH // L):
                    stage[MASK_ROW, dloc, pl.ds(g * L, L)] = md

            stage_cp_for(i).wait()
            idx_cp_for(i).wait()

            @pl.when(th == 0)
            def _():
                pltpu.async_copy(
                    stage.at[pl.ds(0, 1)],
                    out_hbm.at[pl.ds(0, 1), pl.ds(d0, DGRP), pl.ds(b0, BCH)],
                    msem,
                ).wait()

            def drain_cp(c, slot):
                return pltpu.make_async_copy(
                    outb.at[slot],
                    out_hbm.at[pl.ds(to0 + c * CHUNK + 1, CHUNK),
                               pl.ds(d0, DGRP), pl.ds(b0, BCH)],
                    ssem.at[slot],
                )

            def chunk_body(c, carry):
                slot = lax.rem(c, 2)

                @pl.when(c >= 2)
                def _():
                    drain_cp(c - 2, slot).wait()

                @plsc.parallel_loop(0, CHUNK, unroll=4)
                def row(r):
                    tl = c * CHUNK + r
                    for g in range(BCH // L):
                        bl = g * L + lanes
                        j = plsc.load_gather(
                            idxv, [bl, jnp.full((L,), tl, jnp.int32)])
                        srcs = jnp.where(j < VIS, j + 1, MASK_ROW)
                        for dloc in range(DGRP):
                            v = plsc.load_gather(
                                stage,
                                [srcs, jnp.full((L,), dloc, jnp.int32), bl])
                            outb[slot, r, dloc, pl.ds(g * L, L)] = v

                drain_cp(c, slot).start()
                return carry

            lax.fori_loop(0, NCH, chunk_body, 0)

            @pl.when(i + 1 < NITEMS)
            def _():
                stage_cp_for(i + 1).start()
                idx_cp_for(i + 1).start()

            drain_cp(NCH - 2, 0).wait()
            drain_cp(NCH - 1, 1).wait()
            return carry

        lax.fori_loop(0, NITEMS, item_body, 0)

    return k(img_t, idx, mt)


def kernel(img, img_revert_idx, mask_token):
    img_t = jnp.transpose(img, (1, 2, 0))
    out_t = _sc_revert(img_t, img_revert_idx, mask_token)
    return jnp.transpose(out_t, (2, 0, 1))

# --- scband reference (transcript-rebuilt; emitter-appended) ---
"""Pipeline reference for scband-img-revert-4715874091603 (READ-ONLY COPY).

The authoritative reference and input builder live on the scoring server;
editing this copy changes nothing except your own understanding.
"""

import jax, jax.numpy as jnp
import numpy as np

B, VIS, D, TOTAL = 512, 64, 96, 256

def setup_inputs(seed: int = 0) -> dict:
    key = jax.random.key(seed)
    k1, k2, k3 = jax.random.split(key, 3)
    img = jax.random.normal(k1, (B, 1 + VIS, D), dtype=jnp.float32)
    img_revert_idx = jax.random.randint(k2, (B, TOTAL), 0, TOTAL, dtype=jnp.int32)
    mask_token = jax.random.normal(k3, (1, D), dtype=jnp.float32) * 0.02
    return {"img": img, "img_revert_idx": img_revert_idx, "mask_token": mask_token}

def reference(img, img_revert_idx, mask_token):
    # faithful translation of ImgRevert.forward for a single image column 'img'
    global_token = img[:, :1, :]              # [B, 1, D]
    img_data = img[:, 1:, :]                  # [B, VIS, D]
    b = img_data.shape[0]
    n_mask = img_revert_idx.shape[1] - img_data.shape[-2]
    # mask_token.unsqueeze(0).repeat(b, n_mask, 1)
    mt = jnp.tile(mask_token[None, :, :], (b, n_mask, 1))  # [B, n_mask, D]
    full = jnp.concatenate([img_data, mt], axis=-2)        # [B, TOTAL, D]
    idx = jnp.broadcast_to(img_revert_idx[:, :, None], (b, img_revert_idx.shape[1], full.shape[-1]))
    gathered = jnp.take_along_axis(full, idx, axis=-2)     # [B, TOTAL, D]
    out = jnp.concatenate([global_token, gathered], axis=1)  # [B, TOTAL+1, D]
    return out

if __name__ == "__main__":
    import jax
    _d = setup_inputs()
    print(jax.jit(kernel)(*tuple(_d.values())))

</pallas_src>

<mosaic_0001>
#map = affine_map<(d0, d1) -> (0, 0, 0)>
#map1 = affine_map<(d0, d1) -> (0, 0)>
module attributes {stable_mosaic.version = 14 : i64} {
  func.func @k(%arg0: i32, %arg1: i32, %arg2: memref<65x96x512xf32, #tpu.memory_space<hbm>>, %arg3: memref<512x256xi32, #tpu.memory_space<hbm>>, %arg4: memref<1x96xf32, #tpu.memory_space<hbm>>, %arg5: memref<257x96x512xf32, #tpu.memory_space<hbm>>, %arg6: memref<66x8x128xf32, #tpu.memory_space<vmem>>, %arg7: memref<128x128xi32, #tpu.memory_space<vmem>>, %arg8: memref<2x8x8x128xf32, #tpu.memory_space<vmem>>, %arg9: memref<1x96xf32, #tpu.memory_space<vmem>>, %arg10: memref<!tpu.dma_semaphore, #tpu.memory_space<semaphore_mem>>, %arg11: memref<2x!tpu.dma_semaphore, #tpu.memory_space<semaphore_mem>>, %arg12: memref<!tpu.dma_semaphore, #tpu.memory_space<semaphore_mem>>, %arg13: memref<!tpu.dma_semaphore, #tpu.memory_space<semaphore_mem>>) attributes {dimension_semantics = [#tpu.dimension_semantics<core_parallel>, #tpu.dimension_semantics<subcore_parallel>], iteration_bounds = array<i64: 2, 16>, scalar_prefetch = 0 : i64, scratch_operands = 8 : i64, tpu.core_type = #tpu.core_type<sc_vector_subcore>, window_params = [{transform_indices = #map}, {transform_indices = #map1}, {transform_indices = #map1}, {transform_indices = #map}]} {
    %mul3A = arith.constant 2 : i32
    %mul3A_0 = arith.muli %arg1, %mul3A : i32
    %add3A = arith.addi %mul3A_0, %arg0 : i32
    %iota3A = tpu.iota {dimensions = array<i32: 0>} : vector<16xi32>
    tpu.enqueue_dma source(%arg4 : memref<1x96xf32, #tpu.memory_space<hbm>>) target(%arg9 : memref<1x96xf32, #tpu.memory_space<vmem>>) target_semaphore(%arg12 : memref<!tpu.dma_semaphore, #tpu.memory_space<semaphore_mem>>)
    tpu.wait_dma2 semaphore(%arg12 : memref<!tpu.dma_semaphore, #tpu.memory_space<semaphore_mem>>) src(%arg4 : memref<1x96xf32, #tpu.memory_space<hbm>>) dst(%arg9 : memref<1x96xf32, #tpu.memory_space<vmem>>)
    %mul3A_1 = arith.constant 3 : i32
    %mul3A_2 = arith.muli %add3A, %mul3A_1 : i32
    %add3A_3 = arith.constant 0 : i32
    %add3A_4 = arith.addi %mul3A_2, %add3A_3 : i32
    %jit3A = arith.constant 8 : i32
    %div3A = arith.divsi %add3A_4, %jit3A : i32
    %sign3A = arith.constant 0 : i32
    %sign3A_5 = arith.cmpi sgt, %add3A_4, %sign3A : i32
    %sign3A_6 = arith.extui %sign3A_5 : i1 to i32
    %sign3A_7 = arith.constant 0 : i32
    %sign3A_8 = arith.cmpi slt, %add3A_4, %sign3A_7 : i32
    %sign3A_9 = arith.extui %sign3A_8 : i1 to i32
    %sign3A_10 = arith.subi %sign3A_6, %sign3A_9 : i32
    %sign3A_11 = arith.constant 0 : i32
    %sign3A_12 = arith.cmpi sgt, %jit3A, %sign3A_11 : i32
    %sign3A_13 = arith.extui %sign3A_12 : i1 to i32
    %sign3A_14 = arith.constant 0 : i32
    %sign3A_15 = arith.cmpi slt, %jit3A, %sign3A_14 : i32
    %sign3A_16 = arith.extui %sign3A_15 : i1 to i32
    %sign3A_17 = arith.subi %sign3A_13, %sign3A_16 : i32
    %ne3A = arith.cmpi ne, %sign3A_10, %sign3A_17 : i32
    %rem3A = arith.remsi %add3A_4, %jit3A : i32
    %ne3A_18 = arith.constant 0 : i32
    %ne3A_19 = arith.cmpi ne, %rem3A, %ne3A_18 : i32
    %and3A = arith.andi %ne3A, %ne3A_19 : i1
    %sub3A = arith.constant 1 : i32
    %sub3A_20 = arith.subi %div3A, %sub3A : i32
    %select_n3A = arith.select %and3A, %sub3A_20, %div3A : i32
    %mul3A_21 = arith.constant 8 : i32
    %mul3A_22 = arith.muli %select_n3A, %mul3A_21 : i32
    %sub3A_23 = arith.subi %add3A_4, %mul3A_22 : i32
    %mul3A_24 = arith.constant 8 : i32
    %mul3A_25 = arith.muli %select_n3A, %mul3A_24 : i32
    %multiple_of3A = tpu.assume_multiple %mul3A_25, 8 : i32
    %jit3A_26 = arith.constant 2 : i32
    %div3A_27 = arith.divsi %sub3A_23, %jit3A_26 : i32
    %sign3A_28 = arith.constant 0 : i32
    %sign3A_29 = arith.cmpi sgt, %sub3A_23, %sign3A_28 : i32
    %sign3A_30 = arith.extui %sign3A_29 : i1 to i32
    %sign3A_31 = arith.constant 0 : i32
    %sign3A_32 = arith.cmpi slt, %sub3A_23, %sign3A_31 : i32
    %sign3A_33 = arith.extui %sign3A_32 : i1 to i32
    %sign3A_34 = arith.subi %sign3A_30, %sign3A_33 : i32
    %sign3A_35 = arith.constant 0 : i32
    %sign3A_36 = arith.cmpi sgt, %jit3A_26, %sign3A_35 : i32
    %sign3A_37 = arith.extui %sign3A_36 : i1 to i32
    %sign3A_38 = arith.constant 0 : i32
    %sign3A_39 = arith.cmpi slt, %jit3A_26, %sign3A_38 : i32
    %sign3A_40 = arith.extui %sign3A_39 : i1 to i32
    %sign3A_41 = arith.subi %sign3A_37, %sign3A_40 : i32
    %ne3A_42 = arith.cmpi ne, %sign3A_34, %sign3A_41 : i32
    %rem3A_43 = arith.remsi %sub3A_23, %jit3A_26 : i32
    %ne3A_44 = arith.constant 0 : i32
    %ne3A_45 = arith.cmpi ne, %rem3A_43, %ne3A_44 : i32
    %and3A_46 = arith.andi %ne3A_42, %ne3A_45 : i1
    %sub3A_47 = arith.constant 1 : i32
    %sub3A_48 = arith.subi %div3A_27, %sub3A_47 : i32
    %select_n3A_49 = arith.select %and3A_46, %sub3A_48, %div3A_27 : i32
    %mul3A_50 = arith.constant 128 : i32
    %mul3A_51 = arith.muli %select_n3A_49, %mul3A_50 : i32
    %multiple_of3A_52 = tpu.assume_multiple %mul3A_51, 128 : i32
    %jit3A_53 = arith.constant 2 : i32
    %div3A_54 = arith.divsi %sub3A_23, %jit3A_53 : i32
    %sign3A_55 = arith.constant 0 : i32
    %sign3A_56 = arith.cmpi sgt, %sub3A_23, %sign3A_55 : i32
    %sign3A_57 = arith.extui %sign3A_56 : i1 to i32
    %sign3A_58 = arith.constant 0 : i32
    %sign3A_59 = arith.cmpi slt, %sub3A_23, %sign3A_58 : i32
    %sign3A_60 = arith.extui %sign3A_59 : i1 to i32
    %sign3A_61 = arith.subi %sign3A_57, %sign3A_60 : i32
    %sign3A_62 = arith.constant 0 : i32
    %sign3A_63 = arith.cmpi sgt, %jit3A_53, %sign3A_62 : i32
    %sign3A_64 = arith.extui %sign3A_63 : i1 to i32
    %sign3A_65 = arith.constant 0 : i32
    %sign3A_66 = arith.cmpi slt, %jit3A_53, %sign3A_65 : i32
    %sign3A_67 = arith.extui %sign3A_66 : i1 to i32
    %sign3A_68 = arith.subi %sign3A_64, %sign3A_67 : i32
    %ne3A_69 = arith.cmpi ne, %sign3A_61, %sign3A_68 : i32
    %rem3A_70 = arith.remsi %sub3A_23, %jit3A_53 : i32
    %ne3A_71 = arith.constant 0 : i32
    %ne3A_72 = arith.cmpi ne, %rem3A_70, %ne3A_71 : i32
    %and3A_73 = arith.andi %ne3A_69, %ne3A_72 : i1
    %sub3A_74 = arith.constant 1 : i32
    %sub3A_75 = arith.subi %div3A_54, %sub3A_74 : i32
    %select_n3A_76 = arith.select %and3A_73, %sub3A_75, %div3A_54 : i32
    %mul3A_77 = arith.constant 2 : i32
    %mul3A_78 = arith.muli %select_n3A_76, %mul3A_77 : i32
    %sub3A_79 = arith.subi %sub3A_23, %mul3A_78 : i32
    %mul3A_80 = arith.constant 128 : i32
    %mul3A_81 = arith.muli %sub3A_79, %mul3A_80 : i32
    %dma_start3A = arith.constant 0 : i32
    %dma_start3A_82 = arith.constant 0 : i32
    %dma_start3A_83 = arith.constant 0 : i32
    %dma_start3A_84 = tpu.memref_slice %arg6[%dma_start3A, %dma_start3A_82, %dma_start3A_83] : memref<66x8x128xf32, #tpu.memory_space<vmem>> -> memref<65x8x128xf32, #tpu.memory_space<vmem>>
    %dma_start3A_85 = arith.constant 0 : i32
    %dma_start3A_86 = tpu.memref_slice %arg2[%dma_start3A_85, %multiple_of3A, %multiple_of3A_52] : memref<65x96x512xf32, #tpu.memory_space<hbm>> -> memref<65x8x128xf32, #tpu.memory_space<hbm>>
    %dma_start3A_87 = arith.constant 0 : i32
    %dma_start3A_88 = arith.constant 0 : i32
    %dma_start3A_89 = arith.constant 0 : i32
    %dma_start3A_90 = tpu.memref_slice %arg6[%dma_start3A_87, %dma_start3A_88, %dma_start3A_89] : memref<66x8x128xf32, #tpu.memory_space<vmem>> -> memref<65x8x128xf32, #tpu.memory_space<vmem>>
    %dma_start3A_91 = arith.constant 0 : i32
    %dma_start3A_92 = tpu.memref_slice %arg2[%dma_start3A_91, %multiple_of3A, %multiple_of3A_52] : memref<65x96x512xf32, #tpu.memory_space<hbm>> -> memref<65x8x128xf32, #tpu.memory_space<hbm>>
    tpu.enqueue_dma source(%dma_start3A_92 : memref<65x8x128xf32, #tpu.memory_space<hbm>>) target(%dma_start3A_90 : memref<65x8x128xf32, #tpu.memory_space<vmem>>) target_semaphore(%arg10 : memref<!tpu.dma_semaphore, #tpu.memory_space<semaphore_mem>>)
    %mul3A_93 = arith.constant 3 : i32
    %mul3A_94 = arith.muli %add3A, %mul3A_93 : i32
    %add3A_95 = arith.constant 0 : i32
    %add3A_96 = arith.addi %mul3A_94, %add3A_95 : i32
    %jit3A_97 = arith.constant 8 : i32
    %div3A_98 = arith.divsi %add3A_96, %jit3A_97 : i32
    %sign3A_99 = arith.constant 0 : i32
    %sign3A_100 = arith.cmpi sgt, %add3A_96, %sign3A_99 : i32
    %sign3A_101 = arith.extui %sign3A_100 : i1 to i32
    %sign3A_102 = arith.constant 0 : i32
    %sign3A_103 = arith.cmpi slt, %add3A_96, %sign3A_102 : i32
    %sign3A_104 = arith.extui %sign3A_103 : i1 to i32
    %sign3A_105 = arith.subi %sign3A_101, %sign3A_104 : i32
    %sign3A_106 = arith.constant 0 : i32
    %sign3A_107 = arith.cmpi sgt, %jit3A_97, %sign3A_106 : i32
    %sign3A_108 = arith.extui %sign3A_107 : i1 to i32
    %sign3A_109 = arith.constant 0 : i32
    %sign3A_110 = arith.cmpi slt, %jit3A_97, %sign3A_109 : i32
    %sign3A_111 = arith.extui %sign3A_110 : i1 to i32
    %sign3A_112 = arith.subi %sign3A_108, %sign3A_111 : i32
    %ne3A_113 = arith.cmpi ne, %sign3A_105, %sign3A_112 : i32
    %rem3A_114 = arith.remsi %add3A_96, %jit3A_97 : i32
    %ne3A_115 = arith.constant 0 : i32
    %ne3A_116 = arith.cmpi ne, %rem3A_114, %ne3A_115 : i32
    %and3A_117 = arith.andi %ne3A_113, %ne3A_116 : i1
    %sub3A_118 = arith.constant 1 : i32
    %sub3A_119 = arith.subi %div3A_98, %sub3A_118 : i32
    %select_n3A_120 = arith.select %and3A_117, %sub3A_119, %div3A_98 : i32
    %mul3A_121 = arith.constant 8 : i32
    %mul3A_122 = arith.muli %select_n3A_120, %mul3A_121 : i32
    %sub3A_123 = arith.subi %add3A_96, %mul3A_122 : i32
    %mul3A_124 = arith.constant 8 : i32
    %mul3A_125 = arith.muli %select_n3A_120, %mul3A_124 : i32
    %multiple_of3A_126 = tpu.assume_multiple %mul3A_125, 8 : i32
    %jit3A_127 = arith.constant 2 : i32
    %div3A_128 = arith.divsi %sub3A_123, %jit3A_127 : i32
    %sign3A_129 = arith.constant 0 : i32
    %sign3A_130 = arith.cmpi sgt, %sub3A_123, %sign3A_129 : i32
    %sign3A_131 = arith.extui %sign3A_130 : i1 to i32
    %sign3A_132 = arith.constant 0 : i32
    %sign3A_133 = arith.cmpi slt, %sub3A_123, %sign3A_132 : i32
    %sign3A_134 = arith.extui %sign3A_133 : i1 to i32
    %sign3A_135 = arith.subi %sign3A_131, %sign3A_134 : i32
    %sign3A_136 = arith.constant 0 : i32
    %sign3A_137 = arith.cmpi sgt, %jit3A_127, %sign3A_136 : i32
    %sign3A_138 = arith.extui %sign3A_137 : i1 to i32
    %sign3A_139 = arith.constant 0 : i32
    %sign3A_140 = arith.cmpi slt, %jit3A_127, %sign3A_139 : i32
    %sign3A_141 = arith.extui %sign3A_140 : i1 to i32
    %sign3A_142 = arith.subi %sign3A_138, %sign3A_141 : i32
    %ne3A_143 = arith.cmpi ne, %sign3A_135, %sign3A_142 : i32
    %rem3A_144 = arith.remsi %sub3A_123, %jit3A_127 : i32
    %ne3A_145 = arith.constant 0 : i32
    %ne3A_146 = arith.cmpi ne, %rem3A_144, %ne3A_145 : i32
    %and3A_147 = arith.andi %ne3A_143, %ne3A_146 : i1
    %sub3A_148 = arith.constant 1 : i32
    %sub3A_149 = arith.subi %div3A_128, %sub3A_148 : i32
    %select_n3A_150 = arith.select %and3A_147, %sub3A_149, %div3A_128 : i32
    %mul3A_151 = arith.constant 128 : i32
    %mul3A_152 = arith.muli %select_n3A_150, %mul3A_151 : i32
    %multiple_of3A_153 = tpu.assume_multiple %mul3A_152, 128 : i32
    %jit3A_154 = arith.constant 2 : i32
    %div3A_155 = arith.divsi %sub3A_123, %jit3A_154 : i32
    %sign3A_156 = arith.constant 0 : i32
    %sign3A_157 = arith.cmpi sgt, %sub3A_123, %sign3A_156 : i32
    %sign3A_158 = arith.extui %sign3A_157 : i1 to i32
    %sign3A_159 = arith.constant 0 : i32
    %sign3A_160 = arith.cmpi slt, %sub3A_123, %sign3A_159 : i32
    %sign3A_161 = arith.extui %sign3A_160 : i1 to i32
    %sign3A_162 = arith.subi %sign3A_158, %sign3A_161 : i32
    %sign3A_163 = arith.constant 0 : i32
    %sign3A_164 = arith.cmpi sgt, %jit3A_154, %sign3A_163 : i32
    %sign3A_165 = arith.extui %sign3A_164 : i1 to i32
    %sign3A_166 = arith.constant 0 : i32
    %sign3A_167 = arith.cmpi slt, %jit3A_154, %sign3A_166 : i32
    %sign3A_168 = arith.extui %sign3A_167 : i1 to i32
    %sign3A_169 = arith.subi %sign3A_165, %sign3A_168 : i32
    %ne3A_170 = arith.cmpi ne, %sign3A_162, %sign3A_169 : i32
    %rem3A_171 = arith.remsi %sub3A_123, %jit3A_154 : i32
    %ne3A_172 = arith.constant 0 : i32
    %ne3A_173 = arith.cmpi ne, %rem3A_171, %ne3A_172 : i32
    %and3A_174 = arith.andi %ne3A_170, %ne3A_173 : i1
    %sub3A_175 = arith.constant 1 : i32
    %sub3A_176 = arith.subi %div3A_155, %sub3A_175 : i32
    %select_n3A_177 = arith.select %and3A_174, %sub3A_176, %div3A_155 : i32
    %mul3A_178 = arith.constant 2 : i32
    %mul3A_179 = arith.muli %select_n3A_177, %mul3A_178 : i32
    %sub3A_180 = arith.subi %sub3A_123, %mul3A_179 : i32
    %mul3A_181 = arith.constant 128 : i32
    %mul3A_182 = arith.muli %sub3A_180, %mul3A_181 : i32
    %dma_start3A_183 = tpu.memref_slice %arg3[%multiple_of3A_153, %mul3A_182] : memref<512x256xi32, #tpu.memory_space<hbm>> -> memref<128x128xi32, #tpu.memory_space<hbm>>
    %dma_start3A_184 = tpu.memref_slice %arg3[%multiple_of3A_153, %mul3A_182] : memref<512x256xi32, #tpu.memory_space<hbm>> -> memref<128x128xi32, #tpu.memory_space<hbm>>
    tpu.enqueue_dma source(%dma_start3A_184 : memref<128x128xi32, #tpu.memory_space<hbm>>) target(%arg7 : memref<128x128xi32, #tpu.memory_space<vmem>>) target_semaphore(%arg13 : memref<!tpu.dma_semaphore, #tpu.memory_space<semaphore_mem>>)
    %scan3A = arith.constant 0 : i32
    %scan3A_185 = arith.constant 0 : i32
    %scan3A_186 = arith.constant 3 : i32
    %scan3A_187 = arith.addi %scan3A_185, %scan3A_186 : i32
    %scan3A_188 = arith.constant 1 : i32
    scf.for %scan3A_190 = %scan3A_185 to %scan3A_187 step %scan3A_188  : i32 {
      %mul3A_191 = arith.constant 3 : i32
      %mul3A_192 = arith.muli %add3A, %mul3A_191 : i32
      %add3A_193 = arith.addi %mul3A_192, %scan3A_190 : i32
      %jit3A_194 = arith.constant 8 : i32
      %div3A_195 = arith.divsi %add3A_193, %jit3A_194 : i32
      %sign3A_196 = arith.constant 0 : i32
      %sign3A_197 = arith.cmpi sgt, %add3A_193, %sign3A_196 : i32
      %sign3A_198 = arith.extui %sign3A_197 : i1 to i32
      %sign3A_199 = arith.constant 0 : i32
      %sign3A_200 = arith.cmpi slt, %add3A_193, %sign3A_199 : i32
      %sign3A_201 = arith.extui %sign3A_200 : i1 to i32
      %sign3A_202 = arith.subi %sign3A_198, %sign3A_201 : i32
      %sign3A_203 = arith.constant 0 : i32
      %sign3A_204 = arith.cmpi sgt, %jit3A_194, %sign3A_203 : i32
      %sign3A_205 = arith.extui %sign3A_204 : i1 to i32
      %sign3A_206 = arith.constant 0 : i32
      %sign3A_207 = arith.cmpi slt, %jit3A_194, %sign3A_206 : i32
      %sign3A_208 = arith.extui %sign3A_207 : i1 to i32
      %sign3A_209 = arith.subi %sign3A_205, %sign3A_208 : i32
      %ne3A_210 = arith.cmpi ne, %sign3A_202, %sign3A_209 : i32
      %rem3A_211 = arith.remsi %add3A_193, %jit3A_194 : i32
      %ne3A_212 = arith.constant 0 : i32
      %ne3A_213 = arith.cmpi ne, %rem3A_211, %ne3A_212 : i32
      %and3A_214 = arith.andi %ne3A_210, %ne3A_213 : i1
      %sub3A_215 = arith.constant 1 : i32
      %sub3A_216 = arith.subi %div3A_195, %sub3A_215 : i32
      %select_n3A_217 = arith.select %and3A_214, %sub3A_216, %div3A_195 : i32
      %mul3A_218 = arith.constant 8 : i32
      %mul3A_219 = arith.muli %select_n3A_217, %mul3A_218 : i32
      %sub3A_220 = arith.subi %add3A_193, %mul3A_219 : i32
      %mul3A_221 = arith.constant 8 : i32
      %mul3A_222 = arith.muli %select_n3A_217, %mul3A_221 : i32
      %multiple_of3A_223 = tpu.assume_multiple %mul3A_222, 8 : i32
      %jit3A_224 = arith.constant 2 : i32
      %div3A_225 = arith.divsi %sub3A_220, %jit3A_224 : i32
      %sign3A_226 = arith.constant 0 : i32
      %sign3A_227 = arith.cmpi sgt, %sub3A_220, %sign3A_226 : i32
      %sign3A_228 = arith.extui %sign3A_227 : i1 to i32
      %sign3A_229 = arith.constant 0 : i32
      %sign3A_230 = arith.cmpi slt, %sub3A_220, %sign3A_229 : i32
      %sign3A_231 = arith.extui %sign3A_230 : i1 to i32
      %sign3A_232 = arith.subi %sign3A_228, %sign3A_231 : i32
      %sign3A_233 = arith.constant 0 : i32
      %sign3A_234 = arith.cmpi sgt, %jit3A_224, %sign3A_233 : i32
      %sign3A_235 = arith.extui %sign3A_234 : i1 to i32
      %sign3A_236 = arith.constant 0 : i32
      %sign3A_237 = arith.cmpi slt, %jit3A_224, %sign3A_236 : i32
      %sign3A_238 = arith.extui %sign3A_237 : i1 to i32
      %sign3A_239 = arith.subi %sign3A_235, %sign3A_238 : i32
      %ne3A_240 = arith.cmpi ne, %sign3A_232, %sign3A_239 : i32
      %rem3A_241 = arith.remsi %sub3A_220, %jit3A_224 : i32
      %ne3A_242 = arith.constant 0 : i32
      %ne3A_243 = arith.cmpi ne, %rem3A_241, %ne3A_242 : i32
      %and3A_244 = arith.andi %ne3A_240, %ne3A_243 : i1
      %sub3A_245 = arith.constant 1 : i32
      %sub3A_246 = arith.subi %div3A_225, %sub3A_245 : i32
      %select_n3A_247 = arith.select %and3A_244, %sub3A_246, %div3A_225 : i32
      %mul3A_248 = arith.constant 128 : i32
      %mul3A_249 = arith.muli %select_n3A_247, %mul3A_248 : i32
      %multiple_of3A_250 = tpu.assume_multiple %mul3A_249, 128 : i32
      %jit3A_251 = arith.constant 2 : i32
      %div3A_252 = arith.divsi %sub3A_220, %jit3A_251 : i32
      %sign3A_253 = arith.constant 0 : i32
      %sign3A_254 = arith.cmpi sgt, %sub3A_220, %sign3A_253 : i32
      %sign3A_255 = arith.extui %sign3A_254 : i1 to i32
      %sign3A_256 = arith.constant 0 : i32
      %sign3A_257 = arith.cmpi slt, %sub3A_220, %sign3A_256 : i32
      %sign3A_258 = arith.extui %sign3A_257 : i1 to i32
      %sign3A_259 = arith.subi %sign3A_255, %sign3A_258 : i32
      %sign3A_260 = arith.constant 0 : i32
      %sign3A_261 = arith.cmpi sgt, %jit3A_251, %sign3A_260 : i32
      %sign3A_262 = arith.extui %sign3A_261 : i1 to i32
      %sign3A_263 = arith.constant 0 : i32
      %sign3A_264 = arith.cmpi slt, %jit3A_251, %sign3A_263 : i32
      %sign3A_265 = arith.extui %sign3A_264 : i1 to i32
      %sign3A_266 = arith.subi %sign3A_262, %sign3A_265 : i32
      %ne3A_267 = arith.cmpi ne, %sign3A_259, %sign3A_266 : i32
      %rem3A_268 = arith.remsi %sub3A_220, %jit3A_251 : i32
      %ne3A_269 = arith.constant 0 : i32
      %ne3A_270 = arith.cmpi ne, %rem3A_268, %ne3A_269 : i32
      %and3A_271 = arith.andi %ne3A_267, %ne3A_270 : i1
      %sub3A_272 = arith.constant 1 : i32
      %sub3A_273 = arith.subi %div3A_252, %sub3A_272 : i32
      %select_n3A_274 = arith.select %and3A_271, %sub3A_273, %div3A_252 : i32
      %mul3A_275 = arith.constant 2 : i32
      %mul3A_276 = arith.muli %select_n3A_274, %mul3A_275 : i32
      %sub3A_277 = arith.subi %sub3A_220, %mul3A_276 : i32
      %mul3A_278 = arith.constant 128 : i32
      %mul3A_279 = arith.muli %sub3A_277, %mul3A_278 : i32
      %broadcast_in_dim3A = arith.constant 0 : i32
      %broadcast_in_dim3A_280 = vector.broadcast %broadcast_in_dim3A : i32 to vector<16xi32>
      %add3A_281 = arith.constant 0 : i32
      %add3A_282 = arith.addi %multiple_of3A_223, %add3A_281 : i32
      %broadcast_in_dim3A_283 = vector.broadcast %add3A_282 : i32 to vector<16xi32>
      %gather3A = tpu.vector_load_idx %arg9[%broadcast_in_dim3A_280, %broadcast_in_dim3A_283] : memref<1x96xf32, #tpu.memory_space<vmem>>[vector<16xi32>, vector<16xi32>], vector<16xf32>,
      %swap3A = arith.constant 65 : i32
      %swap3A_284 = arith.constant 0 : i32
      %swap3A_285 = arith.index_cast %swap3A : i32 to index
      %swap3A_286 = arith.index_cast %swap3A_284 : i32 to index
      %swap3A_287 = arith.constant 0 : index
      %swap3A_288 = tpu.vector_load %arg6[%swap3A_285, %swap3A_286, %swap3A_287] {strides = array<i32>} : memref<66x8x128xf32, #tpu.memory_space<vmem>>, vector<16xf32>,
      tpu.vector_store %arg6[%swap3A_285, %swap3A_286, %swap3A_287], %gather3A {strides = array<i32>} : memref<66x8x128xf32, #tpu.memory_space<vmem>>, vector<16xf32>,
      %swap3A_289 = arith.constant 65 : i32
      %swap3A_290 = arith.constant 0 : i32
      %swap3A_291 = arith.index_cast %swap3A_289 : i32 to index
      %swap3A_292 = arith.index_cast %swap3A_290 : i32 to index
      %swap3A_293 = arith.constant 16 : index
      %swap3A_294 = tpu.vector_load %arg6[%swap3A_291, %swap3A_292, %swap3A_293] {strides = array<i32>} : memref<66x8x128xf32, #tpu.memory_space<vmem>>, vector<16xf32>,
      tpu.vector_store %arg6[%swap3A_291, %swap3A_292, %swap3A_293], %gather3A {strides = array<i32>} : memref<66x8x128xf32, #tpu.memory_space<vmem>>, vector<16xf32>,
      %swap3A_295 = arith.constant 65 : i32
      %swap3A_296 = arith.constant 0 : i32
      %swap3A_297 = arith.index_cast %swap3A_295 : i32 to index
      %swap3A_298 = arith.index_cast %swap3A_296 : i32 to index
      %swap3A_299 = arith.constant 32 : index
      %swap3A_300 = tpu.vector_load %arg6[%swap3A_297, %swap3A_298, %swap3A_299] {strides = array<i32>} : memref<66x8x128xf32, #tpu.memory_space<vmem>>, vector<16xf32>,
      tpu.vector_store %arg6[%swap3A_297, %swap3A_298, %swap3A_299], %gather3A {strides = array<i32>} : memref<66x8x128xf32, #tpu.memory_space<vmem>>, vector<16xf32>,
      %swap3A_301 = arith.constant 65 : i32
      %swap3A_302 = arith.constant 0 : i32
      %swap3A_303 = arith.index_cast %swap3A_301 : i32 to index
      %swap3A_304 = arith.index_cast %swap3A_302 : i32 to index
      %swap3A_305 = arith.constant 48 : index
      %swap3A_306 = tpu.vector_load %arg6[%swap3A_303, %swap3A_304, %swap3A_305] {strides = array<i32>} : memref<66x8x128xf32, #tpu.memory_space<vmem>>, vector<16xf32>,
      tpu.vector_store %arg6[%swap3A_303, %swap3A_304, %swap3A_305], %gather3A {strides = array<i32>} : memref<66x8x128xf32, #tpu.memory_space<vmem>>, vector<16xf32>,
      %swap3A_307 = arith.constant 65 : i32
      %swap3A_308 = arith.constant 0 : i32
      %swap3A_309 = arith.index_cast %swap3A_307 : i32 to index
      %swap3A_310 = arith.index_cast %swap3A_308 : i32 to index
      %swap3A_311 = arith.constant 64 : index
      %swap3A_312 = tpu.vector_load %arg6[%swap3A_309, %swap3A_310, %swap3A_311] {strides = array<i32>} : memref<66x8x128xf32, #tpu.memory_space<vmem>>, vector<16xf32>,
      tpu.vector_store %arg6[%swap3A_309, %swap3A_310, %swap3A_311], %gather3A {strides = array<i32>} : memref<66x8x128xf32, #tpu.memory_space<vmem>>, vector<16xf32>,
      %swap3A_313 = arith.constant 65 : i32
      %swap3A_314 = arith.constant 0 : i32
      %swap3A_315 = arith.index_cast %swap3A_313 : i32 to index
      %swap3A_316 = arith.index_cast %swap3A_314 : i32 to index
      %swap3A_317 = arith.constant 80 : index
      %swap3A_318 = tpu.vector_load %arg6[%swap3A_315, %swap3A_316, %swap3A_317] {strides = array<i32>} : memref<66x8x128xf32, #tpu.memory_space<vmem>>, vector<16xf32>,
      tpu.vector_store %arg6[%swap3A_315, %swap3A_316, %swap3A_317], %gather3A {strides = array<i32>} : memref<66x8x128xf32, #tpu.memory_space<vmem>>, vector<16xf32>,
      %swap3A_319 = arith.constant 65 : i32
      %swap3A_320 = arith.constant 0 : i32
      %swap3A_321 = arith.index_cast %swap3A_319 : i32 to index
      %swap3A_322 = arith.index_cast %swap3A_320 : i32 to index
      %swap3A_323 = arith.constant 96 : index
      %swap3A_324 = tpu.vector_load %arg6[%swap3A_321, %swap3A_322, %swap3A_323] {strides = array<i32>} : memref<66x8x128xf32, #tpu.memory_space<vmem>>, vector<16xf32>,
      tpu.vector_store %arg6[%swap3A_321, %swap3A_322, %swap3A_323], %gather3A {strides = array<i32>} : memref<66x8x128xf32, #tpu.memory_space<vmem>>, vector<16xf32>,
      %swap3A_325 = arith.constant 65 : i32
      %swap3A_326 = arith.constant 0 : i32
      %swap3A_327 = arith.index_cast %swap3A_325 : i32 to index
      %swap3A_328 = arith.index_cast %swap3A_326 : i32 to index
      %swap3A_329 = arith.constant 112 : index
      %swap3A_330 = tpu.vector_load %arg6[%swap3A_327, %swap3A_328, %swap3A_329] {strides = array<i32>} : memref<66x8x128xf32, #tpu.memory_space<vmem>>, vector<16xf32>,
      tpu.vector_store %arg6[%swap3A_327, %swap3A_328, %swap3A_329], %gather3A {strides = array<i32>} : memref<66x8x128xf32, #tpu.memory_space<vmem>>, vector<16xf32>,
      %broadcast_in_dim3A_331 = arith.constant 0 : i32
      %broadcast_in_dim3A_332 = vector.broadcast %broadcast_in_dim3A_331 : i32 to vector<16xi32>
      %add3A_333 = arith.constant 1 : i32
      %add3A_334 = arith.addi %multiple_of3A_223, %add3A_333 : i32
      %broadcast_in_dim3A_335 = vector.broadcast %add3A_334 : i32 to vector<16xi32>
      %gather3A_336 = tpu.vector_load_idx %arg9[%broadcast_in_dim3A_332, %broadcast_in_dim3A_335] : memref<1x96xf32, #tpu.memory_space<vmem>>[vector<16xi32>, vector<16xi32>], vector<16xf32>,
      %swap3A_337 = arith.constant 65 : i32
      %swap3A_338 = arith.constant 1 : i32
      %swap3A_339 = arith.index_cast %swap3A_337 : i32 to index
      %swap3A_340 = arith.index_cast %swap3A_338 : i32 to index
      %swap3A_341 = arith.constant 0 : index
      %swap3A_342 = tpu.vector_load %arg6[%swap3A_339, %swap3A_340, %swap3A_341] {strides = array<i32>} : memref<66x8x128xf32, #tpu.memory_space<vmem>>, vector<16xf32>,
      tpu.vector_store %arg6[%swap3A_339, %swap3A_340, %swap3A_341], %gather3A_336 {strides = array<i32>} : memref<66x8x128xf32, #tpu.memory_space<vmem>>, vector<16xf32>,
      %swap3A_343 = arith.constant 65 : i32
      %swap3A_344 = arith.constant 1 : i32
      %swap3A_345 = arith.index_cast %swap3A_343 : i32 to index
      %swap3A_346 = arith.index_cast %swap3A_344 : i32 to index
      %swap3A_347 = arith.constant 16 : index
      %swap3A_348 = tpu.vector_load %arg6[%swap3A_345, %swap3A_346, %swap3A_347] {strides = array<i32>} : memref<66x8x128xf32, #tpu.memory_space<vmem>>, vector<16xf32>,
      tpu.vector_store %arg6[%swap3A_345, %swap3A_346, %swap3A_347], %gather3A_336 {strides = array<i32>} : memref<66x8x128xf32, #tpu.memory_space<vmem>>, vector<16xf32>,
      %swap3A_349 = arith.constant 65 : i32
      %swap3A_350 = arith.constant 1 : i32
      %swap3A_351 = arith.index_cast %swap3A_349 : i32 to index
      %swap3A_352 = arith.index_cast %swap3A_350 : i32 to index
      %swap3A_353 = arith.constant 32 : index
      %swap3A_354 = tpu.vector_load %arg6[%swap3A_351, %swap3A_352, %swap3A_353] {strides = array<i32>} : memref<66x8x128xf32, #tpu.memory_space<vmem>>, vector<16xf32>,
      tpu.vector_store %arg6[%swap3A_351, %swap3A_352, %swap3A_353], %gather3A_336 {strides = array<i32>} : memref<66x8x128xf32, #tpu.memory_space<vmem>>, vector<16xf32>,
      %swap3A_355 = arith.constant 65 : i32
      %swap3A_356 = arith.constant 1 : i32
      %swap3A_357 = arith.index_cast %swap3A_355 : i32 to index
      %swap3A_358 = arith.index_cast %swap3A_356 : i32 to index
      %swap3A_359 = arith.constant 48 : index
      %swap3A_360 = tpu.vector_load %arg6[%swap3A_357, %swap3A_358, %swap3A_359] {strides = array<i32>} : memref<66x8x128xf32, #tpu.memory_space<vmem>>, vector<16xf32>,
      tpu.vector_store %arg6[%swap3A_357, %swap3A_358, %swap3A_359], %gather3A_336 {strides = array<i32>} : memref<66x8x128xf32, #tpu.memory_space<vmem>>, vector<16xf32>,
      %swap3A_361 = arith.constant 65 : i32
      %swap3A_362 = arith.constant 1 : i32
      %swap3A_363 = arith.index_cast %swap3A_361 : i32 to index
      %swap3A_364 = arith.index_cast %swap3A_362 : i32 to index
      %swap3A_365 = arith.constant 64 : index
      %swap3A_366 = tpu.vector_load %arg6[%swap3A_363, %swap3A_364, %swap3A_365] {strides = array<i32>} : memref<66x8x128xf32, #tpu.memory_space<vmem>>, vector<16xf32>,
      tpu.vector_store %arg6[%swap3A_363, %swap3A_364, %swap3A_365], %gather3A_336 {strides = array<i32>} : memref<66x8x128xf32, #tpu.memory_space<vmem>>, vector<16xf32>,
      %swap3A_367 = arith.constant 65 : i32
      %swap3A_368 = arith.constant 1 : i32
      %swap3A_369 = arith.index_cast %swap3A_367 : i32 to index
      %swap3A_370 = arith.index_cast %swap3A_368 : i32 to index
      %swap3A_371 = arith.constant 80 : index
      %swap3A_372 = tpu.vector_load %arg6[%swap3A_369, %swap3A_370, %swap3A_371] {strides = array<i32>} : memref<66x8x128xf32, #tpu.memory_space<vmem>>, vector<16xf32>,
      tpu.vector_store %arg6[%swap3A_369, %swap3A_370, %swap3A_371], %gather3A_336 {strides = array<i32>} : memref<66x8x128xf32, #tpu.memory_space<vmem>>, vector<16xf32>,
      %swap3A_373 = arith.constant 65 : i32
      %swap3A_374 = arith.constant 1 : i32
      %swap3A_375 = arith.index_cast %swap3A_373 : i32 to index
      %swap3A_376 = arith.index_cast %swap3A_374 : i32 to index
      %swap3A_377 = arith.constant 96 : index
      %swap3A_378 = tpu.vector_load %arg6[%swap3A_375, %swap3A_376, %swap3A_377] {strides = array<i32>} : memref<66x8x128xf32, #tpu.memory_space<vmem>>, vector<16xf32>,
      tpu.vector_store %arg6[%swap3A_375, %swap3A_376, %swap3A_377], %gather3A_336 {strides = array<i32>} : memref<66x8x128xf32, #tpu.memory_space<vmem>>, vector<16xf32>,
      %swap3A_379 = arith.constant 65 : i32
      %swap3A_380 = arith.constant 1 : i32
      %swap3A_381 = arith.index_cast %swap3A_379 : i32 to index
      %swap3A_382 = arith.index_cast %swap3A_380 : i32 to index
      %swap3A_383 = arith.constant 112 : index
      %swap3A_384 = tpu.vector_load %arg6[%swap3A_381, %swap3A_382, %swap3A_383] {strides = array<i32>} : memref<66x8x128xf32, #tpu.memory_space<vmem>>, vector<16xf32>,
      tpu.vector_store %arg6[%swap3A_381, %swap3A_382, %swap3A_383], %gather3A_336 {strides = array<i32>} : memref<66x8x128xf32, #tpu.memory_space<vmem>>, vector<16xf32>,
      %broadcast_in_dim3A_385 = arith.constant 0 : i32
      %broadcast_in_dim3A_386 = vector.broadcast %broadcast_in_dim3A_385 : i32 to vector<16xi32>
      %add3A_387 = arith.constant 2 : i32
      %add3A_388 = arith.addi %multiple_of3A_223, %add3A_387 : i32
      %broadcast_in_dim3A_389 = vector.broadcast %add3A_388 : i32 to vector<16xi32>
      %gather3A_390 = tpu.vector_load_idx %arg9[%broadcast_in_dim3A_386, %broadcast_in_dim3A_389] : memref<1x96xf32, #tpu.memory_space<vmem>>[vector<16xi32>, vector<16xi32>], vector<16xf32>,
      %swap3A_391 = arith.constant 65 : i32
      %swap3A_392 = arith.constant 2 : i32
      %swap3A_393 = arith.index_cast %swap3A_391 : i32 to index
      %swap3A_394 = arith.index_cast %swap3A_392 : i32 to index
      %swap3A_395 = arith.constant 0 : index
      %swap3A_396 = tpu.vector_load %arg6[%swap3A_393, %swap3A_394, %swap3A_395] {strides = array<i32>} : memref<66x8x128xf32, #tpu.memory_space<vmem>>, vector<16xf32>,
      tpu.vector_store %arg6[%swap3A_393, %swap3A_394, %swap3A_395], %gather3A_390 {strides = array<i32>} : memref<66x8x128xf32, #tpu.memory_space<vmem>>, vector<16xf32>,
      %swap3A_397 = arith.constant 65 : i32
      %swap3A_398 = arith.constant 2 : i32
      %swap3A_399 = arith.index_cast %swap3A_397 : i32 to index
      %swap3A_400 = arith.index_cast %swap3A_398 : i32 to index
      %swap3A_401 = arith.constant 16 : index
      %swap3A_402 = tpu.vector_load %arg6[%swap3A_399, %swap3A_400, %swap3A_401] {strides = array<i32>} : memref<66x8x128xf32, #tpu.memory_space<vmem>>, vector<16xf32>,
      tpu.vector_store %arg6[%swap3A_399, %swap3A_400, %swap3A_401], %gather3A_390 {strides = array<i32>} : memref<66x8x128xf32, #tpu.memory_space<vmem>>, vector<16xf32>,
      %swap3A_403 = arith.constant 65 : i32
      %swap3A_404 = arith.constant 2 : i32
      %swap3A_405 = arith.index_cast %swap3A_403 : i32 to index
      %swap3A_406 = arith.index_cast %swap3A_404 : i32 to index
      %swap3A_407 = arith.constant 32 : index
      %swap3A_408 = tpu.vector_load %arg6[%swap3A_405, %swap3A_406, %swap3A_407] {strides = array<i32>} : memref<66x8x128xf32, #tpu.memory_space<vmem>>, vector<16xf32>,
      tpu.vector_store %arg6[%swap3A_405, %swap3A_406, %swap3A_407], %gather3A_390 {strides = array<i32>} : memref<66x8x128xf32, #tpu.memory_space<vmem>>, vector<16xf32>,
      %swap3A_409 = arith.constant 65 : i32
      %swap3A_410 = arith.constant 2 : i32
      %swap3A_411 = arith.index_cast %swap3A_409 : i32 to index
      %swap3A_412 = arith.index_cast %swap3A_410 : i32 to index
      %swap3A_413 = arith.constant 48 : index
      %swap3A_414 = tpu.vector_load %arg6[%swap3A_411, %swap3A_412, %swap3A_413] {strides = array<i32>} : memref<66x8x128xf32, #tpu.memory_space<vmem>>, vector<16xf32>,
      tpu.vector_store %arg6[%swap3A_411, %swap3A_412, %swap3A_413], %gather3A_390 {strides = array<i32>} : memref<66x8x128xf32, #tpu.memory_space<vmem>>, vector<16xf32>,
      %swap3A_415 = arith.constant 65 : i32
      %swap3A_416 = arith.constant 2 : i32
      %swap3A_417 = arith.index_cast %swap3A_415 : i32 to index
      %swap3A_418 = arith.index_cast %swap3A_416 : i32 to index
      %swap3A_419 = arith.constant 64 : index
      %swap3A_420 = tpu.vector_load %arg6[%swap3A_417, %swap3A_418, %swap3A_419] {strides = array<i32>} : memref<66x8x128xf32, #tpu.memory_space<vmem>>, vector<16xf32>,
      tpu.vector_store %arg6[%swap3A_417, %swap3A_418, %swap3A_419], %gather3A_390 {strides = array<i32>} : memref<66x8x128xf32, #tpu.memory_space<vmem>>, vector<16xf32>,
      %swap3A_421 = arith.constant 65 : i32
      %swap3A_422 = arith.constant 2 : i32
      %swap3A_423 = arith.index_cast %swap3A_421 : i32 to index
      %swap3A_424 = arith.index_cast %swap3A_422 : i32 to index
      %swap3A_425 = arith.constant 80 : index
      %swap3A_426 = tpu.vector_load %arg6[%swap3A_423, %swap3A_424, %swap3A_425] {strides = array<i32>} : memref<66x8x128xf32, #tpu.memory_space<vmem>>, vector<16xf32>,
      tpu.vector_store %arg6[%swap3A_423, %swap3A_424, %swap3A_425], %gather3A_390 {strides = array<i32>} : memref<66x8x128xf32, #tpu.memory_space<vmem>>, vector<16xf32>,
      %swap3A_427 = arith.constant 65 : i32
      %swap3A_428 = arith.constant 2 : i32
      %swap3A_429 = arith.index_cast %swap3A_427 : i32 to index
      %swap3A_430 = arith.index_cast %swap3A_428 : i32 to index
      %swap3A_431 = arith.constant 96 : index
      %swap3A_432 = tpu.vector_load %arg6[%swap3A_429, %swap3A_430, %swap3A_431] {strides = array<i32>} : memref<66x8x128xf32, #tpu.memory_space<vmem>>, vector<16xf32>,
      tpu.vector_store %arg6[%swap3A_429, %swap3A_430, %swap3A_431], %gather3A_390 {strides = array<i32>} : memref<66x8x128xf32, #tpu.memory_space<vmem>>, vector<16xf32>,
      %swap3A_433 = arith.constant 65 : i32
      %swap3A_434 = arith.constant 2 : i32
      %swap3A_435 = arith.index_cast %swap3A_433 : i32 to index
      %swap3A_436 = arith.index_cast %swap3A_434 : i32 to index
      %swap3A_437 = arith.constant 112 : index
      %swap3A_438 = tpu.vector_load %arg6[%swap3A_435, %swap3A_436, %swap3A_437] {strides = array<i32>} : memref<66x8x128xf32, #tpu.memory_space<vmem>>, vector<16xf32>,
      tpu.vector_store %arg6[%swap3A_435, %swap3A_436, %swap3A_437], %gather3A_390 {strides = array<i32>} : memref<66x8x128xf32, #tpu.memory_space<vmem>>, vector<16xf32>,
      %broadcast_in_dim3A_439 = arith.constant 0 : i32
      %broadcast_in_dim3A_440 = vector.broadcast %broadcast_in_dim3A_439 : i32 to vector<16xi32>
      %add3A_441 = arith.constant 3 : i32
      %add3A_442 = arith.addi %multiple_of3A_223, %add3A_441 : i32
      %broadcast_in_dim3A_443 = vector.broadcast %add3A_442 : i32 to vector<16xi32>
      %gather3A_444 = tpu.vector_load_idx %arg9[%broadcast_in_dim3A_440, %broadcast_in_dim3A_443] : memref<1x96xf32, #tpu.memory_space<vmem>>[vector<16xi32>, vector<16xi32>], vector<16xf32>,
      %swap3A_445 = arith.constant 65 : i32
      %swap3A_446 = arith.constant 3 : i32
      %swap3A_447 = arith.index_cast %swap3A_445 : i32 to index
      %swap3A_448 = arith.index_cast %swap3A_446 : i32 to index
      %swap3A_449 = arith.constant 0 : index
      %swap3A_450 = tpu.vector_load %arg6[%swap3A_447, %swap3A_448, %swap3A_449] {strides = array<i32>} : memref<66x8x128xf32, #tpu.memory_space<vmem>>, vector<16xf32>,
      tpu.vector_store %arg6[%swap3A_447, %swap3A_448, %swap3A_449], %gather3A_444 {strides = array<i32>} : memref<66x8x128xf32, #tpu.memory_space<vmem>>, vector<16xf32>,
      %swap3A_451 = arith.constant 65 : i32
      %swap3A_452 = arith.constant 3 : i32
      %swap3A_453 = arith.index_cast %swap3A_451 : i32 to index
      %swap3A_454 = arith.index_cast %swap3A_452 : i32 to index
      %swap3A_455 = arith.constant 16 : index
      %swap3A_456 = tpu.vector_load %arg6[%swap3A_453, %swap3A_454, %swap3A_455] {strides = array<i32>} : memref<66x8x128xf32, #tpu.memory_space<vmem>>, vector<16xf32>,
      tpu.vector_store %arg6[%swap3A_453, %swap3A_454, %swap3A_455], %gather3A_444 {strides = array<i32>} : memref<66x8x128xf32, #tpu.memory_space<vmem>>, vector<16xf32>,
      %swap3A_457 = arith.constant 65 : i32
      %swap3A_458 = arith.constant 3 : i32
      %swap3A_459 = arith.index_cast %swap3A_457 : i32 to index
      %swap3A_460 = arith.index_cast %swap3A_458 : i32 to index
      %swap3A_461 = arith.constant 32 : index
      %swap3A_462 = tpu.vector_load %arg6[%swap3A_459, %swap3A_460, %swap3A_461] {strides = array<i32>} : memref<66x8x128xf32, #tpu.memory_space<vmem>>, vector<16xf32>,
      tpu.vector_store %arg6[%swap3A_459, %swap3A_460, %swap3A_461], %gather3A_444 {strides = array<i32>} : memref<66x8x128xf32, #tpu.memory_space<vmem>>, vector<16xf32>,
      %swap3A_463 = arith.constant 65 : i32
      %swap3A_464 = arith.constant 3 : i32
      %swap3A_465 = arith.index_cast %swap3A_463 : i32 to index
      %swap3A_466 = arith.index_cast %swap3A_464 : i32 to index
      %swap3A_467 = arith.constant 48 : index
      %swap3A_468 = tpu.vector_load %arg6[%swap3A_465, %swap3A_466, %swap3A_467] {strides = array<i32>} : memref<66x8x128xf32, #tpu.memory_space<vmem>>, vector<16xf32>,
      tpu.vector_store %arg6[%swap3A_465, %swap3A_466, %swap3A_467], %gather3A_444 {strides = array<i32>} : memref<66x8x128xf32, #tpu.memory_space<vmem>>, vector<16xf32>,
      %swap3A_469 = arith.constant 65 : i32
      %swap3A_470 = arith.constant 3 : i32
      %swap3A_471 = arith.index_cast %swap3A_469 : i32 to index
      %swap3A_472 = arith.index_cast %swap3A_470 : i32 to index
      %swap3A_473 = arith.constant 64 : index
      %swap3A_474 = tpu.vector_load %arg6[%swap3A_471, %swap3A_472, %swap3A_473] {strides = array<i32>} : memref<66x8x128xf32, #tpu.memory_space<vmem>>, vector<16xf32>,
      tpu.vector_store %arg6[%swap3A_471, %swap3A_472, %swap3A_473], %gather3A_444 {strides = array<i32>} : memref<66x8x128xf32, #tpu.memory_space<vmem>>, vector<16xf32>,
      %swap3A_475 = arith.constant 65 : i32
      %swap3A_476 = arith.constant 3 : i32
      %swap3A_477 = arith.index_cast %swap3A_475 : i32 to index
      %swap3A_478 = arith.index_cast %swap3A_476 : i32 to index
      %swap3A_479 = arith.constant 80 : index
      %swap3A_480 = tpu.vector_load %arg6[%swap3A_477, %swap3A_478, %swap3A_479] {strides = array<i32>} : memref<66x8x128xf32, #tpu.memory_space<vmem>>, vector<16xf32>,
      tpu.vector_store %arg6[%swap3A_477, %swap3A_478, %swap3A_479], %gather3A_444 {strides = array<i32>} : memref<66x8x128xf32, #tpu.memory_space<vmem>>, vector<16xf32>,
      %swap3A_481 = arith.constant 65 : i32
      %swap3A_482 = arith.constant 3 : i32
      %swap3A_483 = arith.index_cast %swap3A_481 : i32 to index
      %swap3A_484 = arith.index_cast %swap3A_482 : i32 to index
      %swap3A_485 = arith.constant 96 : index
      %swap3A_486 = tpu.vector_load %arg6[%swap3A_483, %swap3A_484, %swap3A_485] {strides = array<i32>} : memref<66x8x128xf32, #tpu.memory_space<vmem>>, vector<16xf32>,
      tpu.vector_store %arg6[%swap3A_483, %swap3A_484, %swap3A_485], %gather3A_444 {strides = array<i32>} : memref<66x8x128xf32, #tpu.memory_space<vmem>>, vector<16xf32>,
      %swap3A_487 = arith.constant 65 : i32
      %swap3A_488 = arith.constant 3 : i32
      %swap3A_489 = arith.index_cast %swap3A_487 : i32 to index
      %swap3A_490 = arith.index_cast %swap3A_488 : i32 to index
      %swap3A_491 = arith.constant 112 : index
      %swap3A_492 = tpu.vector_load %arg6[%swap3A_489, %swap3A_490, %swap3A_491] {strides = array<i32>} : memref<66x8x128xf32, #tpu.memory_space<vmem>>, vector<16xf32>,
      tpu.vector_store %arg6[%swap3A_489, %swap3A_490, %swap3A_491], %gather3A_444 {strides = array<i32>} : memref<66x8x128xf32, #tpu.memory_space<vmem>>, vector<16xf32>,
      %broadcast_in_dim3A_493 = arith.constant 0 : i32
      %broadcast_in_dim3A_494 = vector.broadcast %broadcast_in_dim3A_493 : i32 to vector<16xi32>
      %add3A_495 = arith.constant 4 : i32
      %add3A_496 = arith.addi %multiple_of3A_223, %add3A_495 : i32
      %broadcast_in_dim3A_497 = vector.broadcast %add3A_496 : i32 to vector<16xi32>
      %gather3A_498 = tpu.vector_load_idx %arg9[%broadcast_in_dim3A_494, %broadcast_in_dim3A_497] : memref<1x96xf32, #tpu.memory_space<vmem>>[vector<16xi32>, vector<16xi32>], vector<16xf32>,
      %swap3A_499 = arith.constant 65 : i32
      %swap3A_500 = arith.constant 4 : i32
      %swap3A_501 = arith.index_cast %swap3A_499 : i32 to index
      %swap3A_502 = arith.index_cast %swap3A_500 : i32 to index
      %swap3A_503 = arith.constant 0 : index
      %swap3A_504 = tpu.vector_load %arg6[%swap3A_501, %swap3A_502, %swap3A_503] {strides = array<i32>} : memref<66x8x128xf32, #tpu.memory_space<vmem>>, vector<16xf32>,
      tpu.vector_store %arg6[%swap3A_501, %swap3A_502, %swap3A_503], %gather3A_498 {strides = array<i32>} : memref<66x8x128xf32, #tpu.memory_space<vmem>>, vector<16xf32>,
      %swap3A_505 = arith.constant 65 : i32
      %swap3A_506 = arith.constant 4 : i32
      %swap3A_507 = arith.index_cast %swap3A_505 : i32 to index
      %swap3A_508 = arith.index_cast %swap3A_506 : i32 to index
      %swap3A_509 = arith.constant 16 : index
      %swap3A_510 = tpu.vector_load %arg6[%swap3A_507, %swap3A_508, %swap3A_509] {strides = array<i32>} : memref<66x8x128xf32, #tpu.memory_space<vmem>>, vector<16xf32>,
      tpu.vector_store %arg6[%swap3A_507, %swap3A_508, %swap3A_509], %gather3A_498 {strides = array<i32>} : memref<66x8x128xf32, #tpu.memory_space<vmem>>, vector<16xf32>,
      %swap3A_511 = arith.constant 65 : i32
      %swap3A_512 = arith.constant 4 : i32
      %swap3A_513 = arith.index_cast %swap3A_511 : i32 to index
      %swap3A_514 = arith.index_cast %swap3A_512 : i32 to index
      %swap3A_515 = arith.constant 32 : index
      %swap3A_516 = tpu.vector_load %arg6[%swap3A_513, %swap3A_514, %swap3A_515] {strides = array<i32>} : memref<66x8x128xf32, #tpu.memory_space<vmem>>, vector<16xf32>,
      tpu.vector_store %arg6[%swap3A_513, %swap3A_514, %swap3A_515], %gather3A_498 {strides = array<i32>} : memref<66x8x128xf32, #tpu.memory_space<vmem>>, vector<16xf32>,
      %swap3A_517 = arith.constant 65 : i32
      %swap3A_518 = arith.constant 4 : i32
      %swap3A_519 = arith.index_cast %swap3A_517 : i32 to index
      %swap3A_520 = arith.index_cast %swap3A_518 : i32 to index
      %swap3A_521 = arith.constant 48 : index
      %swap3A_522 = tpu.vector_load %arg6[%swap3A_519, %swap3A_520, %swap3A_521] {strides = array<i32>} : memref<66x8x128xf32, #tpu.memory_space<vmem>>, vector<16xf32>,
      tpu.vector_store %arg6[%swap3A_519, %swap3A_520, %swap3A_521], %gather3A_498 {strides = array<i32>} : memref<66x8x128xf32, #tpu.memory_space<vmem>>, vector<16xf32>,
      %swap3A_523 = arith.constant 65 : i32
      %swap3A_524 = arith.constant 4 : i32
      %swap3A_525 = arith.index_cast %swap3A_523 : i32 to index
      %swap3A_526 = arith.index_cast %swap3A_524 : i32 to index
      %swap3A_527 = arith.constant 64 : index
      %swap3A_528 = tpu.vector_load %arg6[%swap3A_525, %swap3A_526, %swap3A_527] {strides = array<i32>} : memref<66x8x128xf32, #tpu.memory_space<vmem>>, vector<16xf32>,
      tpu.vector_store %arg6[%swap3A_525, %swap3A_526, %swap3A_527], %gather3A_498 {strides = array<i32>} : memref<66x8x128xf32, #tpu.memory_space<vmem>>, vector<16xf32>,
      %swap3A_529 = arith.constant 65 : i32
      %swap3A_530 = arith.constant 4 : i32
      %swap3A_531 = arith.index_cast %swap3A_529 : i32 to index
      %swap3A_532 = arith.index_cast %swap3A_530 : i32 to index
      %swap3A_533 = arith.constant 80 : index
      %swap3A_534 = tpu.vector_load %arg6[%swap3A_531, %swap3A_532, %swap3A_533] {strides = array<i32>} : memref<66x8x128xf32, #tpu.memory_space<vmem>>, vector<16xf32>,
      tpu.vector_store %arg6[%swap3A_531, %swap3A_532, %swap3A_533], %gather3A_498 {strides = array<i32>} : memref<66x8x128xf32, #tpu.memory_space<vmem>>, vector<16xf32>,
      %swap3A_535 = arith.constant 65 : i32
      %swap3A_536 = arith.constant 4 : i32
      %swap3A_537 = arith.index_cast %swap3A_535 : i32 to index
      %swap3A_538 = arith.index_cast %swap3A_536 : i32 to index
      %swap3A_539 = arith.constant 96 : index
      %swap3A_540 = tpu.vector_load %arg6[%swap3A_537, %swap3A_538, %swap3A_539] {strides = array<i32>} : memref<66x8x128xf32, #tpu.memory_space<vmem>>, vector<16xf32>,
      tpu.vector_store %arg6[%swap3A_537, %swap3A_538, %swap3A_539], %gather3A_498 {strides = array<i32>} : memref<66x8x128xf32, #tpu.memory_space<vmem>>, vector<16xf32>,
      %swap3A_541 = arith.constant 65 : i32
      %swap3A_542 = arith.constant 4 : i32
      %swap3A_543 = arith.index_cast %swap3A_541 : i32 to index
      %swap3A_544 = arith.index_cast %swap3A_542 : i32 to index
      %swap3A_545 = arith.constant 112 : index
      %swap3A_546 = tpu.vector_load %arg6[%swap3A_543, %swap3A_544, %swap3A_545] {strides = array<i32>} : memref<66x8x128xf32, #tpu.memory_space<vmem>>, vector<16xf32>,
      tpu.vector_store %arg6[%swap3A_543, %swap3A_544, %swap3A_545], %gather3A_498 {strides = array<i32>} : memref<66x8x128xf32, #tpu.memory_space<vmem>>, vector<16xf32>,
      %broadcast_in_dim3A_547 = arith.constant 0 : i32
      %broadcast_in_dim3A_548 = vector.broadcast %broadcast_in_dim3A_547 : i32 to vector<16xi32>
      %add3A_549 = arith.constant 5 : i32
      %add3A_550 = arith.addi %multiple_of3A_223, %add3A_549 : i32
      %broadcast_in_dim3A_551 = vector.broadcast %add3A_550 : i32 to vector<16xi32>
      %gather3A_552 = tpu.vector_load_idx %arg9[%broadcast_in_dim3A_548, %broadcast_in_dim3A_551] : memref<1x96xf32, #tpu.memory_space<vmem>>[vector<16xi32>, vector<16xi32>], vector<16xf32>,
      %swap3A_553 = arith.constant 65 : i32
      %swap3A_554 = arith.constant 5 : i32
      %swap3A_555 = arith.index_cast %swap3A_553 : i32 to index
      %swap3A_556 = arith.index_cast %swap3A_554 : i32 to index
      %swap3A_557 = arith.constant 0 : index
      %swap3A_558 = tpu.vector_load %arg6[%swap3A_555, %swap3A_556, %swap3A_557] {strides = array<i32>} : memref<66x8x128xf32, #tpu.memory_space<vmem>>, vector<16xf32>,
      tpu.vector_store %arg6[%swap3A_555, %swap3A_556, %swap3A_557], %gather3A_552 {strides = array<i32>} : memref<66x8x128xf32, #tpu.memory_space<vmem>>, vector<16xf32>,
      %swap3A_559 = arith.constant 65 : i32
      %swap3A_560 = arith.constant 5 : i32
      %swap3A_561 = arith.index_cast %swap3A_559 : i32 to index
      %swap3A_562 = arith.index_cast %swap3A_560 : i32 to index
      %swap3A_563 = arith.constant 16 : index
      %swap3A_564 = tpu.vector_load %arg6[%swap3A_561, %swap3A_562, %swap3A_563] {strides = array<i32>} : memref<66x8x128xf32, #tpu.memory_space<vmem>>, vector<16xf32>,
      tpu.vector_store %arg6[%swap3A_561, %swap3A_562, %swap3A_563], %gather3A_552 {strides = array<i32>} : memref<66x8x128xf32, #tpu.memory_space<vmem>>, vector<16xf32>,
      %swap3A_565 = arith.constant 65 : i32
      %swap3A_566 = arith.constant 5 : i32
      %swap3A_567 = arith.index_cast %swap3A_565 : i32 to index
      %swap3A_568 = arith.index_cast %swap3A_566 : i32 to index
      %swap3A_569 = arith.constant 32 : index
      %swap3A_570 = tpu.vector_load %arg6[%swap3A_567, %swap3A_568, %swap3A_569] {strides = array<i32>} : memref<66x8x128xf32, #tpu.memory_space<vmem>>, vector<16xf32>,
      tpu.vector_store %arg6[%swap3A_567, %swap3A_568, %swap3A_569], %gather3A_552 {strides = array<i32>} : memref<66x8x128xf32, #tpu.memory_space<vmem>>, vector<16xf32>,
      %swap3A_571 = arith.constant 65 : i32
      %swap3A_572 = arith.constant 5 : i32
      %swap3A_573 = arith.index_cast %swap3A_571 : i32 to index
      %swap3A_574 = arith.index_cast %swap3A_572 : i32 to index
      %swap3A_575 = arith.constant 48 : index
      %swap3A_576 = tpu.vector_load %arg6[%swap3A_573, %swap3A_574, %swap3A_575] {strides = array<i32>} : memref<66x8x128xf32, #tpu.memory_space<vmem>>, vector<16xf32>,
      tpu.vector_store %arg6[%swap3A_573, %swap3A_574, %swap3A_575], %gather3A_552 {strides = array<i32>} : memref<66x8x128xf32, #tpu.memory_space<vmem>>, vector<16xf32>,
      %swap3A_577 = arith.constant 65 : i32
      %swap3A_578 = arith.constant 5 : i32
      %swap3A_579 = arith.index_cast %swap3A_577 : i32 to index
      %swap3A_580 = arith.index_cast %swap3A_578 : i32 to index
      %swap3A_581 = arith.constant 64 : index
      %swap3A_582 = tpu.vector_load %arg6[%swap3A_579, %swap3A_580, %swap3A_581] {strides = array<i32>} : memref<66x8x128xf32, #tpu.memory_space<vmem>>, vector<16xf32>,
      tpu.vector_store %arg6[%swap3A_579, %swap3A_580, %swap3A_581], %gather3A_552 {strides = array<i32>} : memref<66x8x128xf32, #tpu.memory_space<vmem>>, vector<16xf32>,
      %swap3A_583 = arith.constant 65 : i32
      %swap3A_584 = arith.constant 5 : i32
      %swap3A_585 = arith.index_cast %swap3A_583 : i32 to index
      %swap3A_586 = arith.index_cast %swap3A_584 : i32 to index
      %swap3A_587 = arith.constant 80 : index
      %swap3A_588 = tpu.vector_load %arg6[%swap3A_585, %swap3A_586, %swap3A_587] {strides = array<i32>} : memref<66x8x128xf32, #tpu.memory_space<vmem>>, vector<16xf32>,
      tpu.vector_store %arg6[%swap3A_585, %swap3A_586, %swap3A_587], %gather3A_552 {strides = array<i32>} : memref<66x8x128xf32, #tpu.memory_space<vmem>>, vector<16xf32>,
      %swap3A_589 = arith.constant 65 : i32
      %swap3A_590 = arith.constant 5 : i32
      %swap3A_591 = arith.index_cast %swap3A_589 : i32 to index
      %swap3A_592 = arith.index_cast %swap3A_590 : i32 to index
      %swap3A_593 = arith.constant 96 : index
      %swap3A_594 = tpu.vector_load %arg6[%swap3A_591, %swap3A_592, %swap3A_593] {strides = array<i32>} : memref<66x8x128xf32, #tpu.memory_space<vmem>>, vector<16xf32>,
      tpu.vector_store %arg6[%swap3A_591, %swap3A_592, %swap3A_593], %gather3A_552 {strides = array<i32>} : memref<66x8x128xf32, #tpu.memory_space<vmem>>, vector<16xf32>,
      %swap3A_595 = arith.constant 65 : i32
      %swap3A_596 = arith.constant 5 : i32
      %swap3A_597 = arith.index_cast %swap3A_595 : i32 to index
      %swap3A_598 = arith.index_cast %swap3A_596 : i32 to index
      %swap3A_599 = arith.constant 112 : index
      %swap3A_600 = tpu.vector_load %arg6[%swap3A_597, %swap3A_598, %swap3A_599] {strides = array<i32>} : memref<66x8x128xf32, #tpu.memory_space<vmem>>, vector<16xf32>,
      tpu.vector_store %arg6[%swap3A_597, %swap3A_598, %swap3A_599], %gather3A_552 {strides = array<i32>} : memref<66x8x128xf32, #tpu.memory_space<vmem>>, vector<16xf32>,
      %broadcast_in_dim3A_601 = arith.constant 0 : i32
      %broadcast_in_dim3A_602 = vector.broadcast %broadcast_in_dim3A_601 : i32 to vector<16xi32>
      %add3A_603 = arith.constant 6 : i32
      %add3A_604 = arith.addi %multiple_of3A_223, %add3A_603 : i32
      %broadcast_in_dim3A_605 = vector.broadcast %add3A_604 : i32 to vector<16xi32>
      %gather3A_606 = tpu.vector_load_idx %arg9[%broadcast_in_dim3A_602, %broadcast_in_dim3A_605] : memref<1x96xf32, #tpu.memory_space<vmem>>[vector<16xi32>, vector<16xi32>], vector<16xf32>,
      %swap3A_607 = arith.constant 65 : i32
      %swap3A_608 = arith.constant 6 : i32
      %swap3A_609 = arith.index_cast %swap3A_607 : i32 to index
      %swap3A_610 = arith.index_cast %swap3A_608 : i32 to index
      %swap3A_611 = arith.constant 0 : index
      %swap3A_612 = tpu.vector_load %arg6[%swap3A_609, %swap3A_610, %swap3A_611] {strides = array<i32>} : memref<66x8x128xf32, #tpu.memory_space<vmem>>, vector<16xf32>,
      tpu.vector_store %arg6[%swap3A_609, %swap3A_610, %swap3A_611], %gather3A_606 {strides = array<i32>} : memref<66x8x128xf32, #tpu.memory_space<vmem>>, vector<16xf32>,
      %swap3A_613 = arith.constant 65 : i32
      %swap3A_614 = arith.constant 6 : i32
      %swap3A_615 = arith.index_cast %swap3A_613 : i32 to index
      %swap3A_616 = arith.index_cast %swap3A_614 : i32 to index
      %swap3A_617 = arith.constant 16 : index
      %swap3A_618 = tpu.vector_load %arg6[%swap3A_615, %swap3A_616, %swap3A_617] {strides = array<i32>} : memref<66x8x128xf32, #tpu.memory_space<vmem>>, vector<16xf32>,
      tpu.vector_store %arg6[%swap3A_615, %swap3A_616, %swap3A_617], %gather3A_606 {strides = array<i32>} : memref<66x8x128xf32, #tpu.memory_space<vmem>>, vector<16xf32>,
      %swap3A_619 = arith.constant 65 : i32
      %swap3A_620 = arith.constant 6 : i32
      %swap3A_621 = arith.index_cast %swap3A_619 : i32 to index
      %swap3A_622 = arith.index_cast %swap3A_620 : i32 to index
      %swap3A_623 = arith.constant 32 : index
      %swap3A_624 = tpu.vector_load %arg6[%swap3A_621, %swap3A_622, %swap3A_623] {strides = array<i32>} : memref<66x8x128xf32, #tpu.memory_space<vmem>>, vector<16xf32>,
      tpu.vector_store %arg6[%swap3A_621, %swap3A_622, %swap3A_623], %gather3A_606 {strides = array<i32>} : memref<66x8x128xf32, #tpu.memory_space<vmem>>, vector<16xf32>,
      %swap3A_625 = arith.constant 65 : i32
      %swap3A_626 = arith.constant 6 : i32
      %swap3A_627 = arith.index_cast %swap3A_625 : i32 to index
      %swap3A_628 = arith.index_cast %swap3A_626 : i32 to index
      %swap3A_629 = arith.constant 48 : index
      %swap3A_630 = tpu.vector_load %arg6[%swap3A_627, %swap3A_628, %swap3A_629] {strides = array<i32>} : memref<66x8x128xf32, #tpu.memory_space<vmem>>, vector<16xf32>,
      tpu.vector_store %arg6[%swap3A_627, %swap3A_628, %swap3A_629], %gather3A_606 {strides = array<i32>} : memref<66x8x128xf32, #tpu.memory_space<vmem>>, vector<16xf32>,
      %swap3A_631 = arith.constant 65 : i32
      %swap3A_632 = arith.constant 6 : i32
      %swap3A_633 = arith.index_cast %swap3A_631 : i32 to index
      %swap3A_634 = arith.index_cast %swap3A_632 : i32 to index
      %swap3A_635 = arith.constant 64 : index
      %swap3A_636 = tpu.vector_load %arg6[%swap3A_633, %swap3A_634, %swap3A_635] {strides = array<i32>} : memref<66x8x128xf32, #tpu.memory_space<vmem>>, vector<16xf32>,
      tpu.vector_store %arg6[%swap3A_633, %swap3A_634, %swap3A_635], %gather3A_606 {strides = array<i32>} : memref<66x8x128xf32, #tpu.memory_space<vmem>>, vector<16xf32>,
      %swap3A_637 = arith.constant 65 : i32
      %swap3A_638 = arith.constant 6 : i32
      %swap3A_639 = arith.index_cast %swap3A_637 : i32 to index
      %swap3A_640 = arith.index_cast %swap3A_638 : i32 to index
      %swap3A_641 = arith.constant 80 : index
      %swap3A_642 = tpu.vector_load %arg6[%swap3A_639, %swap3A_640, %swap3A_641] {strides = array<i32>} : memref<66x8x128xf32, #tpu.memory_space<vmem>>, vector<16xf32>,
      tpu.vector_store %arg6[%swap3A_639, %swap3A_640, %swap3A_641], %gather3A_606 {strides = array<i32>} : memref<66x8x128xf32, #tpu.memory_space<vmem>>, vector<16xf32>,
      %swap3A_643 = arith.constant 65 : i32
      %swap3A_644 = arith.constant 6 : i32
      %swap3A_645 = arith.index_cast %swap3A_643 : i32 to index
      %swap3A_646 = arith.index_cast %swap3A_644 : i32 to index
      %swap3A_647 = arith.constant 96 : index
      %swap3A_648 = tpu.vector_load %arg6[%swap3A_645, %swap3A_646, %swap3A_647] {strides = array<i32>} : memref<66x8x128xf32, #tpu.memory_space<vmem>>, vector<16xf32>,
      tpu.vector_store %arg6[%swap3A_645, %swap3A_646, %swap3A_647], %gather3A_606 {strides = array<i32>} : memref<66x8x128xf32, #tpu.memory_space<vmem>>, vector<16xf32>,
      %swap3A_649 = arith.constant 65 : i32
      %swap3A_650 = arith.constant 6 : i32
      %swap3A_651 = arith.index_cast %swap3A_649 : i32 to index
      %swap3A_652 = arith.index_cast %swap3A_650 : i32 to index
      %swap3A_653 = arith.constant 112 : index
      %swap3A_654 = tpu.vector_load %arg6[%swap3A_651, %swap3A_652, %swap3A_653] {strides = array<i32>} : memref<66x8x128xf32, #tpu.memory_space<vmem>>, vector<16xf32>,
      tpu.vector_store %arg6[%swap3A_651, %swap3A_652, %swap3A_653], %gather3A_606 {strides = array<i32>} : memref<66x8x128xf32, #tpu.memory_space<vmem>>, vector<16xf32>,
      %broadcast_in_dim3A_655 = arith.constant 0 : i32
      %broadcast_in_dim3A_656 = vector.broadcast %broadcast_in_dim3A_655 : i32 to vector<16xi32>
      %add3A_657 = arith.constant 7 : i32
      %add3A_658 = arith.addi %multiple_of3A_223, %add3A_657 : i32
      %broadcast_in_dim3A_659 = vector.broadcast %add3A_658 : i32 to vector<16xi32>
      %gather3A_660 = tpu.vector_load_idx %arg9[%broadcast_in_dim3A_656, %broadcast_in_dim3A_659] : memref<1x96xf32, #tpu.memory_space<vmem>>[vector<16xi32>, vector<16xi32>], vector<16xf32>,
      %swap3A_661 = arith.constant 65 : i32
      %swap3A_662 = arith.constant 7 : i32
      %swap3A_663 = arith.index_cast %swap3A_661 : i32 to index
      %swap3A_664 = arith.index_cast %swap3A_662 : i32 to index
      %swap3A_665 = arith.constant 0 : index
      %swap3A_666 = tpu.vector_load %arg6[%swap3A_663, %swap3A_664, %swap3A_665] {strides = array<i32>} : memref<66x8x128xf32, #tpu.memory_space<vmem>>, vector<16xf32>,
      tpu.vector_store %arg6[%swap3A_663, %swap3A_664, %swap3A_665], %gather3A_660 {strides = array<i32>} : memref<66x8x128xf32, #tpu.memory_space<vmem>>, vector<16xf32>,
      %swap3A_667 = arith.constant 65 : i32
      %swap3A_668 = arith.constant 7 : i32
      %swap3A_669 = arith.index_cast %swap3A_667 : i32 to index
      %swap3A_670 = arith.index_cast %swap3A_668 : i32 to index
      %swap3A_671 = arith.constant 16 : index
      %swap3A_672 = tpu.vector_load %arg6[%swap3A_669, %swap3A_670, %swap3A_671] {strides = array<i32>} : memref<66x8x128xf32, #tpu.memory_space<vmem>>, vector<16xf32>,
      tpu.vector_store %arg6[%swap3A_669, %swap3A_670, %swap3A_671], %gather3A_660 {strides = array<i32>} : memref<66x8x128xf32, #tpu.memory_space<vmem>>, vector<16xf32>,
      %swap3A_673 = arith.constant 65 : i32
      %swap3A_674 = arith.constant 7 : i32
      %swap3A_675 = arith.index_cast %swap3A_673 : i32 to index
      %swap3A_676 = arith.index_cast %swap3A_674 : i32 to index
      %swap3A_677 = arith.constant 32 : index
      %swap3A_678 = tpu.vector_load %arg6[%swap3A_675, %swap3A_676, %swap3A_677] {strides = array<i32>} : memref<66x8x128xf32, #tpu.memory_space<vmem>>, vector<16xf32>,
      tpu.vector_store %arg6[%swap3A_675, %swap3A_676, %swap3A_677], %gather3A_660 {strides = array<i32>} : memref<66x8x128xf32, #tpu.memory_space<vmem>>, vector<16xf32>,
      %swap3A_679 = arith.constant 65 : i32
      %swap3A_680 = arith.constant 7 : i32
      %swap3A_681 = arith.index_cast %swap3A_679 : i32 to index
      %swap3A_682 = arith.index_cast %swap3A_680 : i32 to index
      %swap3A_683 = arith.constant 48 : index
      %swap3A_684 = tpu.vector_load %arg6[%swap3A_681, %swap3A_682, %swap3A_683] {strides = array<i32>} : memref<66x8x128xf32, #tpu.memory_space<vmem>>, vector<16xf32>,
      tpu.vector_store %arg6[%swap3A_681, %swap3A_682, %swap3A_683], %gather3A_660 {strides = array<i32>} : memref<66x8x128xf32, #tpu.memory_space<vmem>>, vector<16xf32>,
      %swap3A_685 = arith.constant 65 : i32
      %swap3A_686 = arith.constant 7 : i32
      %swap3A_687 = arith.index_cast %swap3A_685 : i32 to index
      %swap3A_688 = arith.index_cast %swap3A_686 : i32 to index
      %swap3A_689 = arith.constant 64 : index
      %swap3A_690 = tpu.vector_load %arg6[%swap3A_687, %swap3A_688, %swap3A_689] {strides = array<i32>} : memref<66x8x128xf32, #tpu.memory_space<vmem>>, vector<16xf32>,
      tpu.vector_store %arg6[%swap3A_687, %swap3A_688, %swap3A_689], %gather3A_660 {strides = array<i32>} : memref<66x8x128xf32, #tpu.memory_space<vmem>>, vector<16xf32>,
      %swap3A_691 = arith.constant 65 : i32
      %swap3A_692 = arith.constant 7 : i32
      %swap3A_693 = arith.index_cast %swap3A_691 : i32 to index
      %swap3A_694 = arith.index_cast %swap3A_692 : i32 to index
      %swap3A_695 = arith.constant 80 : index
      %swap3A_696 = tpu.vector_load %arg6[%swap3A_693, %swap3A_694, %swap3A_695] {strides = array<i32>} : memref<66x8x128xf32, #tpu.memory_space<vmem>>, vector<16xf32>,
      tpu.vector_store %arg6[%swap3A_693, %swap3A_694, %swap3A_695], %gather3A_660 {strides = array<i32>} : memref<66x8x128xf32, #tpu.memory_space<vmem>>, vector<16xf32>,
      %swap3A_697 = arith.constant 65 : i32
      %swap3A_698 = arith.constant 7 : i32
      %swap3A_699 = arith.index_cast %swap3A_697 : i32 to index
      %swap3A_700 = arith.index_cast %swap3A_698 : i32 to index
      %swap3A_701 = arith.constant 96 : index
      %swap3A_702 = tpu.vector_load %arg6[%swap3A_699, %swap3A_700, %swap3A_701] {strides = array<i32>} : memref<66x8x128xf32, #tpu.memory_space<vmem>>, vector<16xf32>,
      tpu.vector_store %arg6[%swap3A_699, %swap3A_700, %swap3A_701], %gather3A_660 {strides = array<i32>} : memref<66x8x128xf32, #tpu.memory_space<vmem>>, vector<16xf32>,
      %swap3A_703 = arith.constant 65 : i32
      %swap3A_704 = arith.constant 7 : i32
      %swap3A_705 = arith.index_cast %swap3A_703 : i32 to index
      %swap3A_706 = arith.index_cast %swap3A_704 : i32 to index
      %swap3A_707 = arith.constant 112 : index
      %swap3A_708 = tpu.vector_load %arg6[%swap3A_705, %swap3A_706, %swap3A_707] {strides = array<i32>} : memref<66x8x128xf32, #tpu.memory_space<vmem>>, vector<16xf32>,
      tpu.vector_store %arg6[%swap3A_705, %swap3A_706, %swap3A_707], %gather3A_660 {strides = array<i32>} : memref<66x8x128xf32, #tpu.memory_space<vmem>>, vector<16xf32>,
      %mul3A_709 = arith.constant 3 : i32
      %mul3A_710 = arith.muli %add3A, %mul3A_709 : i32
      %add3A_711 = arith.addi %mul3A_710, %scan3A_190 : i32
      %jit3A_712 = arith.constant 8 : i32
      %div3A_713 = arith.divsi %add3A_711, %jit3A_712 : i32
      %sign3A_714 = arith.constant 0 : i32
      %sign3A_715 = arith.cmpi sgt, %add3A_711, %sign3A_714 : i32
      %sign3A_716 = arith.extui %sign3A_715 : i1 to i32
      %sign3A_717 = arith.constant 0 : i32
      %sign3A_718 = arith.cmpi slt, %add3A_711, %sign3A_717 : i32
      %sign3A_719 = arith.extui %sign3A_718 : i1 to i32
      %sign3A_720 = arith.subi %sign3A_716, %sign3A_719 : i32
      %sign3A_721 = arith.constant 0 : i32
      %sign3A_722 = arith.cmpi sgt, %jit3A_712, %sign3A_721 : i32
      %sign3A_723 = arith.extui %sign3A_722 : i1 to i32
      %sign3A_724 = arith.constant 0 : i32
      %sign3A_725 = arith.cmpi slt, %jit3A_712, %sign3A_724 : i32
      %sign3A_726 = arith.extui %sign3A_725 : i1 to i32
      %sign3A_727 = arith.subi %sign3A_723, %sign3A_726 : i32
      %ne3A_728 = arith.cmpi ne, %sign3A_720, %sign3A_727 : i32
      %rem3A_729 = arith.remsi %add3A_711, %jit3A_712 : i32
      %ne3A_730 = arith.constant 0 : i32
      %ne3A_731 = arith.cmpi ne, %rem3A_729, %ne3A_730 : i32
      %and3A_732 = arith.andi %ne3A_728, %ne3A_731 : i1
      %sub3A_733 = arith.constant 1 : i32
      %sub3A_734 = arith.subi %div3A_713, %sub3A_733 : i32
      %select_n3A_735 = arith.select %and3A_732, %sub3A_734, %div3A_713 : i32
      %mul3A_736 = arith.constant 8 : i32
      %mul3A_737 = arith.muli %select_n3A_735, %mul3A_736 : i32
      %sub3A_738 = arith.subi %add3A_711, %mul3A_737 : i32
      %mul3A_739 = arith.constant 8 : i32
      %mul3A_740 = arith.muli %select_n3A_735, %mul3A_739 : i32
      %multiple_of3A_741 = tpu.assume_multiple %mul3A_740, 8 : i32
      %jit3A_742 = arith.constant 2 : i32
      %div3A_743 = arith.divsi %sub3A_738, %jit3A_742 : i32
      %sign3A_744 = arith.constant 0 : i32
      %sign3A_745 = arith.cmpi sgt, %sub3A_738, %sign3A_744 : i32
      %sign3A_746 = arith.extui %sign3A_745 : i1 to i32
      %sign3A_747 = arith.constant 0 : i32
      %sign3A_748 = arith.cmpi slt, %sub3A_738, %sign3A_747 : i32
      %sign3A_749 = arith.extui %sign3A_748 : i1 to i32
      %sign3A_750 = arith.subi %sign3A_746, %sign3A_749 : i32
      %sign3A_751 = arith.constant 0 : i32
      %sign3A_752 = arith.cmpi sgt, %jit3A_742, %sign3A_751 : i32
      %sign3A_753 = arith.extui %sign3A_752 : i1 to i32
      %sign3A_754 = arith.constant 0 : i32
      %sign3A_755 = arith.cmpi slt, %jit3A_742, %sign3A_754 : i32
      %sign3A_756 = arith.extui %sign3A_755 : i1 to i32
      %sign3A_757 = arith.subi %sign3A_753, %sign3A_756 : i32
      %ne3A_758 = arith.cmpi ne, %sign3A_750, %sign3A_757 : i32
      %rem3A_759 = arith.remsi %sub3A_738, %jit3A_742 : i32
      %ne3A_760 = arith.constant 0 : i32
      %ne3A_761 = arith.cmpi ne, %rem3A_759, %ne3A_760 : i32
      %and3A_762 = arith.andi %ne3A_758, %ne3A_761 : i1
      %sub3A_763 = arith.constant 1 : i32
      %sub3A_764 = arith.subi %div3A_743, %sub3A_763 : i32
      %select_n3A_765 = arith.select %and3A_762, %sub3A_764, %div3A_743 : i32
      %mul3A_766 = arith.constant 128 : i32
      %mul3A_767 = arith.muli %select_n3A_765, %mul3A_766 : i32
      %multiple_of3A_768 = tpu.assume_multiple %mul3A_767, 128 : i32
      %jit3A_769 = arith.constant 2 : i32
      %div3A_770 = arith.divsi %sub3A_738, %jit3A_769 : i32
      %sign3A_771 = arith.constant 0 : i32
      %sign3A_772 = arith.cmpi sgt, %sub3A_738, %sign3A_771 : i32
      %sign3A_773 = arith.extui %sign3A_772 : i1 to i32
      %sign3A_774 = arith.constant 0 : i32
      %sign3A_775 = arith.cmpi slt, %sub3A_738, %sign3A_774 : i32
      %sign3A_776 = arith.extui %sign3A_775 : i1 to i32
      %sign3A_777 = arith.subi %sign3A_773, %sign3A_776 : i32
      %sign3A_778 = arith.constant 0 : i32
      %sign3A_779 = arith.cmpi sgt, %jit3A_769, %sign3A_778 : i32
      %sign3A_780 = arith.extui %sign3A_779 : i1 to i32
      %sign3A_781 = arith.constant 0 : i32
      %sign3A_782 = arith.cmpi slt, %jit3A_769, %sign3A_781 : i32
      %sign3A_783 = arith.extui %sign3A_782 : i1 to i32
      %sign3A_784 = arith.subi %sign3A_780, %sign3A_783 : i32
      %ne3A_785 = arith.cmpi ne, %sign3A_777, %sign3A_784 : i32
      %rem3A_786 = arith.remsi %sub3A_738, %jit3A_769 : i32
      %ne3A_787 = arith.constant 0 : i32
      %ne3A_788 = arith.cmpi ne, %rem3A_786, %ne3A_787 : i32
      %and3A_789 = arith.andi %ne3A_785, %ne3A_788 : i1
      %sub3A_790 = arith.constant 1 : i32
      %sub3A_791 = arith.subi %div3A_770, %sub3A_790 : i32
      %select_n3A_792 = arith.select %and3A_789, %sub3A_791, %div3A_770 : i32
      %mul3A_793 = arith.constant 2 : i32
      %mul3A_794 = arith.muli %select_n3A_792, %mul3A_793 : i32
      %sub3A_795 = arith.subi %sub3A_738, %mul3A_794 : i32
      %mul3A_796 = arith.constant 128 : i32
      %mul3A_797 = arith.muli %sub3A_795, %mul3A_796 : i32
      %dma_wait3A = arith.constant 0 : i32
      %dma_wait3A_798 = arith.constant 0 : i32
      %dma_wait3A_799 = arith.constant 0 : i32
      %dma_wait3A_800 = tpu.memref_slice %arg6[%dma_wait3A, %dma_wait3A_798, %dma_wait3A_799] : memref<66x8x128xf32, #tpu.memory_space<vmem>> -> memref<65x8x128xf32, #tpu.memory_space<vmem>>
      %dma_wait3A_801 = arith.constant 0 : i32
      %dma_wait3A_802 = tpu.memref_slice %arg2[%dma_wait3A_801, %multiple_of3A_741, %multiple_of3A_768] : memref<65x96x512xf32, #tpu.memory_space<hbm>> -> memref<65x8x128xf32, #tpu.memory_space<hbm>>
      %dma_wait3A_803 = arith.constant 0 : i32
      %dma_wait3A_804 = arith.constant 0 : i32
      %dma_wait3A_805 = arith.constant 0 : i32
      %dma_wait3A_806 = tpu.memref_slice %arg6[%dma_wait3A_803, %dma_wait3A_804, %dma_wait3A_805] : memref<66x8x128xf32, #tpu.memory_space<vmem>> -> memref<65x8x128xf32, #tpu.memory_space<vmem>>
      %dma_wait3A_807 = arith.constant 0 : i32
      %dma_wait3A_808 = tpu.memref_slice %arg2[%dma_wait3A_807, %multiple_of3A_741, %multiple_of3A_768] : memref<65x96x512xf32, #tpu.memory_space<hbm>> -> memref<65x8x128xf32, #tpu.memory_space<hbm>>
      tpu.wait_dma2 semaphore(%arg10 : memref<!tpu.dma_semaphore, #tpu.memory_space<semaphore_mem>>) src(%dma_wait3A_808 : memref<65x8x128xf32, #tpu.memory_space<hbm>>) dst(%dma_wait3A_806 : memref<65x8x128xf32, #tpu.memory_space<vmem>>)
      %mul3A_809 = arith.constant 3 : i32
      %mul3A_810 = arith.muli %add3A, %mul3A_809 : i32
      %add3A_811 = arith.addi %mul3A_810, %scan3A_190 : i32
      %jit3A_812 = arith.constant 8 : i32
      %div3A_813 = arith.divsi %add3A_811, %jit3A_812 : i32
      %sign3A_814 = arith.constant 0 : i32
      %sign3A_815 = arith.cmpi sgt, %add3A_811, %sign3A_814 : i32
      %sign3A_816 = arith.extui %sign3A_815 : i1 to i32
      %sign3A_817 = arith.constant 0 : i32
      %sign3A_818 = arith.cmpi slt, %add3A_811, %sign3A_817 : i32
      %sign3A_819 = arith.extui %sign3A_818 : i1 to i32
      %sign3A_820 = arith.subi %sign3A_816, %sign3A_819 : i32
      %sign3A_821 = arith.constant 0 : i32
      %sign3A_822 = arith.cmpi sgt, %jit3A_812, %sign3A_821 : i32
      %sign3A_823 = arith.extui %sign3A_822 : i1 to i32
      %sign3A_824 = arith.constant 0 : i32
      %sign3A_825 = arith.cmpi slt, %jit3A_812, %sign3A_824 : i32
      %sign3A_826 = arith.extui %sign3A_825 : i1 to i32
      %sign3A_827 = arith.subi %sign3A_823, %sign3A_826 : i32
      %ne3A_828 = arith.cmpi ne, %sign3A_820, %sign3A_827 : i32
      %rem3A_829 = arith.remsi %add3A_811, %jit3A_812 : i32
      %ne3A_830 = arith.constant 0 : i32
      %ne3A_831 = arith.cmpi ne, %rem3A_829, %ne3A_830 : i32
      %and3A_832 = arith.andi %ne3A_828, %ne3A_831 : i1
      %sub3A_833 = arith.constant 1 : i32
      %sub3A_834 = arith.subi %div3A_813, %sub3A_833 : i32
      %select_n3A_835 = arith.select %and3A_832, %sub3A_834, %div3A_813 : i32
      %mul3A_836 = arith.constant 8 : i32
      %mul3A_837 = arith.muli %select_n3A_835, %mul3A_836 : i32
      %sub3A_838 = arith.subi %add3A_811, %mul3A_837 : i32
      %mul3A_839 = arith.constant 8 : i32
      %mul3A_840 = arith.muli %select_n3A_835, %mul3A_839 : i32
      %multiple_of3A_841 = tpu.assume_multiple %mul3A_840, 8 : i32
      %jit3A_842 = arith.constant 2 : i32
      %div3A_843 = arith.divsi %sub3A_838, %jit3A_842 : i32
      %sign3A_844 = arith.constant 0 : i32
      %sign3A_845 = arith.cmpi sgt, %sub3A_838, %sign3A_844 : i32
      %sign3A_846 = arith.extui %sign3A_845 : i1 to i32
      %sign3A_847 = arith.constant 0 : i32
      %sign3A_848 = arith.cmpi slt, %sub3A_838, %sign3A_847 : i32
      %sign3A_849 = arith.extui %sign3A_848 : i1 to i32
      %sign3A_850 = arith.subi %sign3A_846, %sign3A_849 : i32
      %sign3A_851 = arith.constant 0 : i32
      %sign3A_852 = arith.cmpi sgt, %jit3A_842, %sign3A_851 : i32
      %sign3A_853 = arith.extui %sign3A_852 : i1 to i32
      %sign3A_854 = arith.constant 0 : i32
      %sign3A_855 = arith.cmpi slt, %jit3A_842, %sign3A_854 : i32
      %sign3A_856 = arith.extui %sign3A_855 : i1 to i32
      %sign3A_857 = arith.subi %sign3A_853, %sign3A_856 : i32
      %ne3A_858 = arith.cmpi ne, %sign3A_850, %sign3A_857 : i32
      %rem3A_859 = arith.remsi %sub3A_838, %jit3A_842 : i32
      %ne3A_860 = arith.constant 0 : i32
      %ne3A_861 = arith.cmpi ne, %rem3A_859, %ne3A_860 : i32
      %and3A_862 = arith.andi %ne3A_858, %ne3A_861 : i1
      %sub3A_863 = arith.constant 1 : i32
      %sub3A_864 = arith.subi %div3A_843, %sub3A_863 : i32
      %select_n3A_865 = arith.select %and3A_862, %sub3A_864, %div3A_843 : i32
      %mul3A_866 = arith.constant 128 : i32
      %mul3A_867 = arith.muli %select_n3A_865, %mul3A_866 : i32
      %multiple_of3A_868 = tpu.assume_multiple %mul3A_867, 128 : i32
      %jit3A_869 = arith.constant 2 : i32
      %div3A_870 = arith.divsi %sub3A_838, %jit3A_869 : i32
      %sign3A_871 = arith.constant 0 : i32
      %sign3A_872 = arith.cmpi sgt, %sub3A_838, %sign3A_871 : i32
      %sign3A_873 = arith.extui %sign3A_872 : i1 to i32
      %sign3A_874 = arith.constant 0 : i32
      %sign3A_875 = arith.cmpi slt, %sub3A_838, %sign3A_874 : i32
      %sign3A_876 = arith.extui %sign3A_875 : i1 to i32
      %sign3A_877 = arith.subi %sign3A_873, %sign3A_876 : i32
      %sign3A_878 = arith.constant 0 : i32
      %sign3A_879 = arith.cmpi sgt, %jit3A_869, %sign3A_878 : i32
      %sign3A_880 = arith.extui %sign3A_879 : i1 to i32
      %sign3A_881 = arith.constant 0 : i32
      %sign3A_882 = arith.cmpi slt, %jit3A_869, %sign3A_881 : i32
      %sign3A_883 = arith.extui %sign3A_882 : i1 to i32
      %sign3A_884 = arith.subi %sign3A_880, %sign3A_883 : i32
      %ne3A_885 = arith.cmpi ne, %sign3A_877, %sign3A_884 : i32
      %rem3A_886 = arith.remsi %sub3A_838, %jit3A_869 : i32
      %ne3A_887 = arith.constant 0 : i32
      %ne3A_888 = arith.cmpi ne, %rem3A_886, %ne3A_887 : i32
      %and3A_889 = arith.andi %ne3A_885, %ne3A_888 : i1
      %sub3A_890 = arith.constant 1 : i32
      %sub3A_891 = arith.subi %div3A_870, %sub3A_890 : i32
      %select_n3A_892 = arith.select %and3A_889, %sub3A_891, %div3A_870 : i32
      %mul3A_893 = arith.constant 2 : i32
      %mul3A_894 = arith.muli %select_n3A_892, %mul3A_893 : i32
      %sub3A_895 = arith.subi %sub3A_838, %mul3A_894 : i32
      %mul3A_896 = arith.constant 128 : i32
      %mul3A_897 = arith.muli %sub3A_895, %mul3A_896 : i32
      %dma_wait3A_898 = tpu.memref_slice %arg3[%multiple_of3A_868, %mul3A_897] : memref<512x256xi32, #tpu.memory_space<hbm>> -> memref<128x128xi32, #tpu.memory_space<hbm>>
      %dma_wait3A_899 = tpu.memref_slice %arg3[%multiple_of3A_868, %mul3A_897] : memref<512x256xi32, #tpu.memory_space<hbm>> -> memref<128x128xi32, #tpu.memory_space<hbm>>
      tpu.wait_dma2 semaphore(%arg13 : memref<!tpu.dma_semaphore, #tpu.memory_space<semaphore_mem>>) src(%dma_wait3A_899 : memref<128x128xi32, #tpu.memory_space<hbm>>) dst(%arg7 : memref<128x128xi32, #tpu.memory_space<vmem>>)
      %eq3A = arith.constant 0 : i32
      %eq3A_900 = arith.cmpi eq, %sub3A_277, %eq3A : i32
      %convert_element_type3A = arith.extui %eq3A_900 : i1 to i32
      %cond3A = arith.constant 0 : i32
      %cond3A_901 = arith.cmpi ne, %convert_element_type3A, %cond3A : i32
      scf.if %cond3A_901 {
        %dma_start3A_954 = arith.constant 0 : i32
        %dma_start3A_955 = arith.constant 0 : i32
        %dma_start3A_956 = arith.constant 0 : i32
        %dma_start3A_957 = tpu.memref_slice %arg6[%dma_start3A_954, %dma_start3A_955, %dma_start3A_956] : memref<66x8x128xf32, #tpu.memory_space<vmem>> -> memref<1x8x128xf32, #tpu.memory_space<vmem>>
        %dma_start3A_958 = arith.constant 0 : i32
        %dma_start3A_959 = tpu.memref_slice %arg5[%dma_start3A_958, %multiple_of3A_223, %multiple_of3A_250] : memref<257x96x512xf32, #tpu.memory_space<hbm>> -> memref<1x8x128xf32, #tpu.memory_space<hbm>>
        %dma_start3A_960 = arith.constant 0 : i32
        %dma_start3A_961 = tpu.memref_slice %arg5[%dma_start3A_960, %multiple_of3A_223, %multiple_of3A_250] : memref<257x96x512xf32, #tpu.memory_space<hbm>> -> memref<1x8x128xf32, #tpu.memory_space<hbm>>
        %dma_start3A_962 = arith.constant 0 : i32
        %dma_start3A_963 = arith.constant 0 : i32
        %dma_start3A_964 = arith.constant 0 : i32
        %dma_start3A_965 = tpu.memref_slice %arg6[%dma_start3A_962, %dma_start3A_963, %dma_start3A_964] : memref<66x8x128xf32, #tpu.memory_space<vmem>> -> memref<1x8x128xf32, #tpu.memory_space<vmem>>
        tpu.enqueue_dma source(%dma_start3A_965 : memref<1x8x128xf32, #tpu.memory_space<vmem>>) target(%dma_start3A_961 : memref<1x8x128xf32, #tpu.memory_space<hbm>>) target_semaphore(%arg12 : memref<!tpu.dma_semaphore, #tpu.memory_space<semaphore_mem>>)
        %dma_wait3A_966 = arith.constant 0 : i32
        %dma_wait3A_967 = arith.constant 0 : i32
        %dma_wait3A_968 = arith.constant 0 : i32
        %dma_wait3A_969 = tpu.memref_slice %arg6[%dma_wait3A_966, %dma_wait3A_967, %dma_wait3A_968] : memref<66x8x128xf32, #tpu.memory_space<vmem>> -> memref<1x8x128xf32, #tpu.memory_space<vmem>>
        %dma_wait3A_970 = arith.constant 0 : i32
        %dma_wait3A_971 = tpu.memref_slice %arg5[%dma_wait3A_970, %multiple_of3A_223, %multiple_of3A_250] : memref<257x96x512xf32, #tpu.memory_space<hbm>> -> memref<1x8x128xf32, #tpu.memory_space<hbm>>
        %dma_wait3A_972 = arith.constant 0 : i32
        %dma_wait3A_973 = tpu.memref_slice %arg5[%dma_wait3A_972, %multiple_of3A_223, %multiple_of3A_250] : memref<257x96x512xf32, #tpu.memory_space<hbm>> -> memref<1x8x128xf32, #tpu.memory_space<hbm>>
        %dma_wait3A_974 = arith.constant 0 : i32
        %dma_wait3A_975 = arith.constant 0 : i32
        %dma_wait3A_976 = arith.constant 0 : i32
        %dma_wait3A_977 = tpu.memref_slice %arg6[%dma_wait3A_974, %dma_wait3A_975, %dma_wait3A_976] : memref<66x8x128xf32, #tpu.memory_space<vmem>> -> memref<1x8x128xf32, #tpu.memory_space<vmem>>
        tpu.wait_dma2 semaphore(%arg12 : memref<!tpu.dma_semaphore, #tpu.memory_space<semaphore_mem>>) src(%dma_wait3A_977 : memref<1x8x128xf32, #tpu.memory_space<vmem>>) dst(%dma_wait3A_973 : memref<1x8x128xf32, #tpu.memory_space<hbm>>)
      } else {
      }
      %scan3A_902 = arith.constant 0 : i32
      %scan3A_903 = arith.constant 0 : i32
      %scan3A_904 = arith.constant 16 : i32
      %scan3A_905 = arith.addi %scan3A_903, %scan3A_904 : i32
      %scan3A_906 = arith.constant 1 : i32
      scf.for %scan3A_954 = %scan3A_903 to %scan3A_905 step %scan3A_906  : i32 {
        %rem3A_955 = arith.constant 2 : i32
        %rem3A_956 = arith.remsi %scan3A_954, %rem3A_955 : i32
        %ge3A = arith.constant 2 : i32
        %ge3A_957 = arith.cmpi sge, %scan3A_954, %ge3A : i32
        %convert_element_type3A_958 = arith.extui %ge3A_957 : i1 to i32
        %cond3A_959 = arith.constant 0 : i32
        %cond3A_960 = arith.cmpi ne, %convert_element_type3A_958, %cond3A_959 : i32
        scf.if %cond3A_960 {
          %sub3A_982 = arith.constant 2 : i32
          %sub3A_983 = arith.subi %scan3A_954, %sub3A_982 : i32
          %mul3A_984 = arith.constant 8 : i32
          %mul3A_985 = arith.muli %sub3A_983, %mul3A_984 : i32
          %add3A_986 = arith.addi %mul3A_279, %mul3A_985 : i32
          %add3A_987 = arith.constant 1 : i32
          %add3A_988 = arith.addi %add3A_986, %add3A_987 : i32
          %dma_wait3A_989 = arith.constant 0 : i32
          %dma_wait3A_990 = arith.constant 0 : i32
          %dma_wait3A_991 = arith.constant 0 : i32
          %dma_wait3A_992 = tpu.memref_slice %arg8[%rem3A_956, %dma_wait3A_989, %dma_wait3A_990, %dma_wait3A_991] : memref<2x8x8x128xf32, #tpu.memory_space<vmem>> -> memref<1x8x8x128xf32, #tpu.memory_space<vmem>>
          %dma_wait3A_993 = tpu.memref_squeeze %dma_wait3A_992 : memref<1x8x8x128xf32, #tpu.memory_space<vmem>> -> memref<8x8x128xf32, #tpu.memory_space<vmem>>
          %dma_wait3A_994 = tpu.memref_slice %arg5[%add3A_988, %multiple_of3A_223, %multiple_of3A_250] : memref<257x96x512xf32, #tpu.memory_space<hbm>> -> memref<8x8x128xf32, #tpu.memory_space<hbm>>
          %dma_wait3A_995 = tpu.memref_slice %arg11[%rem3A_956] : memref<2x!tpu.dma_semaphore, #tpu.memory_space<semaphore_mem>> -> memref<1x!tpu.dma_semaphore, #tpu.memory_space<semaphore_mem>>
          %dma_wait3A_996 = tpu.memref_squeeze %dma_wait3A_995 : memref<1x!tpu.dma_semaphore, #tpu.memory_space<semaphore_mem>> -> memref<!tpu.dma_semaphore, #tpu.memory_space<semaphore_mem>>
          %dma_wait3A_997 = tpu.memref_slice %arg5[%add3A_988, %multiple_of3A_223, %multiple_of3A_250] : memref<257x96x512xf32, #tpu.memory_space<hbm>> -> memref<8x8x128xf32, #tpu.memory_space<hbm>>
          %dma_wait3A_998 = arith.constant 0 : i32
          %dma_wait3A_999 = arith.constant 0 : i32
          %dma_wait3A_1000 = arith.constant 0 : i32
          %dma_wait3A_1001 = tpu.memref_slice %arg8[%rem3A_956, %dma_wait3A_998, %dma_wait3A_999, %dma_wait3A_1000] : memref<2x8x8x128xf32, #tpu.memory_space<vmem>> -> memref<1x8x8x128xf32, #tpu.memory_space<vmem>>
          %dma_wait3A_1002 = tpu.memref_squeeze %dma_wait3A_1001 : memref<1x8x8x128xf32, #tpu.memory_space<vmem>> -> memref<8x8x128xf32, #tpu.memory_space<vmem>>
          tpu.wait_dma2 semaphore(%dma_wait3A_996 : memref<!tpu.dma_semaphore, #tpu.memory_space<semaphore_mem>>) src(%dma_wait3A_1002 : memref<8x8x128xf32, #tpu.memory_space<vmem>>) dst(%dma_wait3A_997 : memref<8x8x128xf32, #tpu.memory_space<hbm>>)
        } else {
        }
        %parallel_loop3A = arith.constant 0 : i32
        %parallel_loop3A_961 = arith.constant 8 : i32
        %parallel_loop3A_962 = arith.constant 1 : i32
        scf.for %parallel_loop3A_982 = %parallel_loop3A to %parallel_loop3A_961 step %parallel_loop3A_962  : i32 {
          %parallel_loop3A_983 = arith.constant 8 : i32
          %parallel_loop3A_984 = arith.muli %scan3A_954, %parallel_loop3A_983 : i32
          %parallel_loop3A_985 = arith.addi %parallel_loop3A_984, %parallel_loop3A_982 : i32
          %parallel_loop3A_986 = arith.constant 0 : i32
          %parallel_loop3A_987 = vector.broadcast %parallel_loop3A_986 : i32 to vector<16xi32>
          %parallel_loop3A_988 = arith.addi %parallel_loop3A_987, %iota3A : vector<16xi32>
          %parallel_loop3A_989 = vector.broadcast %parallel_loop3A_985 : i32 to vector<16xi32>
          %parallel_loop3A_990 = tpu.vector_load_idx %arg7[%parallel_loop3A_988, %parallel_loop3A_989] : memref<128x128xi32, #tpu.memory_space<vmem>>[vector<16xi32>, vector<16xi32>], vector<16xi32>,
          %parallel_loop3A_991 = arith.constant 64 : i32
          %parallel_loop3A_992 = vector.broadcast %parallel_loop3A_991 : i32 to vector<16xi32>
          %parallel_loop3A_993 = arith.cmpi slt, %parallel_loop3A_990, %parallel_loop3A_992 : vector<16xi32>
          %parallel_loop3A_994 = arith.constant 1 : i32
          %parallel_loop3A_995 = vector.broadcast %parallel_loop3A_994 : i32 to vector<16xi32>
          %parallel_loop3A_996 = arith.addi %parallel_loop3A_990, %parallel_loop3A_995 : vector<16xi32>
          %parallel_loop3A_997 = arith.constant 65 : i32
          %parallel_loop3A_998 = vector.broadcast %parallel_loop3A_997 : i32 to vector<16xi32>
          %parallel_loop3A_999 = arith.select %parallel_loop3A_993, %parallel_loop3A_996, %parallel_loop3A_998 : vector<16xi1>, vector<16xi32>
          %parallel_loop3A_1000 = arith.constant 0 : i32
          %parallel_loop3A_1001 = vector.broadcast %parallel_loop3A_1000 : i32 to vector<16xi32>
          %parallel_loop3A_1002 = tpu.vector_load_idx %arg6[%parallel_loop3A_999, %parallel_loop3A_1001, %parallel_loop3A_988] : memref<66x8x128xf32, #tpu.memory_space<vmem>>[vector<16xi32>, vector<16xi32>, vector<16xi32>], vector<16xf32>,
          %parallel_loop3A_1003 = arith.constant 0 : i32
          %parallel_loop3A_1004 = arith.index_cast %rem3A_956 : i32 to index
          %parallel_loop3A_1005 = arith.index_cast %parallel_loop3A_982 : i32 to index
          %parallel_loop3A_1006 = arith.index_cast %parallel_loop3A_1003 : i32 to index
          %parallel_loop3A_1007 = arith.constant 0 : index
          %parallel_loop3A_1008 = tpu.vector_load %arg8[%parallel_loop3A_1004, %parallel_loop3A_1005, %parallel_loop3A_1006, %parallel_loop3A_1007] {strides = array<i32>} : memref<2x8x8x128xf32, #tpu.memory_space<vmem>>, vector<16xf32>,
          tpu.vector_store %arg8[%parallel_loop3A_1004, %parallel_loop3A_1005, %parallel_loop3A_1006, %parallel_loop3A_1007], %parallel_loop3A_1002 {strides = array<i32>} : memref<2x8x8x128xf32, #tpu.memory_space<vmem>>, vector<16xf32>,
          %parallel_loop3A_1009 = arith.constant 1 : i32
          %parallel_loop3A_1010 = vector.broadcast %parallel_loop3A_1009 : i32 to vector<16xi32>
          %parallel_loop3A_1011 = tpu.vector_load_idx %arg6[%parallel_loop3A_999, %parallel_loop3A_1010, %parallel_loop3A_988] : memref<66x8x128xf32, #tpu.memory_space<vmem>>[vector<16xi32>, vector<16xi32>, vector<16xi32>], vector<16xf32>,
          %parallel_loop3A_1012 = arith.constant 1 : i32
          %parallel_loop3A_1013 = arith.index_cast %rem3A_956 : i32 to index
          %parallel_loop3A_1014 = arith.index_cast %parallel_loop3A_982 : i32 to index
          %parallel_loop3A_1015 = arith.index_cast %parallel_loop3A_1012 : i32 to index
          %parallel_loop3A_1016 = arith.constant 0 : index
          %parallel_loop3A_1017 = tpu.vector_load %arg8[%parallel_loop3A_1013, %parallel_loop3A_1014, %parallel_loop3A_1015, %parallel_loop3A_1016] {strides = array<i32>} : memref<2x8x8x128xf32, #tpu.memory_space<vmem>>, vector<16xf32>,
          tpu.vector_store %arg8[%parallel_loop3A_1013, %parallel_loop3A_1014, %parallel_loop3A_1015, %parallel_loop3A_1016], %parallel_loop3A_1011 {strides = array<i32>} : memref<2x8x8x128xf32, #tpu.memory_space<vmem>>, vector<16xf32>,
          %parallel_loop3A_1018 = arith.constant 2 : i32
          %parallel_loop3A_1019 = vector.broadcast %parallel_loop3A_1018 : i32 to vector<16xi32>
          %parallel_loop3A_1020 = tpu.vector_load_idx %arg6[%parallel_loop3A_999, %parallel_loop3A_1019, %parallel_loop3A_988] : memref<66x8x128xf32, #tpu.memory_space<vmem>>[vector<16xi32>, vector<16xi32>, vector<16xi32>], vector<16xf32>,
          %parallel_loop3A_1021 = arith.constant 2 : i32
          %parallel_loop3A_1022 = arith.index_cast %rem3A_956 : i32 to index
          %parallel_loop3A_1023 = arith.index_cast %parallel_loop3A_982 : i32 to index
          %parallel_loop3A_1024 = arith.index_cast %parallel_loop3A_1021 : i32 to index
          %parallel_loop3A_1025 = arith.constant 0 : index
          %parallel_loop3A_1026 = tpu.vector_load %arg8[%parallel_loop3A_1022, %parallel_loop3A_1023, %parallel_loop3A_1024, %parallel_loop3A_1025] {strides = array<i32>} : memref<2x8x8x128xf32, #tpu.memory_space<vmem>>, vector<16xf32>,
          tpu.vector_store %arg8[%parallel_loop3A_1022, %parallel_loop3A_1023, %parallel_loop3A_1024, %parallel_loop3A_1025], %parallel_loop3A_1020 {strides = array<i32>} : memref<2x8x8x128xf32, #tpu.memory_space<vmem>>, vector<16xf32>,
          %parallel_loop3A_1027 = arith.constant 3 : i32
          %parallel_loop3A_1028 = vector.broadcast %parallel_loop3A_1027 : i32 to vector<16xi32>
          %parallel_loop3A_1029 = tpu.vector_load_idx %arg6[%parallel_loop3A_999, %parallel_loop3A_1028, %parallel_loop3A_988] : memref<66x8x128xf32, #tpu.memory_space<vmem>>[vector<16xi32>, vector<16xi32>, vector<16xi32>], vector<16xf32>,
          %parallel_loop3A_1030 = arith.constant 3 : i32
          %parallel_loop3A_1031 = arith.index_cast %rem3A_956 : i32 to index
          %parallel_loop3A_1032 = arith.index_cast %parallel_loop3A_982 : i32 to index
          %parallel_loop3A_1033 = arith.index_cast %parallel_loop3A_1030 : i32 to index
          %parallel_loop3A_1034 = arith.constant 0 : index
          %parallel_loop3A_1035 = tpu.vector_load %arg8[%parallel_loop3A_1031, %parallel_loop3A_1032, %parallel_loop3A_1033, %parallel_loop3A_1034] {strides = array<i32>} : memref<2x8x8x128xf32, #tpu.memory_space<vmem>>, vector<16xf32>,
          tpu.vector_store %arg8[%parallel_loop3A_1031, %parallel_loop3A_1032, %parallel_loop3A_1033, %parallel_loop3A_1034], %parallel_loop3A_1029 {strides = array<i32>} : memref<2x8x8x128xf32, #tpu.memory_space<vmem>>, vector<16xf32>,
          %parallel_loop3A_1036 = arith.constant 4 : i32
          %parallel_loop3A_1037 = vector.broadcast %parallel_loop3A_1036 : i32 to vector<16xi32>
          %parallel_loop3A_1038 = tpu.vector_load_idx %arg6[%parallel_loop3A_999, %parallel_loop3A_1037, %parallel_loop3A_988] : memref<66x8x128xf32, #tpu.memory_space<vmem>>[vector<16xi32>, vector<16xi32>, vector<16xi32>], vector<16xf32>,
          %parallel_loop3A_1039 = arith.constant 4 : i32
          %parallel_loop3A_1040 = arith.index_cast %rem3A_956 : i32 to index
          %parallel_loop3A_1041 = arith.index_cast %parallel_loop3A_982 : i32 to index
          %parallel_loop3A_1042 = arith.index_cast %parallel_loop3A_1039 : i32 to index
          %parallel_loop3A_1043 = arith.constant 0 : index
          %parallel_loop3A_1044 = tpu.vector_load %arg8[%parallel_loop3A_1040, %parallel_loop3A_1041, %parallel_loop3A_1042, %parallel_loop3A_1043] {strides = array<i32>} : memref<2x8x8x128xf32, #tpu.memory_space<vmem>>, vector<16xf32>,
          tpu.vector_store %arg8[%parallel_loop3A_1040, %parallel_loop3A_1041, %parallel_loop3A_1042, %parallel_loop3A_1043], %parallel_loop3A_1038 {strides = array<i32>} : memref<2x8x8x128xf32, #tpu.memory_space<vmem>>, vector<16xf32>,
          %parallel_loop3A_1045 = arith.constant 5 : i32
          %parallel_loop3A_1046 = vector.broadcast %parallel_loop3A_1045 : i32 to vector<16xi32>
          %parallel_loop3A_1047 = tpu.vector_load_idx %arg6[%parallel_loop3A_999, %parallel_loop3A_1046, %parallel_loop3A_988] : memref<66x8x128xf32, #tpu.memory_space<vmem>>[vector<16xi32>, vector<16xi32>, vector<16xi32>], vector<16xf32>,
          %parallel_loop3A_1048 = arith.constant 5 : i32
          %parallel_loop3A_1049 = arith.index_cast %rem3A_956 : i32 to index
          %parallel_loop3A_1050 = arith.index_cast %parallel_loop3A_982 : i32 to index
          %parallel_loop3A_1051 = arith.index_cast %parallel_loop3A_1048 : i32 to index
          %parallel_loop3A_1052 = arith.constant 0 : index
          %parallel_loop3A_1053 = tpu.vector_load %arg8[%parallel_loop3A_1049, %parallel_loop3A_1050, %parallel_loop3A_1051, %parallel_loop3A_1052] {strides = array<i32>} : memref<2x8x8x128xf32, #tpu.memory_space<vmem>>, vector<16xf32>,
          tpu.vector_store %arg8[%parallel_loop3A_1049, %parallel_loop3A_1050, %parallel_loop3A_1051, %parallel_loop3A_1052], %parallel_loop3A_1047 {strides = array<i32>} : memref<2x8x8x128xf32, #tpu.memory_space<vmem>>, vector<16xf32>,
          %parallel_loop3A_1054 = arith.constant 6 : i32
          %parallel_loop3A_1055 = vector.broadcast %parallel_loop3A_1054 : i32 to vector<16xi32>
          %parallel_loop3A_1056 = tpu.vector_load_idx %arg6[%parallel_loop3A_999, %parallel_loop3A_1055, %parallel_loop3A_988] : memref<66x8x128xf32, #tpu.memory_space<vmem>>[vector<16xi32>, vector<16xi32>, vector<16xi32>], vector<16xf32>,
          %parallel_loop3A_1057 = arith.constant 6 : i32
          %parallel_loop3A_1058 = arith.index_cast %rem3A_956 : i32 to index
          %parallel_loop3A_1059 = arith.index_cast %parallel_loop3A_982 : i32 to index
          %parallel_loop3A_1060 = arith.index_cast %parallel_loop3A_1057 : i32 to index
          %parallel_loop3A_1061 = arith.constant 0 : index
          %parallel_loop3A_1062 = tpu.vector_load %arg8[%parallel_loop3A_1058, %parallel_loop3A_1059, %parallel_loop3A_1060, %parallel_loop3A_1061] {strides = array<i32>} : memref<2x8x8x128xf32, #tpu.memory_space<vmem>>, vector<16xf32>,
          tpu.vector_store %arg8[%parallel_loop3A_1058, %parallel_loop3A_1059, %parallel_loop3A_1060, %parallel_loop3A_1061], %parallel_loop3A_1056 {strides = array<i32>} : memref<2x8x8x128xf32, #tpu.memory_space<vmem>>, vector<16xf32>,
          %parallel_loop3A_1063 = arith.constant 7 : i32
          %parallel_loop3A_1064 = vector.broadcast %parallel_loop3A_1063 : i32 to vector<16xi32>
          %parallel_loop3A_1065 = tpu.vector_load_idx %arg6[%parallel_loop3A_999, %parallel_loop3A_1064, %parallel_loop3A_988] : memref<66x8x128xf32, #tpu.memory_space<vmem>>[vector<16xi32>, vector<16xi32>, vector<16xi32>], vector<16xf32>,
          %parallel_loop3A_1066 = arith.constant 7 : i32
          %parallel_loop3A_1067 = arith.index_cast %rem3A_956 : i32 to index
          %parallel_loop3A_1068 = arith.index_cast %parallel_loop3A_982 : i32 to index
          %parallel_loop3A_1069 = arith.index_cast %parallel_loop3A_1066 : i32 to index
          %parallel_loop3A_1070 = arith.constant 0 : index
          %parallel_loop3A_1071 = tpu.vector_load %arg8[%parallel_loop3A_1067, %parallel_loop3A_1068, %parallel_loop3A_1069, %parallel_loop3A_1070] {strides = array<i32>} : memref<2x8x8x128xf32, #tpu.memory_space<vmem>>, vector<16xf32>,
          tpu.vector_store %arg8[%parallel_loop3A_1067, %parallel_loop3A_1068, %parallel_loop3A_1069, %parallel_loop3A_1070], %parallel_loop3A_1065 {strides = array<i32>} : memref<2x8x8x128xf32, #tpu.memory_space<vmem>>, vector<16xf32>,
          %parallel_loop3A_1072 = arith.constant 16 : i32
          %parallel_loop3A_1073 = vector.broadcast %parallel_loop3A_1072 : i32 to vector<16xi32>
          %parallel_loop3A_1074 = arith.addi %parallel_loop3A_1073, %iota3A : vector<16xi32>
          %parallel_loop3A_1075 = vector.broadcast %parallel_loop3A_985 : i32 to vector<16xi32>
          %parallel_loop3A_1076 = tpu.vector_load_idx %arg7[%parallel_loop3A_1074, %parallel_loop3A_1075] : memref<128x128xi32, #tpu.memory_space<vmem>>[vector<16xi32>, vector<16xi32>], vector<16xi32>,
          %parallel_loop3A_1077 = arith.constant 64 : i32
          %parallel_loop3A_1078 = vector.broadcast %parallel_loop3A_1077 : i32 to vector<16xi32>
          %parallel_loop3A_1079 = arith.cmpi slt, %parallel_loop3A_1076, %parallel_loop3A_1078 : vector<16xi32>
          %parallel_loop3A_1080 = arith.constant 1 : i32
          %parallel_loop3A_1081 = vector.broadcast %parallel_loop3A_1080 : i32 to vector<16xi32>
          %parallel_loop3A_1082 = arith.addi %parallel_loop3A_1076, %parallel_loop3A_1081 : vector<16xi32>
          %parallel_loop3A_1083 = arith.constant 65 : i32
          %parallel_loop3A_1084 = vector.broadcast %parallel_loop3A_1083 : i32 to vector<16xi32>
          %parallel_loop3A_1085 = arith.select %parallel_loop3A_1079, %parallel_loop3A_1082, %parallel_loop3A_1084 : vector<16xi1>, vector<16xi32>
          %parallel_loop3A_1086 = arith.constant 0 : i32
          %parallel_loop3A_1087 = vector.broadcast %parallel_loop3A_1086 : i32 to vector<16xi32>
          %parallel_loop3A_1088 = tpu.vector_load_idx %arg6[%parallel_loop3A_1085, %parallel_loop3A_1087, %parallel_loop3A_1074] : memref<66x8x128xf32, #tpu.memory_space<vmem>>[vector<16xi32>, vector<16xi32>, vector<16xi32>], vector<16xf32>,
          %parallel_loop3A_1089 = arith.constant 0 : i32
          %parallel_loop3A_1090 = arith.index_cast %rem3A_956 : i32 to index
          %parallel_loop3A_1091 = arith.index_cast %parallel_loop3A_982 : i32 to index
          %parallel_loop3A_1092 = arith.index_cast %parallel_loop3A_1089 : i32 to index
          %parallel_loop3A_1093 = arith.constant 16 : index
          %parallel_loop3A_1094 = tpu.vector_load %arg8[%parallel_loop3A_1090, %parallel_loop3A_1091, %parallel_loop3A_1092, %parallel_loop3A_1093] {strides = array<i32>} : memref<2x8x8x128xf32, #tpu.memory_space<vmem>>, vector<16xf32>,
          tpu.vector_store %arg8[%parallel_loop3A_1090, %parallel_loop3A_1091, %parallel_loop3A_1092, %parallel_loop3A_1093], %parallel_loop3A_1088 {strides = array<i32>} : memref<2x8x8x128xf32, #tpu.memory_space<vmem>>, vector<16xf32>,
          %parallel_loop3A_1095 = arith.constant 1 : i32
          %parallel_loop3A_1096 = vector.broadcast %parallel_loop3A_1095 : i32 to vector<16xi32>
          %parallel_loop3A_1097 = tpu.vector_load_idx %arg6[%parallel_loop3A_1085, %parallel_loop3A_1096, %parallel_loop3A_1074] : memref<66x8x128xf32, #tpu.memory_space<vmem>>[vector<16xi32>, vector<16xi32>, vector<16xi32>], vector<16xf32>,
          %parallel_loop3A_1098 = arith.constant 1 : i32
          %parallel_loop3A_1099 = arith.index_cast %rem3A_956 : i32 to index
          %parallel_loop3A_1100 = arith.index_cast %parallel_loop3A_982 : i32 to index
          %parallel_loop3A_1101 = arith.index_cast %parallel_loop3A_1098 : i32 to index
          %parallel_loop3A_1102 = arith.constant 16 : index
          %parallel_loop3A_1103 = tpu.vector_load %arg8[%parallel_loop3A_1099, %parallel_loop3A_1100, %parallel_loop3A_1101, %parallel_loop3A_1102] {strides = array<i32>} : memref<2x8x8x128xf32, #tpu.memory_space<vmem>>, vector<16xf32>,
          tpu.vector_store %arg8[%parallel_loop3A_1099, %parallel_loop3A_1100, %parallel_loop3A_1101, %parallel_loop3A_1102], %parallel_loop3A_1097 {strides = array<i32>} : memref<2x8x8x128xf32, #tpu.memory_space<vmem>>, vector<16xf32>,
          %parallel_loop3A_1104 = arith.constant 2 : i32
          %parallel_loop3A_1105 = vector.broadcast %parallel_loop3A_1104 : i32 to vector<16xi32>
          %parallel_loop3A_1106 = tpu.vector_load_idx %arg6[%parallel_loop3A_1085, %parallel_loop3A_1105, %parallel_loop3A_1074] : memref<66x8x128xf32, #tpu.memory_space<vmem>>[vector<16xi32>, vector<16xi32>, vector<16xi32>], vector<16xf32>,
          %parallel_loop3A_1107 = arith.constant 2 : i32
          %parallel_loop3A_1108 = arith.index_cast %rem3A_956 : i32 to index
          %parallel_loop3A_1109 = arith.index_cast %parallel_loop3A_982 : i32 to index
          %parallel_loop3A_1110 = arith.index_cast %parallel_loop3A_1107 : i32 to index
          %parallel_loop3A_1111 = arith.constant 16 : index
          %parallel_loop3A_1112 = tpu.vector_load %arg8[%parallel_loop3A_1108, %parallel_loop3A_1109, %parallel_loop3A_1110, %parallel_loop3A_1111] {strides = array<i32>} : memref<2x8x8x128xf32, #tpu.memory_space<vmem>>, vector<16xf32>,
          tpu.vector_store %arg8[%parallel_loop3A_1108, %parallel_loop3A_1109, %parallel_loop3A_1110, %parallel_loop3A_1111], %parallel_loop3A_1106 {strides = array<i32>} : memref<2x8x8x128xf32, #tpu.memory_space<vmem>>, vector<16xf32>,
          %parallel_loop3A_1113 = arith.constant 3 : i32
          %parallel_loop3A_1114 = vector.broadcast %parallel_loop3A_1113 : i32 to vector<16xi32>
          %parallel_loop3A_1115 = tpu.vector_load_idx %arg6[%parallel_loop3A_1085, %parallel_loop3A_1114, %parallel_loop3A_1074] : memref<66x8x128xf32, #tpu.memory_space<vmem>>[vector<16xi32>, vector<16xi32>, vector<16xi32>], vector<16xf32>,
          %parallel_loop3A_1116 = arith.constant 3 : i32
          %parallel_loop3A_1117 = arith.index_cast %rem3A_956 : i32 to index
          %parallel_loop3A_1118 = arith.index_cast %parallel_loop3A_982 : i32 to index
          %parallel_loop3A_1119 = arith.index_cast %parallel_loop3A_1116 : i32 to index
          %parallel_loop3A_1120 = arith.constant 16 : index
          %parallel_loop3A_1121 = tpu.vector_load %arg8[%parallel_loop3A_1117, %parallel_loop3A_1118, %parallel_loop3A_1119, %parallel_loop3A_1120] {strides = array<i32>} : memref<2x8x8x128xf32, #tpu.memory_space<vmem>>, vector<16xf32>,
          tpu.vector_store %arg8[%parallel_loop3A_1117, %parallel_loop3A_1118, %parallel_loop3A_1119, %parallel_loop3A_1120], %parallel_loop3A_1115 {strides = array<i32>} : memref<2x8x8x128xf32, #tpu.memory_space<vmem>>, vector<16xf32>,
          %parallel_loop3A_1122 = arith.constant 4 : i32
          %parallel_loop3A_1123 = vector.broadcast %parallel_loop3A_1122 : i32 to vector<16xi32>
          %parallel_loop3A_1124 = tpu.vector_load_idx %arg6[%parallel_loop3A_1085, %parallel_loop3A_1123, %parallel_loop3A_1074] : memref<66x8x128xf32, #tpu.memory_space<vmem>>[vector<16xi32>, vector<16xi32>, vector<16xi32>], vector<16xf32>,
          %parallel_loop3A_1125 = arith.constant 4 : i32
          %parallel_loop3A_1126 = arith.index_cast %rem3A_956 : i32 to index
          %parallel_loop3A_1127 = arith.index_cast %parallel_loop3A_982 : i32 to index
          %parallel_loop3A_1128 = arith.index_cast %parallel_loop3A_1125 : i32 to index
          %parallel_loop3A_1129 = arith.constant 16 : index
          %parallel_loop3A_1130 = tpu.vector_load %arg8[%parallel_loop3A_1126, %parallel_loop3A_1127, %parallel_loop3A_1128, %parallel_loop3A_1129] {strides = array<i32>} : memref<2x8x8x128xf32, #tpu.memory_space<vmem>>, vector<16xf32>,
          tpu.vector_store %arg8[%parallel_loop3A_1126, %parallel_loop3A_1127, %parallel_loop3A_1128, %parallel_loop3A_1129], %parallel_loop3A_1124 {strides = array<i32>} : memref<2x8x8x128xf32, #tpu.memory_space<vmem>>, vector<16xf32>,
          %parallel_loop3A_1131 = arith.constant 5 : i32
          %parallel_loop3A_1132 = vector.broadcast %parallel_loop3A_1131 : i32 to vector<16xi32>
          %parallel_loop3A_1133 = tpu.vector_load_idx %arg6[%parallel_loop3A_1085, %parallel_loop3A_1132, %parallel_loop3A_1074] : memref<66x8x128xf32, #tpu.memory_space<vmem>>[vector<16xi32>, vector<16xi32>, vector<16xi32>], vector<16xf32>,
          %parallel_loop3A_1134 = arith.constant 5 : i32
          %parallel_loop3A_1135 = arith.index_cast %rem3A_956 : i32 to index
          %parallel_loop3A_1136 = arith.index_cast %parallel_loop3A_982 : i32 to index
          %parallel_loop3A_1137 = arith.index_cast %parallel_loop3A_1134 : i32 to index
          %parallel_loop3A_1138 = arith.constant 16 : index
          %parallel_loop3A_1139 = tpu.vector_load %arg8[%parallel_loop3A_1135, %parallel_loop3A_1136, %parallel_loop3A_1137, %parallel_loop3A_1138] {strides = array<i32>} : memref<2x8x8x128xf32, #tpu.memory_space<vmem>>, vector<16xf32>,
          tpu.vector_store %arg8[%parallel_loop3A_1135, %parallel_loop3A_1136, %parallel_loop3A_1137, %parallel_loop3A_1138], %parallel_loop3A_1133 {strides = array<i32>} : memref<2x8x8x128xf32, #tpu.memory_space<vmem>>, vector<16xf32>,
          %parallel_loop3A_1140 = arith.constant 6 : i32
          %parallel_loop3A_1141 = vector.broadcast %parallel_loop3A_1140 : i32 to vector<16xi32>
          %parallel_loop3A_1142 = tpu.vector_load_idx %arg6[%parallel_loop3A_1085, %parallel_loop3A_1141, %parallel_loop3A_1074] : memref<66x8x128xf32, #tpu.memory_space<vmem>>[vector<16xi32>, vector<16xi32>, vector<16xi32>], vector<16xf32>,
          %parallel_loop3A_1143 = arith.constant 6 : i32
          %parallel_loop3A_1144 = arith.index_cast %rem3A_956 : i32 to index
          %parallel_loop3A_1145 = arith.index_cast %parallel_loop3A_982 : i32 to index
          %parallel_loop3A_1146 = arith.index_cast %parallel_loop3A_1143 : i32 to index
          %parallel_loop3A_1147 = arith.constant 16 : index
          %parallel_loop3A_1148 = tpu.vector_load %arg8[%parallel_loop3A_1144, %parallel_loop3A_1145, %parallel_loop3A_1146, %parallel_loop3A_1147] {strides = array<i32>} : memref<2x8x8x128xf32, #tpu.memory_space<vmem>>, vector<16xf32>,
          tpu.vector_store %arg8[%parallel_loop3A_1144, %parallel_loop3A_1145, %parallel_loop3A_1146, %parallel_loop3A_1147], %parallel_loop3A_1142 {strides = array<i32>} : memref<2x8x8x128xf32, #tpu.memory_space<vmem>>, vector<16xf32>,
          %parallel_loop3A_1149 = arith.constant 7 : i32
          %parallel_loop3A_1150 = vector.broadcast %parallel_loop3A_1149 : i32 to vector<16xi32>
          %parallel_loop3A_1151 = tpu.vector_load_idx %arg6[%parallel_loop3A_1085, %parallel_loop3A_1150, %parallel_loop3A_1074] : memref<66x8x128xf32, #tpu.memory_space<vmem>>[vector<16xi32>, vector<16xi32>, vector<16xi32>], vector<16xf32>,
          %parallel_loop3A_1152 = arith.constant 7 : i32
          %parallel_loop3A_1153 = arith.index_cast %rem3A_956 : i32 to index
          %parallel_loop3A_1154 = arith.index_cast %parallel_loop3A_982 : i32 to index
          %parallel_loop3A_1155 = arith.index_cast %parallel_loop3A_1152 : i32 to index
          %parallel_loop3A_1156 = arith.constant 16 : index
          %parallel_loop3A_1157 = tpu.vector_load %arg8[%parallel_loop3A_1153, %parallel_loop3A_1154, %parallel_loop3A_1155, %parallel_loop3A_1156] {strides = array<i32>} : memref<2x8x8x128xf32, #tpu.memory_space<vmem>>, vector<16xf32>,
          tpu.vector_store %arg8[%parallel_loop3A_1153, %parallel_loop3A_1154, %parallel_loop3A_1155, %parallel_loop3A_1156], %parallel_loop3A_1151 {strides = array<i32>} : memref<2x8x8x128xf32, #tpu.memory_space<vmem>>, vector<16xf32>,
          %parallel_loop3A_1158 = arith.constant 32 : i32
          %parallel_loop3A_1159 = vector.broadcast %parallel_loop3A_1158 : i32 to vector<16xi32>
          %parallel_loop3A_1160 = arith.addi %parallel_loop3A_1159, %iota3A : vector<16xi32>
          %parallel_loop3A_1161 = vector.broadcast %parallel_loop3A_985 : i32 to vector<16xi32>
          %parallel_loop3A_1162 = tpu.vector_load_idx %arg7[%parallel_loop3A_1160, %parallel_loop3A_1161] : memref<128x128xi32, #tpu.memory_space<vmem>>[vector<16xi32>, vector<16xi32>], vector<16xi32>,
          %parallel_loop3A_1163 = arith.constant 64 : i32
          %parallel_loop3A_1164 = vector.broadcast %parallel_loop3A_1163 : i32 to vector<16xi32>
          %parallel_loop3A_1165 = arith.cmpi slt, %parallel_loop3A_1162, %parallel_loop3A_1164 : vector<16xi32>
          %parallel_loop3A_1166 = arith.constant 1 : i32
          %parallel_loop3A_1167 = vector.broadcast %parallel_loop3A_1166 : i32 to vector<16xi32>
          %parallel_loop3A_1168 = arith.addi %parallel_loop3A_1162, %parallel_loop3A_1167 : vector<16xi32>
          %parallel_loop3A_1169 = arith.constant 65 : i32
          %parallel_loop3A_1170 = vector.broadcast %parallel_loop3A_1169 : i32 to vector<16xi32>
          %parallel_loop3A_1171 = arith.select %parallel_loop3A_1165, %parallel_loop3A_1168, %parallel_loop3A_1170 : vector<16xi1>, vector<16xi32>
          %parallel_loop3A_1172 = arith.constant 0 : i32
          %parallel_loop3A_1173 = vector.broadcast %parallel_loop3A_1172 : i32 to vector<16xi32>
          %parallel_loop3A_1174 = tpu.vector_load_idx %arg6[%parallel_loop3A_1171, %parallel_loop3A_1173, %parallel_loop3A_1160] : memref<66x8x128xf32, #tpu.memory_space<vmem>>[vector<16xi32>, vector<16xi32>, vector<16xi32>], vector<16xf32>,
          %parallel_loop3A_1175 = arith.constant 0 : i32
          %parallel_loop3A_1176 = arith.index_cast %rem3A_956 : i32 to index
          %parallel_loop3A_1177 = arith.index_cast %parallel_loop3A_982 : i32 to index
          %parallel_loop3A_1178 = arith.index_cast %parallel_loop3A_1175 : i32 to index
          %parallel_loop3A_1179 = arith.constant 32 : index
          %parallel_loop3A_1180 = tpu.vector_load %arg8[%parallel_loop3A_1176, %parallel_loop3A_1177, %parallel_loop3A_1178, %parallel_loop3A_1179] {strides = array<i32>} : memref<2x8x8x128xf32, #tpu.memory_space<vmem>>, vector<16xf32>,
          tpu.vector_store %arg8[%parallel_loop3A_1176, %parallel_loop3A_1177, %parallel_loop3A_1178, %parallel_loop3A_1179], %parallel_loop3A_1174 {strides = array<i32>} : memref<2x8x8x128xf32, #tpu.memory_space<vmem>>, vector<16xf32>,
          %parallel_loop3A_1181 = arith.constant 1 : i32
          %parallel_loop3A_1182 = vector.broadcast %parallel_loop3A_1181 : i32 to vector<16xi32>
          %parallel_loop3A_1183 = tpu.vector_load_idx %arg6[%parallel_loop3A_1171, %parallel_loop3A_1182, %parallel_loop3A_1160] : memref<66x8x128xf32, #tpu.memory_space<vmem>>[vector<16xi32>, vector<16xi32>, vector<16xi32>], vector<16xf32>,
          %parallel_loop3A_1184 = arith.constant 1 : i32
          %parallel_loop3A_1185 = arith.index_cast %rem3A_956 : i32 to index
          %parallel_loop3A_1186 = arith.index_cast %parallel_loop3A_982 : i32 to index
          %parallel_loop3A_1187 = arith.index_cast %parallel_loop3A_1184 : i32 to index
          %parallel_loop3A_1188 = arith.constant 32 : index
          %parallel_loop3A_1189 = tpu.vector_load %arg8[%parallel_loop3A_1185, %parallel_loop3A_1186, %parallel_loop3A_1187, %parallel_loop3A_1188] {strides = array<i32>} : memref<2x8x8x128xf32, #tpu.memory_space<vmem>>, vector<16xf32>,
          tpu.vector_store %arg8[%parallel_loop3A_1185, %parallel_loop3A_1186, %parallel_loop3A_1187, %parallel_loop3A_1188], %parallel_loop3A_1183 {strides = array<i32>} : memref<2x8x8x128xf32, #tpu.memory_space<vmem>>, vector<16xf32>,
          %parallel_loop3A_1190 = arith.constant 2 : i32
          %parallel_loop3A_1191 = vector.broadcast %parallel_loop3A_1190 : i32 to vector<16xi32>
          %parallel_loop3A_1192 = tpu.vector_load_idx %arg6[%parallel_loop3A_1171, %parallel_loop3A_1191, %parallel_loop3A_1160] : memref<66x8x128xf32, #tpu.memory_space<vmem>>[vector<16xi32>, vector<16xi32>, vector<16xi32>], vector<16xf32>,
          %parallel_loop3A_1193 = arith.constant 2 : i32
          %parallel_loop3A_1194 = arith.index_cast %rem3A_956 : i32 to index
          %parallel_loop3A_1195 = arith.index_cast %parallel_loop3A_982 : i32 to index
          %parallel_loop3A_1196 = arith.index_cast %parallel_loop3A_1193 : i32 to index
          %parallel_loop3A_1197 = arith.constant 32 : index
          %parallel_loop3A_1198 = tpu.vector_load %arg8[%parallel_loop3A_1194, %parallel_loop3A_1195, %parallel_loop3A_1196, %parallel_loop3A_1197] {strides = array<i32>} : memref<2x8x8x128xf32, #tpu.memory_space<vmem>>, vector<16xf32>,
          tpu.vector_store %arg8[%parallel_loop3A_1194, %parallel_loop3A_1195, %parallel_loop3A_1196, %parallel_loop3A_1197], %parallel_loop3A_1192 {strides = array<i32>} : memref<2x8x8x128xf32, #tpu.memory_space<vmem>>, vector<16xf32>,
          %parallel_loop3A_1199 = arith.constant 3 : i32
          %parallel_loop3A_1200 = vector.broadcast %parallel_loop3A_1199 : i32 to vector<16xi32>
          %parallel_loop3A_1201 = tpu.vector_load_idx %arg6[%parallel_loop3A_1171, %parallel_loop3A_1200, %parallel_loop3A_1160] : memref<66x8x128xf32, #tpu.memory_space<vmem>>[vector<16xi32>, vector<16xi32>, vector<16xi32>], vector<16xf32>,
          %parallel_loop3A_1202 = arith.constant 3 : i32
          %parallel_loop3A_1203 = arith.index_cast %rem3A_956 : i32 to index
          %parallel_loop3A_1204 = arith.index_cast %parallel_loop3A_982 : i32 to index
          %parallel_loop3A_1205 = arith.index_cast %parallel_loop3A_1202 : i32 to index
          %parallel_loop3A_1206 = arith.constant 32 : index
          %parallel_loop3A_1207 = tpu.vector_load %arg8[%parallel_loop3A_1203, %parallel_loop3A_1204, %parallel_loop3A_1205, %parallel_loop3A_1206] {strides = array<i32>} : memref<2x8x8x128xf32, #tpu.memory_space<vmem>>, vector<16xf32>,
          tpu.vector_store %arg8[%parallel_loop3A_1203, %parallel_loop3A_1204, %parallel_loop3A_1205, %parallel_loop3A_1206], %parallel_loop3A_1201 {strides = array<i32>} : memref<2x8x8x128xf32, #tpu.memory_space<vmem>>, vector<16xf32>,
          %parallel_loop3A_1208 = arith.constant 4 : i32
          %parallel_loop3A_1209 = vector.broadcast %parallel_loop3A_1208 : i32 to vector<16xi32>
          %parallel_loop3A_1210 = tpu.vector_load_idx %arg6[%parallel_loop3A_1171, %parallel_loop3A_1209, %parallel_loop3A_1160] : memref<66x8x128xf32, #tpu.memory_space<vmem>>[vector<16xi32>, vector<16xi32>, vector<16xi32>], vector<16xf32>,
          %parallel_loop3A_1211 = arith.constant 4 : i32
          %parallel_loop3A_1212 = arith.index_cast %rem3A_956 : i32 to index
          %parallel_loop3A_1213 = arith.index_cast %parallel_loop3A_982 : i32 to index
          %parallel_loop3A_1214 = arith.index_cast %parallel_loop3A_1211 : i32 to index
          %parallel_loop3A_1215 = arith.constant 32 : index
          %parallel_loop3A_1216 = tpu.vector_load %arg8[%parallel_loop3A_1212, %parallel_loop3A_1213, %parallel_loop3A_1214, %parallel_loop3A_1215] {strides = array<i32>} : memref<2x8x8x128xf32, #tpu.memory_space<vmem>>, vector<16xf32>,
          tpu.vector_store %arg8[%parallel_loop3A_1212, %parallel_loop3A_1213, %parallel_loop3A_1214, %parallel_loop3A_1215], %parallel_loop3A_1210 {strides = array<i32>} : memref<2x8x8x128xf32, #tpu.memory_space<vmem>>, vector<16xf32>,
          %parallel_loop3A_1217 = arith.constant 5 : i32
          %parallel_loop3A_1218 = vector.broadcast %parallel_loop3A_1217 : i32 to vector<16xi32>
          %parallel_loop3A_1219 = tpu.vector_load_idx %arg6[%parallel_loop3A_1171, %parallel_loop3A_1218, %parallel_loop3A_1160] : memref<66x8x128xf32, #tpu.memory_space<vmem>>[vector<16xi32>, vector<16xi32>, vector<16xi32>], vector<16xf32>,
          %parallel_loop3A_1220 = arith.constant 5 : i32
          %parallel_loop3A_1221 = arith.index_cast %rem3A_956 : i32 to index
          %parallel_loop3A_1222 = arith.index_cast %parallel_loop3A_982 : i32 to index
          %parallel_loop3A_1223 = arith.index_cast %parallel_loop3A_1220 : i32 to index
          %parallel_loop3A_1224 = arith.constant 32 : index
          %parallel_loop3A_1225 = tpu.vector_load %arg8[%parallel_loop3A_1221, %parallel_loop3A_1222, %parallel_loop3A_1223, %parallel_loop3A_1224] {strides = array<i32>} : memref<2x8x8x128xf32, #tpu.memory_space<vmem>>, vector<16xf32>,
          tpu.vector_store %arg8[%parallel_loop3A_1221, %parallel_loop3A_1222, %parallel_loop3A_1223, %parallel_loop3A_1224], %parallel_loop3A_1219 {strides = array<i32>} : memref<2x8x8x128xf32, #tpu.memory_space<vmem>>, vector<16xf32>,
          %parallel_loop3A_1226 = arith.constant 6 : i32
          %parallel_loop3A_1227 = vector.broadcast %parallel_loop3A_1226 : i32 to vector<16xi32>
          %parallel_loop3A_1228 = tpu.vector_load_idx %arg6[%parallel_loop3A_1171, %parallel_loop3A_1227, %parallel_loop3A_1160] : memref<66x8x128xf32, #tpu.memory_space<vmem>>[vector<16xi32>, vector<16xi32>, vector<16xi32>], vector<16xf32>,
          %parallel_loop3A_1229 = arith.constant 6 : i32
          %parallel_loop3A_1230 = arith.index_cast %rem3A_956 : i32 to index
          %parallel_loop3A_1231 = arith.index_cast %parallel_loop3A_982 : i32 to index
          %parallel_loop3A_1232 = arith.index_cast %parallel_loop3A_1229 : i32 to index
          %parallel_loop3A_1233 = arith.constant 32 : index
          %parallel_loop3A_1234 = tpu.vector_load %arg8[%parallel_loop3A_1230, %parallel_loop3A_1231, %parallel_loop3A_1232, %parallel_loop3A_1233] {strides = array<i32>} : memref<2x8x8x128xf32, #tpu.memory_space<vmem>>, vector<16xf32>,
          tpu.vector_store %arg8[%parallel_loop3A_1230, %parallel_loop3A_1231, %parallel_loop3A_1232, %parallel_loop3A_1233], %parallel_loop3A_1228 {strides = array<i32>} : memref<2x8x8x128xf32, #tpu.memory_space<vmem>>, vector<16xf32>,
          %parallel_loop3A_1235 = arith.constant 7 : i32
          %parallel_loop3A_1236 = vector.broadcast %parallel_loop3A_1235 : i32 to vector<16xi32>
          %parallel_loop3A_1237 = tpu.vector_load_idx %arg6[%parallel_loop3A_1171, %parallel_loop3A_1236, %parallel_loop3A_1160] : memref<66x8x128xf32, #tpu.memory_space<vmem>>[vector<16xi32>, vector<16xi32>, vector<16xi32>], vector<16xf32>,
          %parallel_loop3A_1238 = arith.constant 7 : i32
          %parallel_loop3A_1239 = arith.index_cast %rem3A_956 : i32 to index
          %parallel_loop3A_1240 = arith.index_cast %parallel_loop3A_982 : i32 to index
          %parallel_loop3A_1241 = arith.index_cast %parallel_loop3A_1238 : i32 to index
          %parallel_loop3A_1242 = arith.constant 32 : index
          %parallel_loop3A_1243 = tpu.vector_load %arg8[%parallel_loop3A_1239, %parallel_loop3A_1240, %parallel_loop3A_1241, %parallel_loop3A_1242] {strides = array<i32>} : memref<2x8x8x128xf32, #tpu.memory_space<vmem>>, vector<16xf32>,
          tpu.vector_store %arg8[%parallel_loop3A_1239, %parallel_loop3A_1240, %parallel_loop3A_1241, %parallel_loop3A_1242], %parallel_loop3A_1237 {strides = array<i32>} : memref<2x8x8x128xf32, #tpu.memory_space<vmem>>, vector<16xf32>,
          %parallel_loop3A_1244 = arith.constant 48 : i32
          %parallel_loop3A_1245 = vector.broadcast %parallel_loop3A_1244 : i32 to vector<16xi32>
          %parallel_loop3A_1246 = arith.addi %parallel_loop3A_1245, %iota3A : vector<16xi32>
          %parallel_loop3A_1247 = vector.broadcast %parallel_loop3A_985 : i32 to vector<16xi32>
          %parallel_loop3A_1248 = tpu.vector_load_idx %arg7[%parallel_loop3A_1246, %parallel_loop3A_1247] : memref<128x128xi32, #tpu.memory_space<vmem>>[vector<16xi32>, vector<16xi32>], vector<16xi32>,
          %parallel_loop3A_1249 = arith.constant 64 : i32
          %parallel_loop3A_1250 = vector.broadcast %parallel_loop3A_1249 : i32 to vector<16xi32>
          %parallel_loop3A_1251 = arith.cmpi slt, %parallel_loop3A_1248, %parallel_loop3A_1250 : vector<16xi32>
          %parallel_loop3A_1252 = arith.constant 1 : i32
          %parallel_loop3A_1253 = vector.broadcast %parallel_loop3A_1252 : i32 to vector<16xi32>
          %parallel_loop3A_1254 = arith.addi %parallel_loop3A_1248, %parallel_loop3A_1253 : vector<16xi32>
          %parallel_loop3A_1255 = arith.constant 65 : i32
          %parallel_loop3A_1256 = vector.broadcast %parallel_loop3A_1255 : i32 to vector<16xi32>
          %parallel_loop3A_1257 = arith.select %parallel_loop3A_1251, %parallel_loop3A_1254, %parallel_loop3A_1256 : vector<16xi1>, vector<16xi32>
          %parallel_loop3A_1258 = arith.constant 0 : i32
          %parallel_loop3A_1259 = vector.broadcast %parallel_loop3A_1258 : i32 to vector<16xi32>
          %parallel_loop3A_1260 = tpu.vector_load_idx %arg6[%parallel_loop3A_1257, %parallel_loop3A_1259, %parallel_loop3A_1246] : memref<66x8x128xf32, #tpu.memory_space<vmem>>[vector<16xi32>, vector<16xi32>, vector<16xi32>], vector<16xf32>,
          %parallel_loop3A_1261 = arith.constant 0 : i32
          %parallel_loop3A_1262 = arith.index_cast %rem3A_956 : i32 to index
          %parallel_loop3A_1263 = arith.index_cast %parallel_loop3A_982 : i32 to index
          %parallel_loop3A_1264 = arith.index_cast %parallel_loop3A_1261 : i32 to index
          %parallel_loop3A_1265 = arith.constant 48 : index
          %parallel_loop3A_1266 = tpu.vector_load %arg8[%parallel_loop3A_1262, %parallel_loop3A_1263, %parallel_loop3A_1264, %parallel_loop3A_1265] {strides = array<i32>} : memref<2x8x8x128xf32, #tpu.memory_space<vmem>>, vector<16xf32>,
          tpu.vector_store %arg8[%parallel_loop3A_1262, %parallel_loop3A_1263, %parallel_loop3A_1264, %parallel_loop3A_1265], %parallel_loop3A_1260 {strides = array<i32>} : memref<2x8x8x128xf32, #tpu.memory_space<vmem>>, vector<16xf32>,
          %parallel_loop3A_1267 = arith.constant 1 : i32
          %parallel_loop3A_1268 = vector.broadcast %parallel_loop3A_1267 : i32 to vector<16xi32>
          %parallel_loop3A_1269 = tpu.vector_load_idx %arg6[%parallel_loop3A_1257, %parallel_loop3A_1268, %parallel_loop3A_1246] : memref<66x8x128xf32, #tpu.memory_space<vmem>>[vector<16xi32>, vector<16xi32>, vector<16xi32>], vector<16xf32>,
          %parallel_loop3A_1270 = arith.constant 1 : i32
          %parallel_loop3A_1271 = arith.index_cast %rem3A_956 : i32 to index
          %parallel_loop3A_1272 = arith.index_cast %parallel_loop3A_982 : i32 to index
          %parallel_loop3A_1273 = arith.index_cast %parallel_loop3A_1270 : i32 to index
          %parallel_loop3A_1274 = arith.constant 48 : index
          %parallel_loop3A_1275 = tpu.vector_load %arg8[%parallel_loop3A_1271, %parallel_loop3A_1272, %parallel_loop3A_1273, %parallel_loop3A_1274] {strides = array<i32>} : memref<2x8x8x128xf32, #tpu.memory_space<vmem>>, vector<16xf32>,
          tpu.vector_store %arg8[%parallel_loop3A_1271, %parallel_loop3A_1272, %parallel_loop3A_1273, %parallel_loop3A_1274], %parallel_loop3A_1269 {strides = array<i32>} : memref<2x8x8x128xf32, #tpu.memory_space<vmem>>, vector<16xf32>,
          %parallel_loop3A_1276 = arith.constant 2 : i32
          %parallel_loop3A_1277 = vector.broadcast %parallel_loop3A_1276 : i32 to vector<16xi32>
          %parallel_loop3A_1278 = tpu.vector_load_idx %arg6[%parallel_loop3A_1257, %parallel_loop3A_1277, %parallel_loop3A_1246] : memref<66x8x128xf32, #tpu.memory_space<vmem>>[vector<16xi32>, vector<16xi32>, vector<16xi32>], vector<16xf32>,
          %parallel_loop3A_1279 = arith.constant 2 : i32
          %parallel_loop3A_1280 = arith.index_cast %rem3A_956 : i32 to index
          %parallel_loop3A_1281 = arith.index_cast %parallel_loop3A_982 : i32 to index
          %parallel_loop3A_1282 = arith.index_cast %parallel_loop3A_1279 : i32 to index
          %parallel_loop3A_1283 = arith.constant 48 : index
          %parallel_loop3A_1284 = tpu.vector_load %arg8[%parallel_loop3A_1280, %parallel_loop3A_1281, %parallel_loop3A_1282, %parallel_loop3A_1283] {strides = array<i32>} : memref<2x8x8x128xf32, #tpu.memory_space<vmem>>, vector<16xf32>,
          tpu.vector_store %arg8[%parallel_loop3A_1280, %parallel_loop3A_1281, %parallel_loop3A_1282, %parallel_loop3A_1283], %parallel_loop3A_1278 {strides = array<i32>} : memref<2x8x8x128xf32, #tpu.memory_space<vmem>>, vector<16xf32>,
          %parallel_loop3A_1285 = arith.constant 3 : i32
          %parallel_loop3A_1286 = vector.broadcast %parallel_loop3A_1285 : i32 to vector<16xi32>
          %parallel_loop3A_1287 = tpu.vector_load_idx %arg6[%parallel_loop3A_1257, %parallel_loop3A_1286, %parallel_loop3A_1246] : memref<66x8x128xf32, #tpu.memory_space<vmem>>[vector<16xi32>, vector<16xi32>, vector<16xi32>], vector<16xf32>,
          %parallel_loop3A_1288 = arith.constant 3 : i32
          %parallel_loop3A_1289 = arith.index_cast %rem3A_956 : i32 to index
          %parallel_loop3A_1290 = arith.index_cast %parallel_loop3A_982 : i32 to index
          %parallel_loop3A_1291 = arith.index_cast %parallel_loop3A_1288 : i32 to index
          %parallel_loop3A_1292 = arith.constant 48 : index
          %parallel_loop3A_1293 = tpu.vector_load %arg8[%parallel_loop3A_1289, %parallel_loop3A_1290, %parallel_loop3A_1291, %parallel_loop3A_1292] {strides = array<i32>} : memref<2x8x8x128xf32, #tpu.memory_space<vmem>>, vector<16xf32>,
          tpu.vector_store %arg8[%parallel_loop3A_1289, %parallel_loop3A_1290, %parallel_loop3A_1291, %parallel_loop3A_1292], %parallel_loop3A_1287 {strides = array<i32>} : memref<2x8x8x128xf32, #tpu.memory_space<vmem>>, vector<16xf32>,
          %parallel_loop3A_1294 = arith.constant 4 : i32
          %parallel_loop3A_1295 = vector.broadcast %parallel_loop3A_1294 : i32 to vector<16xi32>
          %parallel_loop3A_1296 = tpu.vector_load_idx %arg6[%parallel_loop3A_1257, %parallel_loop3A_1295, %parallel_loop3A_1246] : memref<66x8x128xf32, #tpu.memory_space<vmem>>[vector<16xi32>, vector<16xi32>, vector<16xi32>], vector<16xf32>,
          %parallel_loop3A_1297 = arith.constant 4 : i32
          %parallel_loop3A_1298 = arith.index_cast %rem3A_956 : i32 to index
          %parallel_loop3A_1299 = arith.index_cast %parallel_loop3A_982 : i32 to index
          %parallel_loop3A_1300 = arith.index_cast %parallel_loop3A_1297 : i32 to index
          %parallel_loop3A_1301 = arith.constant 48 : index
          %parallel_loop3A_1302 = tpu.vector_load %arg8[%parallel_loop3A_1298, %parallel_loop3A_1299, %parallel_loop3A_1300, %parallel_loop3A_1301] {strides = array<i32>} : memref<2x8x8x128xf32, #tpu.memory_space<vmem>>, vector<16xf32>,
          tpu.vector_store %arg8[%parallel_loop3A_1298, %parallel_loop3A_1299, %parallel_loop3A_1300, %parallel_loop3A_1301], %parallel_loop3A_1296 {strides = array<i32>} : memref<2x8x8x128xf32, #tpu.memory_space<vmem>>, vector<16xf32>,
          %parallel_loop3A_1303 = arith.constant 5 : i32
          %parallel_loop3A_1304 = vector.broadcast %parallel_loop3A_1303 : i32 to vector<16xi32>
          %parallel_loop3A_1305 = tpu.vector_load_idx %arg6[%parallel_loop3A_1257, %parallel_loop3A_1304, %parallel_loop3A_1246] : memref<66x8x128xf32, #tpu.memory_space<vmem>>[vector<16xi32>, vector<16xi32>, vector<16xi32>], vector<16xf32>,
          %parallel_loop3A_1306 = arith.constant 5 : i32
          %parallel_loop3A_1307 = arith.index_cast %rem3A_956 : i32 to index
          %parallel_loop3A_1308 = arith.index_cast %parallel_loop3A_982 : i32 to index
          %parallel_loop3A_1309 = arith.index_cast %parallel_loop3A_1306 : i32 to index
          %parallel_loop3A_1310 = arith.constant 48 : index
          %parallel_loop3A_1311 = tpu.vector_load %arg8[%parallel_loop3A_1307, %parallel_loop3A_1308, %parallel_loop3A_1309, %parallel_loop3A_1310] {strides = array<i32>} : memref<2x8x8x128xf32, #tpu.memory_space<vmem>>, vector<16xf32>,
          tpu.vector_store %arg8[%parallel_loop3A_1307, %parallel_loop3A_1308, %parallel_loop3A_1309, %parallel_loop3A_1310], %parallel_loop3A_1305 {strides = array<i32>} : memref<2x8x8x128xf32, #tpu.memory_space<vmem>>, vector<16xf32>,
          %parallel_loop3A_1312 = arith.constant 6 : i32
          %parallel_loop3A_1313 = vector.broadcast %parallel_loop3A_1312 : i32 to vector<16xi32>
          %parallel_loop3A_1314 = tpu.vector_load_idx %arg6[%parallel_loop3A_1257, %parallel_loop3A_1313, %parallel_loop3A_1246] : memref<66x8x128xf32, #tpu.memory_space<vmem>>[vector<16xi32>, vector<16xi32>, vector<16xi32>], vector<16xf32>,
          %parallel_loop3A_1315 = arith.constant 6 : i32
          %parallel_loop3A_1316 = arith.index_cast %rem3A_956 : i32 to index
          %parallel_loop3A_1317 = arith.index_cast %parallel_loop3A_982 : i32 to index
          %parallel_loop3A_1318 = arith.index_cast %parallel_loop3A_1315 : i32 to index
          %parallel_loop3A_1319 = arith.constant 48 : index
          %parallel_loop3A_1320 = tpu.vector_load %arg8[%parallel_loop3A_1316, %parallel_loop3A_1317, %parallel_loop3A_1318, %parallel_loop3A_1319] {strides = array<i32>} : memref<2x8x8x128xf32, #tpu.memory_space<vmem>>, vector<16xf32>,
          tpu.vector_store %arg8[%parallel_loop3A_1316, %parallel_loop3A_1317, %parallel_loop3A_1318, %parallel_loop3A_1319], %parallel_loop3A_1314 {strides = array<i32>} : memref<2x8x8x128xf32, #tpu.memory_space<vmem>>, vector<16xf32>,
          %parallel_loop3A_1321 = arith.constant 7 : i32
          %parallel_loop3A_1322 = vector.broadcast %parallel_loop3A_1321 : i32 to vector<16xi32>
          %parallel_loop3A_1323 = tpu.vector_load_idx %arg6[%parallel_loop3A_1257, %parallel_loop3A_1322, %parallel_loop3A_1246] : memref<66x8x128xf32, #tpu.memory_space<vmem>>[vector<16xi32>, vector<16xi32>, vector<16xi32>], vector<16xf32>,
          %parallel_loop3A_1324 = arith.constant 7 : i32
          %parallel_loop3A_1325 = arith.index_cast %rem3A_956 : i32 to index
          %parallel_loop3A_1326 = arith.index_cast %parallel_loop3A_982 : i32 to index
          %parallel_loop3A_1327 = arith.index_cast %parallel_loop3A_1324 : i32 to index
          %parallel_loop3A_1328 = arith.constant 48 : index
          %parallel_loop3A_1329 = tpu.vector_load %arg8[%parallel_loop3A_1325, %parallel_loop3A_1326, %parallel_loop3A_1327, %parallel_loop3A_1328] {strides = array<i32>} : memref<2x8x8x128xf32, #tpu.memory_space<vmem>>, vector<16xf32>,
          tpu.vector_store %arg8[%parallel_loop3A_1325, %parallel_loop3A_1326, %parallel_loop3A_1327, %parallel_loop3A_1328], %parallel_loop3A_1323 {strides = array<i32>} : memref<2x8x8x128xf32, #tpu.memory_space<vmem>>, vector<16xf32>,
          %parallel_loop3A_1330 = arith.constant 64 : i32
          %parallel_loop3A_1331 = vector.broadcast %parallel_loop3A_1330 : i32 to vector<16xi32>
          %parallel_loop3A_1332 = arith.addi %parallel_loop3A_1331, %iota3A : vector<16xi32>
          %parallel_loop3A_1333 = vector.broadcast %parallel_loop3A_985 : i32 to vector<16xi32>
          %parallel_loop3A_1334 = tpu.vector_load_idx %arg7[%parallel_loop3A_1332, %parallel_loop3A_1333] : memref<128x128xi32, #tpu.memory_space<vmem>>[vector<16xi32>, vector<16xi32>], vector<16xi32>,
          %parallel_loop3A_1335 = arith.constant 64 : i32
          %parallel_loop3A_1336 = vector.broadcast %parallel_loop3A_1335 : i32 to vector<16xi32>
          %parallel_loop3A_1337 = arith.cmpi slt, %parallel_loop3A_1334, %parallel_loop3A_1336 : vector<16xi32>
          %parallel_loop3A_1338 = arith.constant 1 : i32
          %parallel_loop3A_1339 = vector.broadcast %parallel_loop3A_1338 : i32 to vector<16xi32>
          %parallel_loop3A_1340 = arith.addi %parallel_loop3A_1334, %parallel_loop3A_1339 : vector<16xi32>
          %parallel_loop3A_1341 = arith.constant 65 : i32
          %parallel_loop3A_1342 = vector.broadcast %parallel_loop3A_1341 : i32 to vector<16xi32>
          %parallel_loop3A_1343 = arith.select %parallel_loop3A_1337, %parallel_loop3A_1340, %parallel_loop3A_1342 : vector<16xi1>, vector<16xi32>
          %parallel_loop3A_1344 = arith.constant 0 : i32
          %parallel_loop3A_1345 = vector.broadcast %parallel_loop3A_1344 : i32 to vector<16xi32>
          %parallel_loop3A_1346 = tpu.vector_load_idx %arg6[%parallel_loop3A_1343, %parallel_loop3A_1345, %parallel_loop3A_1332] : memref<66x8x128xf32, #tpu.memory_space<vmem>>[vector<16xi32>, vector<16xi32>, vector<16xi32>], vector<16xf32>,
          %parallel_loop3A_1347 = arith.constant 0 : i32
          %parallel_loop3A_1348 = arith.index_cast %rem3A_956 : i32 to index
          %parallel_loop3A_1349 = arith.index_cast %parallel_loop3A_982 : i32 to index
          %parallel_loop3A_1350 = arith.index_cast %parallel_loop3A_1347 : i32 to index
          %parallel_loop3A_1351 = arith.constant 64 : index
          %parallel_loop3A_1352 = tpu.vector_load %arg8[%parallel_loop3A_1348, %parallel_loop3A_1349, %parallel_loop3A_1350, %parallel_loop3A_1351] {strides = array<i32>} : memref<2x8x8x128xf32, #tpu.memory_space<vmem>>, vector<16xf32>,
          tpu.vector_store %arg8[%parallel_loop3A_1348, %parallel_loop3A_1349, %parallel_loop3A_1350, %parallel_loop3A_1351], %parallel_loop3A_1346 {strides = array<i32>} : memref<2x8x8x128xf32, #tpu.memory_space<vmem>>, vector<16xf32>,
          %parallel_loop3A_1353 = arith.constant 1 : i32
          %parallel_loop3A_1354 = vector.broadcast %parallel_loop3A_1353 : i32 to vector<16xi32>
          %parallel_loop3A_1355 = tpu.vector_load_idx %arg6[%parallel_loop3A_1343, %parallel_loop3A_1354, %parallel_loop3A_1332] : memref<66x8x128xf32, #tpu.memory_space<vmem>>[vector<16xi32>, vector<16xi32>, vector<16xi32>], vector<16xf32>,
          %parallel_loop3A_1356 = arith.constant 1 : i32
          %parallel_loop3A_1357 = arith.index_cast %rem3A_956 : i32 to index
          %parallel_loop3A_1358 = arith.index_cast %parallel_loop3A_982 : i32 to index
          %parallel_loop3A_1359 = arith.index_cast %parallel_loop3A_1356 : i32 to index
          %parallel_loop3A_1360 = arith.constant 64 : index
          %parallel_loop3A_1361 = tpu.vector_load %arg8[%parallel_loop3A_1357, %parallel_loop3A_1358, %parallel_loop3A_1359, %parallel_loop3A_1360] {strides = array<i32>} : memref<2x8x8x128xf32, #tpu.memory_space<vmem>>, vector<16xf32>,
          tpu.vector_store %arg8[%parallel_loop3A_1357, %parallel_loop3A_1358, %parallel_loop3A_1359, %parallel_loop3A_1360], %parallel_loop3A_1355 {strides = array<i32>} : memref<2x8x8x128xf32, #tpu.memory_space<vmem>>, vector<16xf32>,
          %parallel_loop3A_1362 = arith.constant 2 : i32
          %parallel_loop3A_1363 = vector.broadcast %parallel_loop3A_1362 : i32 to vector<16xi32>
          %parallel_loop3A_1364 = tpu.vector_load_idx %arg6[%parallel_loop3A_1343, %parallel_loop3A_1363, %parallel_loop3A_1332] : memref<66x8x128xf32, #tpu.memory_space<vmem>>[vector<16xi32>, vector<16xi32>, vector<16xi32>], vector<16xf32>,
          %parallel_loop3A_1365 = arith.constant 2 : i32
          %parallel_loop3A_1366 = arith.index_cast %rem3A_956 : i32 to index
          %parallel_loop3A_1367 = arith.index_cast %parallel_loop3A_982 : i32 to index
          %parallel_loop3A_1368 = arith.index_cast %parallel_loop3A_1365 : i32 to index
          %parallel_loop3A_1369 = arith.constant 64 : index
          %parallel_loop3A_1370 = tpu.vector_load %arg8[%parallel_loop3A_1366, %parallel_loop3A_1367, %parallel_loop3A_1368, %parallel_loop3A_1369] {strides = array<i32>} : memref<2x8x8x128xf32, #tpu.memory_space<vmem>>, vector<16xf32>,
          tpu.vector_store %arg8[%parallel_loop3A_1366, %parallel_loop3A_1367, %parallel_loop3A_1368, %parallel_loop3A_1369], %parallel_loop3A_1364 {strides = array<i32>} : memref<2x8x8x128xf32, #tpu.memory_space<vmem>>, vector<16xf32>,
          %parallel_loop3A_1371 = arith.constant 3 : i32
          %parallel_loop3A_1372 = vector.broadcast %parallel_loop3A_1371 : i32 to vector<16xi32>
          %parallel_loop3A_1373 = tpu.vector_load_idx %arg6[%parallel_loop3A_1343, %parallel_loop3A_1372, %parallel_loop3A_1332] : memref<66x8x128xf32, #tpu.memory_space<vmem>>[vector<16xi32>, vector<16xi32>, vector<16xi32>], vector<16xf32>,
          %parallel_loop3A_1374 = arith.constant 3 : i32
          %parallel_loop3A_1375 = arith.index_cast %rem3A_956 : i32 to index
          %parallel_loop3A_1376 = arith.index_cast %parallel_loop3A_982 : i32 to index
          %parallel_loop3A_1377 = arith.index_cast %parallel_loop3A_1374 : i32 to index
          %parallel_loop3A_1378 = arith.constant 64 : index
          %parallel_loop3A_1379 = tpu.vector_load %arg8[%parallel_loop3A_1375, %parallel_loop3A_1376, %parallel_loop3A_1377, %parallel_loop3A_1378] {strides = array<i32>} : memref<2x8x8x128xf32, #tpu.memory_space<vmem>>, vector<16xf32>,
          tpu.vector_store %arg8[%parallel_loop3A_1375, %parallel_loop3A_1376, %parallel_loop3A_1377, %parallel_loop3A_1378], %parallel_loop3A_1373 {strides = array<i32>} : memref<2x8x8x128xf32, #tpu.memory_space<vmem>>, vector<16xf32>,
          %parallel_loop3A_1380 = arith.constant 4 : i32
          %parallel_loop3A_1381 = vector.broadcast %parallel_loop3A_1380 : i32 to vector<16xi32>
          %parallel_loop3A_1382 = tpu.vector_load_idx %arg6[%parallel_loop3A_1343, %parallel_loop3A_1381, %parallel_loop3A_1332] : memref<66x8x128xf32, #tpu.memory_space<vmem>>[vector<16xi32>, vector<16xi32>, vector<16xi32>], vector<16xf32>,
          %parallel_loop3A_1383 = arith.constant 4 : i32
          %parallel_loop3A_1384 = arith.index_cast %rem3A_956 : i32 to index
          %parallel_loop3A_1385 = arith.index_cast %parallel_loop3A_982 : i32 to index
          %parallel_loop3A_1386 = arith.index_cast %parallel_loop3A_1383 : i32 to index
          %parallel_loop3A_1387 = arith.constant 64 : index
          %parallel_loop3A_1388 = tpu.vector_load %arg8[%parallel_loop3A_1384, %parallel_loop3A_1385, %parallel_loop3A_1386, %parallel_loop3A_1387] {strides = array<i32>} : memref<2x8x8x128xf32, #tpu.memory_space<vmem>>, vector<16xf32>,
          tpu.vector_store %arg8[%parallel_loop3A_1384, %parallel_loop3A_1385, %parallel_loop3A_1386, %parallel_loop3A_1387], %parallel_loop3A_1382 {strides = array<i32>} : memref<2x8x8x128xf32, #tpu.memory_space<vmem>>, vector<16xf32>,
          %parallel_loop3A_1389 = arith.constant 5 : i32
          %parallel_loop3A_1390 = vector.broadcast %parallel_loop3A_1389 : i32 to vector<16xi32>
          %parallel_loop3A_1391 = tpu.vector_load_idx %arg6[%parallel_loop3A_1343, %parallel_loop3A_1390, %parallel_loop3A_1332] : memref<66x8x128xf32, #tpu.memory_space<vmem>>[vector<16xi32>, vector<16xi32>, vector<16xi32>], vector<16xf32>,
          %parallel_loop3A_1392 = arith.constant 5 : i32
          %parallel_loop3A_1393 = arith.index_cast %rem3A_956 : i32 to index
          %parallel_loop3A_1394 = arith.index_cast %parallel_loop3A_982 : i32 to index
          %parallel_loop3A_1395 = arith.index_cast %parallel_loop3A_1392 : i32 to index
          %parallel_loop3A_1396 = arith.constant 64 : index
          %parallel_loop3A_1397 = tpu.vector_load %arg8[%parallel_loop3A_1393, %parallel_loop3A_1394, %parallel_loop3A_1395, %parallel_loop3A_1396] {strides = array<i32>} : memref<2x8x8x128xf32, #tpu.memory_space<vmem>>, vector<16xf32>,
          tpu.vector_store %arg8[%parallel_loop3A_1393, %parallel_loop3A_1394, %parallel_loop3A_1395, %parallel_loop3A_1396], %parallel_loop3A_1391 {strides = array<i32>} : memref<2x8x8x128xf32, #tpu.memory_space<vmem>>, vector<16xf32>,
          %parallel_loop3A_1398 = arith.constant 6 : i32
          %parallel_loop3A_1399 = vector.broadcast %parallel_loop3A_1398 : i32 to vector<16xi32>
          %parallel_loop3A_1400 = tpu.vector_load_idx %arg6[%parallel_loop3A_1343, %parallel_loop3A_1399, %parallel_loop3A_1332] : memref<66x8x128xf32, #tpu.memory_space<vmem>>[vector<16xi32>, vector<16xi32>, vector<16xi32>], vector<16xf32>,
          %parallel_loop3A_1401 = arith.constant 6 : i32
          %parallel_loop3A_1402 = arith.index_cast %rem3A_956 : i32 to index
          %parallel_loop3A_1403 = arith.index_cast %parallel_loop3A_982 : i32 to index
          %parallel_loop3A_1404 = arith.index_cast %parallel_loop3A_1401 : i32 to index
          %parallel_loop3A_1405 = arith.constant 64 : index
          %parallel_loop3A_1406 = tpu.vector_load %arg8[%parallel_loop3A_1402, %parallel_loop3A_1403, %parallel_loop3A_1404, %parallel_loop3A_1405] {strides = array<i32>} : memref<2x8x8x128xf32, #tpu.memory_space<vmem>>, vector<16xf32>,
          tpu.vector_store %arg8[%parallel_loop3A_1402, %parallel_loop3A_1403, %parallel_loop3A_1404, %parallel_loop3A_1405], %parallel_loop3A_1400 {strides = array<i32>} : memref<2x8x8x128xf32, #tpu.memory_space<vmem>>, vector<16xf32>,
          %parallel_loop3A_1407 = arith.constant 7 : i32
          %parallel_loop3A_1408 = vector.broadcast %parallel_loop3A_1407 : i32 to vector<16xi32>
          %parallel_loop3A_1409 = tpu.vector_load_idx %arg6[%parallel_loop3A_1343, %parallel_loop3A_1408, %parallel_loop3A_1332] : memref<66x8x128xf32, #tpu.memory_space<vmem>>[vector<16xi32>, vector<16xi32>, vector<16xi32>], vector<16xf32>,
          %parallel_loop3A_1410 = arith.constant 7 : i32
          %parallel_loop3A_1411 = arith.index_cast %rem3A_956 : i32 to index
          %parallel_loop3A_1412 = arith.index_cast %parallel_loop3A_982 : i32 to index
          %parallel_loop3A_1413 = arith.index_cast %parallel_loop3A_1410 : i32 to index
          %parallel_loop3A_1414 = arith.constant 64 : index
          %parallel_loop3A_1415 = tpu.vector_load %arg8[%parallel_loop3A_1411, %parallel_loop3A_1412, %parallel_loop3A_1413, %parallel_loop3A_1414] {strides = array<i32>} : memref<2x8x8x128xf32, #tpu.memory_space<vmem>>, vector<16xf32>,
          tpu.vector_store %arg8[%parallel_loop3A_1411, %parallel_loop3A_1412, %parallel_loop3A_1413, %parallel_loop3A_1414], %parallel_loop3A_1409 {strides = array<i32>} : memref<2x8x8x128xf32, #tpu.memory_space<vmem>>, vector<16xf32>,
          %parallel_loop3A_1416 = arith.constant 80 : i32
          %parallel_loop3A_1417 = vector.broadcast %parallel_loop3A_1416 : i32 to vector<16xi32>
          %parallel_loop3A_1418 = arith.addi %parallel_loop3A_1417, %iota3A : vector<16xi32>
          %parallel_loop3A_1419 = vector.broadcast %parallel_loop3A_985 : i32 to vector<16xi32>
          %parallel_loop3A_1420 = tpu.vector_load_idx %arg7[%parallel_loop3A_1418, %parallel_loop3A_1419] : memref<128x128xi32, #tpu.memory_space<vmem>>[vector<16xi32>, vector<16xi32>], vector<16xi32>,
          %parallel_loop3A_1421 = arith.constant 64 : i32
          %parallel_loop3A_1422 = vector.broadcast %parallel_loop3A_1421 : i32 to vector<16xi32>
          %parallel_loop3A_1423 = arith.cmpi slt, %parallel_loop3A_1420, %parallel_loop3A_1422 : vector<16xi32>
          %parallel_loop3A_1424 = arith.constant 1 : i32
          %parallel_loop3A_1425 = vector.broadcast %parallel_loop3A_1424 : i32 to vector<16xi32>
          %parallel_loop3A_1426 = arith.addi %parallel_loop3A_1420, %parallel_loop3A_1425 : vector<16xi32>
          %parallel_loop3A_1427 = arith.constant 65 : i32
          %parallel_loop3A_1428 = vector.broadcast %parallel_loop3A_1427 : i32 to vector<16xi32>
          %parallel_loop3A_1429 = arith.select %parallel_loop3A_1423, %parallel_loop3A_1426, %parallel_loop3A_1428 : vector<16xi1>, vector<16xi32>
          %parallel_loop3A_1430 = arith.constant 0 : i32
          %parallel_loop3A_1431 = vector.broadcast %parallel_loop3A_1430 : i32 to vector<16xi32>
          %parallel_loop3A_1432 = tpu.vector_load_idx %arg6[%parallel_loop3A_1429, %parallel_loop3A_1431, %parallel_loop3A_1418] : memref<66x8x128xf32, #tpu.memory_space<vmem>>[vector<16xi32>, vector<16xi32>, vector<16xi32>], vector<16xf32>,
          %parallel_loop3A_1433 = arith.constant 0 : i32
          %parallel_loop3A_1434 = arith.index_cast %rem3A_956 : i32 to index
          %parallel_loop3A_1435 = arith.index_cast %parallel_loop3A_982 : i32 to index
          %parallel_loop3A_1436 = arith.index_cast %parallel_loop3A_1433 : i32 to index
          %parallel_loop3A_1437 = arith.constant 80 : index
          %parallel_loop3A_1438 = tpu.vector_load %arg8[%parallel_loop3A_1434, %parallel_loop3A_1435, %parallel_loop3A_1436, %parallel_loop3A_1437] {strides = array<i32>} : memref<2x8x8x128xf32, #tpu.memory_space<vmem>>, vector<16xf32>,
          tpu.vector_store %arg8[%parallel_loop3A_1434, %parallel_loop3A_1435, %parallel_loop3A_1436, %parallel_loop3A_1437], %parallel_loop3A_1432 {strides = array<i32>} : memref<2x8x8x128xf32, #tpu.memory_space<vmem>>, vector<16xf32>,
          %parallel_loop3A_1439 = arith.constant 1 : i32
          %parallel_loop3A_1440 = vector.broadcast %parallel_loop3A_1439 : i32 to vector<16xi32>
          %parallel_loop3A_1441 = tpu.vector_load_idx %arg6[%parallel_loop3A_1429, %parallel_loop3A_1440, %parallel_loop3A_1418] : memref<66x8x128xf32, #tpu.memory_space<vmem>>[vector<16xi32>, vector<16xi32>, vector<16xi32>], vector<16xf32>,
          %parallel_loop3A_1442 = arith.constant 1 : i32
          %parallel_loop3A_1443 = arith.index_cast %rem3A_956 : i32 to index
          %parallel_loop3A_1444 = arith.index_cast %parallel_loop3A_982 : i32 to index
          %parallel_loop3A_1445 = arith.index_cast %parallel_loop3A_1442 : i32 to index
          %parallel_loop3A_1446 = arith.constant 80 : index
          %parallel_loop3A_1447 = tpu.vector_load %arg8[%parallel_loop3A_1443, %parallel_loop3A_1444, %parallel_loop3A_1445, %parallel_loop3A_1446] {strides = array<i32>} : memref<2x8x8x128xf32, #tpu.memory_space<vmem>>, vector<16xf32>,
          tpu.vector_store %arg8[%parallel_loop3A_1443, %parallel_loop3A_1444, %parallel_loop3A_1445, %parallel_loop3A_1446], %parallel_loop3A_1441 {strides = array<i32>} : memref<2x8x8x128xf32, #tpu.memory_space<vmem>>, vector<16xf32>,
          %parallel_loop3A_1448 = arith.constant 2 : i32
          %parallel_loop3A_1449 = vector.broadcast %parallel_loop3A_1448 : i32 to vector<16xi32>
          %parallel_loop3A_1450 = tpu.vector_load_idx %arg6[%parallel_loop3A_1429, %parallel_loop3A_1449, %parallel_loop3A_1418] : memref<66x8x128xf32, #tpu.memory_space<vmem>>[vector<16xi32>, vector<16xi32>, vector<16xi32>], vector<16xf32>,
          %parallel_loop3A_1451 = arith.constant 2 : i32
          %parallel_loop3A_1452 = arith.index_cast %rem3A_956 : i32 to index
          %parallel_loop3A_1453 = arith.index_cast %parallel_loop3A_982 : i32 to index
          %parallel_loop3A_1454 = arith.index_cast %parallel_loop3A_1451 : i32 to index
          %parallel_loop3A_1455 = arith.constant 80 : index
          %parallel_loop3A_1456 = tpu.vector_load %arg8[%parallel_loop3A_1452, %parallel_loop3A_1453, %parallel_loop3A_1454, %parallel_loop3A_1455] {strides = array<i32>} : memref<2x8x8x128xf32, #tpu.memory_space<vmem>>, vector<16xf32>,
          tpu.vector_store %arg8[%parallel_loop3A_1452, %parallel_loop3A_1453, %parallel_loop3A_1454, %parallel_loop3A_1455], %parallel_loop3A_1450 {strides = array<i32>} : memref<2x8x8x128xf32, #tpu.memory_space<vmem>>, vector<16xf32>,
          %parallel_loop3A_1457 = arith.constant 3 : i32
          %parallel_loop3A_1458 = vector.broadcast %parallel_loop3A_1457 : i32 to vector<16xi32>
          %parallel_loop3A_1459 = tpu.vector_load_idx %arg6[%parallel_loop3A_1429, %parallel_loop3A_1458, %parallel_loop3A_1418] : memref<66x8x128xf32, #tpu.memory_space<vmem>>[vector<16xi32>, vector<16xi32>, vector<16xi32>], vector<16xf32>,
          %parallel_loop3A_1460 = arith.constant 3 : i32
          %parallel_loop3A_1461 = arith.index_cast %rem3A_956 : i32 to index
          %parallel_loop3A_1462 = arith.index_cast %parallel_loop3A_982 : i32 to index
          %parallel_loop3A_1463 = arith.index_cast %parallel_loop3A_1460 : i32 to index
          %parallel_loop3A_1464 = arith.constant 80 : index
          %parallel_loop3A_1465 = tpu.vector_load %arg8[%parallel_loop3A_1461, %parallel_loop3A_1462, %parallel_loop3A_1463, %parallel_loop3A_1464] {strides = array<i32>} : memref<2x8x8x128xf32, #tpu.memory_space<vmem>>, vector<16xf32>,
          tpu.vector_store %arg8[%parallel_loop3A_1461, %parallel_loop3A_1462, %parallel_loop3A_1463, %parallel_loop3A_1464], %parallel_loop3A_1459 {strides = array<i32>} : memref<2x8x8x128xf32, #tpu.memory_space<vmem>>, vector<16xf32>,
          %parallel_loop3A_1466 = arith.constant 4 : i32
          %parallel_loop3A_1467 = vector.broadcast %parallel_loop3A_1466 : i32 to vector<16xi32>
          %parallel_loop3A_1468 = tpu.vector_load_idx %arg6[%parallel_loop3A_1429, %parallel_loop3A_1467, %parallel_loop3A_1418] : memref<66x8x128xf32, #tpu.memory_space<vmem>>[vector<16xi32>, vector<16xi32>, vector<16xi32>], vector<16xf32>,
          %parallel_loop3A_1469 = arith.constant 4 : i32
          %parallel_loop3A_1470 = arith.index_cast %rem3A_956 : i32 to index
          %parallel_loop3A_1471 = arith.index_cast %parallel_loop3A_982 : i32 to index
          %parallel_loop3A_1472 = arith.index_cast %parallel_loop3A_1469 : i32 to index
          %parallel_loop3A_1473 = arith.constant 80 : index
          %parallel_loop3A_1474 = tpu.vector_load %arg8[%parallel_loop3A_1470, %parallel_loop3A_1471, %parallel_loop3A_1472, %parallel_loop3A_1473] {strides = array<i32>} : memref<2x8x8x128xf32, #tpu.memory_space<vmem>>, vector<16xf32>,
          tpu.vector_store %arg8[%parallel_loop3A_1470, %parallel_loop3A_1471, %parallel_loop3A_1472, %parallel_loop3A_1473], %parallel_loop3A_1468 {strides = array<i32>} : memref<2x8x8x128xf32, #tpu.memory_space<vmem>>, vector<16xf32>,
          %parallel_loop3A_1475 = arith.constant 5 : i32
          %parallel_loop3A_1476 = vector.broadcast %parallel_loop3A_1475 : i32 to vector<16xi32>
          %parallel_loop3A_1477 = tpu.vector_load_idx %arg6[%parallel_loop3A_1429, %parallel_loop3A_1476, %parallel_loop3A_1418] : memref<66x8x128xf32, #tpu.memory_space<vmem>>[vector<16xi32>, vector<16xi32>, vector<16xi32>], vector<16xf32>,
          %parallel_loop3A_1478 = arith.constant 5 : i32
          %parallel_loop3A_1479 = arith.index_cast %rem3A_956 : i32 to index
          %parallel_loop3A_1480 = arith.index_cast %parallel_loop3A_982 : i32 to index
          %parallel_loop3A_1481 = arith.index_cast %parallel_loop3A_1478 : i32 to index
          %parallel_loop3A_1482 = arith.constant 80 : index
          %parallel_loop3A_1483 = tpu.vector_load %arg8[%parallel_loop3A_1479, %parallel_loop3A_1480, %parallel_loop3A_1481, %parallel_loop3A_1482] {strides = array<i32>} : memref<2x8x8x128xf32, #tpu.memory_space<vmem>>, vector<16xf32>,
          tpu.vector_store %arg8[%parallel_loop3A_1479, %parallel_loop3A_1480, %parallel_loop3A_1481, %parallel_loop3A_1482], %parallel_loop3A_1477 {strides = array<i32>} : memref<2x8x8x128xf32, #tpu.memory_space<vmem>>, vector<16xf32>,
          %parallel_loop3A_1484 = arith.constant 6 : i32
          %parallel_loop3A_1485 = vector.broadcast %parallel_loop3A_1484 : i32 to vector<16xi32>
          %parallel_loop3A_1486 = tpu.vector_load_idx %arg6[%parallel_loop3A_1429, %parallel_loop3A_1485, %parallel_loop3A_1418] : memref<66x8x128xf32, #tpu.memory_space<vmem>>[vector<16xi32>, vector<16xi32>, vector<16xi32>], vector<16xf32>,
          %parallel_loop3A_1487 = arith.constant 6 : i32
          %parallel_loop3A_1488 = arith.index_cast %rem3A_956 : i32 to index
          %parallel_loop3A_1489 = arith.index_cast %parallel_loop3A_982 : i32 to index
          %parallel_loop3A_1490 = arith.index_cast %parallel_loop3A_1487 : i32 to index
          %parallel_loop3A_1491 = arith.constant 80 : index
          %parallel_loop3A_1492 = tpu.vector_load %arg8[%parallel_loop3A_1488, %parallel_loop3A_1489, %parallel_loop3A_1490, %parallel_loop3A_1491] {strides = array<i32>} : memref<2x8x8x128xf32, #tpu.memory_space<vmem>>, vector<16xf32>,
          tpu.vector_store %arg8[%parallel_loop3A_1488, %parallel_loop3A_1489, %parallel_loop3A_1490, %parallel_loop3A_1491], %parallel_loop3A_1486 {strides = array<i32>} : memref<2x8x8x128xf32, #tpu.memory_space<vmem>>, vector<16xf32>,
          %parallel_loop3A_1493 = arith.constant 7 : i32
          %parallel_loop3A_1494 = vector.broadcast %parallel_loop3A_1493 : i32 to vector<16xi32>
          %parallel_loop3A_1495 = tpu.vector_load_idx %arg6[%parallel_loop3A_1429, %parallel_loop3A_1494, %parallel_loop3A_1418] : memref<66x8x128xf32, #tpu.memory_space<vmem>>[vector<16xi32>, vector<16xi32>, vector<16xi32>], vector<16xf32>,
          %parallel_loop3A_1496 = arith.constant 7 : i32
          %parallel_loop3A_1497 = arith.index_cast %rem3A_956 : i32 to index
          %parallel_loop3A_1498 = arith.index_cast %parallel_loop3A_982 : i32 to index
          %parallel_loop3A_1499 = arith.index_cast %parallel_loop3A_1496 : i32 to index
          %parallel_loop3A_1500 = arith.constant 80 : index
          %parallel_loop3A_1501 = tpu.vector_load %arg8[%parallel_loop3A_1497, %parallel_loop3A_1498, %parallel_loop3A_1499, %parallel_loop3A_1500] {strides = array<i32>} : memref<2x8x8x128xf32, #tpu.memory_space<vmem>>, vector<16xf32>,
          tpu.vector_store %arg8[%parallel_loop3A_1497, %parallel_loop3A_1498, %parallel_loop3A_1499, %parallel_loop3A_1500], %parallel_loop3A_1495 {strides = array<i32>} : memref<2x8x8x128xf32, #tpu.memory_space<vmem>>, vector<16xf32>,
          %parallel_loop3A_1502 = arith.constant 96 : i32
          %parallel_loop3A_1503 = vector.broadcast %parallel_loop3A_1502 : i32 to vector<16xi32>
          %parallel_loop3A_1504 = arith.addi %parallel_loop3A_1503, %iota3A : vector<16xi32>
          %parallel_loop3A_1505 = vector.broadcast %parallel_loop3A_985 : i32 to vector<16xi32>
          %parallel_loop3A_1506 = tpu.vector_load_idx %arg7[%parallel_loop3A_1504, %parallel_loop3A_1505] : memref<128x128xi32, #tpu.memory_space<vmem>>[vector<16xi32>, vector<16xi32>], vector<16xi32>,
          %parallel_loop3A_1507 = arith.constant 64 : i32
          %parallel_loop3A_1508 = vector.broadcast %parallel_loop3A_1507 : i32 to vector<16xi32>
          %parallel_loop3A_1509 = arith.cmpi slt, %parallel_loop3A_1506, %parallel_loop3A_1508 : vector<16xi32>
          %parallel_loop3A_1510 = arith.constant 1 : i32
          %parallel_loop3A_1511 = vector.broadcast %parallel_loop3A_1510 : i32 to vector<16xi32>
          %parallel_loop3A_1512 = arith.addi %parallel_loop3A_1506, %parallel_loop3A_1511 : vector<16xi32>
          %parallel_loop3A_1513 = arith.constant 65 : i32
          %parallel_loop3A_1514 = vector.broadcast %parallel_loop3A_1513 : i32 to vector<16xi32>
          %parallel_loop3A_1515 = arith.select %parallel_loop3A_1509, %parallel_loop3A_1512, %parallel_loop3A_1514 : vector<16xi1>, vector<16xi32>
          %parallel_loop3A_1516 = arith.constant 0 : i32
          %parallel_loop3A_1517 = vector.broadcast %parallel_loop3A_1516 : i32 to vector<16xi32>
          %parallel_loop3A_1518 = tpu.vector_load_idx %arg6[%parallel_loop3A_1515, %parallel_loop3A_1517, %parallel_loop3A_1504] : memref<66x8x128xf32, #tpu.memory_space<vmem>>[vector<16xi32>, vector<16xi32>, vector<16xi32>], vector<16xf32>,
          %parallel_loop3A_1519 = arith.constant 0 : i32
          %parallel_loop3A_1520 = arith.index_cast %rem3A_956 : i32 to index
          %parallel_loop3A_1521 = arith.index_cast %parallel_loop3A_982 : i32 to index
          %parallel_loop3A_1522 = arith.index_cast %parallel_loop3A_1519 : i32 to index
          %parallel_loop3A_1523 = arith.constant 96 : index
          %parallel_loop3A_1524 = tpu.vector_load %arg8[%parallel_loop3A_1520, %parallel_loop3A_1521, %parallel_loop3A_1522, %parallel_loop3A_1523] {strides = array<i32>} : memref<2x8x8x128xf32, #tpu.memory_space<vmem>>, vector<16xf32>,
          tpu.vector_store %arg8[%parallel_loop3A_1520, %parallel_loop3A_1521, %parallel_loop3A_1522, %parallel_loop3A_1523], %parallel_loop3A_1518 {strides = array<i32>} : memref<2x8x8x128xf32, #tpu.memory_space<vmem>>, vector<16xf32>,
          %parallel_loop3A_1525 = arith.constant 1 : i32
          %parallel_loop3A_1526 = vector.broadcast %parallel_loop3A_1525 : i32 to vector<16xi32>
          %parallel_loop3A_1527 = tpu.vector_load_idx %arg6[%parallel_loop3A_1515, %parallel_loop3A_1526, %parallel_loop3A_1504] : memref<66x8x128xf32, #tpu.memory_space<vmem>>[vector<16xi32>, vector<16xi32>, vector<16xi32>], vector<16xf32>,
          %parallel_loop3A_1528 = arith.constant 1 : i32
          %parallel_loop3A_1529 = arith.index_cast %rem3A_956 : i32 to index
          %parallel_loop3A_1530 = arith.index_cast %parallel_loop3A_982 : i32 to index
          %parallel_loop3A_1531 = arith.index_cast %parallel_loop3A_1528 : i32 to index
          %parallel_loop3A_1532 = arith.constant 96 : index
          %parallel_loop3A_1533 = tpu.vector_load %arg8[%parallel_loop3A_1529, %parallel_loop3A_1530, %parallel_loop3A_1531, %parallel_loop3A_1532] {strides = array<i32>} : memref<2x8x8x128xf32, #tpu.memory_space<vmem>>, vector<16xf32>,
          tpu.vector_store %arg8[%parallel_loop3A_1529, %parallel_loop3A_1530, %parallel_loop3A_1531, %parallel_loop3A_1532], %parallel_loop3A_1527 {strides = array<i32>} : memref<2x8x8x128xf32, #tpu.memory_space<vmem>>, vector<16xf32>,
          %parallel_loop3A_1534 = arith.constant 2 : i32
          %parallel_loop3A_1535 = vector.broadcast %parallel_loop3A_1534 : i32 to vector<16xi32>
          %parallel_loop3A_1536 = tpu.vector_load_idx %arg6[%parallel_loop3A_1515, %parallel_loop3A_1535, %parallel_loop3A_1504] : memref<66x8x128xf32, #tpu.memory_space<vmem>>[vector<16xi32>, vector<16xi32>, vector<16xi32>], vector<16xf32>,
          %parallel_loop3A_1537 = arith.constant 2 : i32
          %parallel_loop3A_1538 = arith.index_cast %rem3A_956 : i32 to index
          %parallel_loop3A_1539 = arith.index_cast %parallel_loop3A_982 : i32 to index
          %parallel_loop3A_1540 = arith.index_cast %parallel_loop3A_1537 : i32 to index
          %parallel_loop3A_1541 = arith.constant 96 : index
          %parallel_loop3A_1542 = tpu.vector_load %arg8[%parallel_loop3A_1538, %parallel_loop3A_1539, %parallel_loop3A_1540, %parallel_loop3A_1541] {strides = array<i32>} : memref<2x8x8x128xf32, #tpu.memory_space<vmem>>, vector<16xf32>,
          tpu.vector_store %arg8[%parallel_loop3A_1538, %parallel_loop3A_1539, %parallel_loop3A_1540, %parallel_loop3A_1541], %parallel_loop3A_1536 {strides = array<i32>} : memref<2x8x8x128xf32, #tpu.memory_space<vmem>>, vector<16xf32>,
          %parallel_loop3A_1543 = arith.constant 3 : i32
          %parallel_loop3A_1544 = vector.broadcast %parallel_loop3A_1543 : i32 to vector<16xi32>
          %parallel_loop3A_1545 = tpu.vector_load_idx %arg6[%parallel_loop3A_1515, %parallel_loop3A_1544, %parallel_loop3A_1504] : memref<66x8x128xf32, #tpu.memory_space<vmem>>[vector<16xi32>, vector<16xi32>, vector<16xi32>], vector<16xf32>,
          %parallel_loop3A_1546 = arith.constant 3 : i32
          %parallel_loop3A_1547 = arith.index_cast %rem3A_956 : i32 to index
          %parallel_loop3A_1548 = arith.index_cast %parallel_loop3A_982 : i32 to index
          %parallel_loop3A_1549 = arith.index_cast %parallel_loop3A_1546 : i32 to index
          %parallel_loop3A_1550 = arith.constant 96 : index
          %parallel_loop3A_1551 = tpu.vector_load %arg8[%parallel_loop3A_1547, %parallel_loop3A_1548, %parallel_loop3A_1549, %parallel_loop3A_1550] {strides = array<i32>} : memref<2x8x8x128xf32, #tpu.memory_space<vmem>>, vector<16xf32>,
          tpu.vector_store %arg8[%parallel_loop3A_1547, %parallel_loop3A_1548, %parallel_loop3A_1549, %parallel_loop3A_1550], %parallel_loop3A_1545 {strides = array<i32>} : memref<2x8x8x128xf32, #tpu.memory_space<vmem>>, vector<16xf32>,
          %parallel_loop3A_1552 = arith.constant 4 : i32
          %parallel_loop3A_1553 = vector.broadcast %parallel_loop3A_1552 : i32 to vector<16xi32>
          %parallel_loop3A_1554 = tpu.vector_load_idx %arg6[%parallel_loop3A_1515, %parallel_loop3A_1553, %parallel_loop3A_1504] : memref<66x8x128xf32, #tpu.memory_space<vmem>>[vector<16xi32>, vector<16xi32>, vector<16xi32>], vector<16xf32>,
          %parallel_loop3A_1555 = arith.constant 4 : i32
          %parallel_loop3A_1556 = arith.index_cast %rem3A_956 : i32 to index
          %parallel_loop3A_1557 = arith.index_cast %parallel_loop3A_982 : i32 to index
          %parallel_loop3A_1558 = arith.index_cast %parallel_loop3A_1555 : i32 to index
          %parallel_loop3A_1559 = arith.constant 96 : index
          %parallel_loop3A_1560 = tpu.vector_load %arg8[%parallel_loop3A_1556, %parallel_loop3A_1557, %parallel_loop3A_1558, %parallel_loop3A_1559] {strides = array<i32>} : memref<2x8x8x128xf32, #tpu.memory_space<vmem>>, vector<16xf32>,
          tpu.vector_store %arg8[%parallel_loop3A_1556, %parallel_loop3A_1557, %parallel_loop3A_1558, %parallel_loop3A_1559], %parallel_loop3A_1554 {strides = array<i32>} : memref<2x8x8x128xf32, #tpu.memory_space<vmem>>, vector<16xf32>,
          %parallel_loop3A_1561 = arith.constant 5 : i32
          %parallel_loop3A_1562 = vector.broadcast %parallel_loop3A_1561 : i32 to vector<16xi32>
          %parallel_loop3A_1563 = tpu.vector_load_idx %arg6[%parallel_loop3A_1515, %parallel_loop3A_1562, %parallel_loop3A_1504] : memref<66x8x128xf32, #tpu.memory_space<vmem>>[vector<16xi32>, vector<16xi32>, vector<16xi32>], vector<16xf32>,
          %parallel_loop3A_1564 = arith.constant 5 : i32
          %parallel_loop3A_1565 = arith.index_cast %rem3A_956 : i32 to index
          %parallel_loop3A_1566 = arith.index_cast %parallel_loop3A_982 : i32 to index
          %parallel_loop3A_1567 = arith.index_cast %parallel_loop3A_1564 : i32 to index
          %parallel_loop3A_1568 = arith.constant 96 : index
          %parallel_loop3A_1569 = tpu.vector_load %arg8[%parallel_loop3A_1565, %parallel_loop3A_1566, %parallel_loop3A_1567, %parallel_loop3A_1568] {strides = array<i32>} : memref<2x8x8x128xf32, #tpu.memory_space<vmem>>, vector<16xf32>,
          tpu.vector_store %arg8[%parallel_loop3A_1565, %parallel_loop3A_1566, %parallel_loop3A_1567, %parallel_loop3A_1568], %parallel_loop3A_1563 {strides = array<i32>} : memref<2x8x8x128xf32, #tpu.memory_space<vmem>>, vector<16xf32>,
          %parallel_loop3A_1570 = arith.constant 6 : i32
          %parallel_loop3A_1571 = vector.broadcast %parallel_loop3A_1570 : i32 to vector<16xi32>
          %parallel_loop3A_1572 = tpu.vector_load_idx %arg6[%parallel_loop3A_1515, %parallel_loop3A_1571, %parallel_loop3A_1504] : memref<66x8x128xf32, #tpu.memory_space<vmem>>[vector<16xi32>, vector<16xi32>, vector<16xi32>], vector<16xf32>,
          %parallel_loop3A_1573 = arith.constant 6 : i32
          %parallel_loop3A_1574 = arith.index_cast %rem3A_956 : i32 to index
          %parallel_loop3A_1575 = arith.index_cast %parallel_loop3A_982 : i32 to index
          %parallel_loop3A_1576 = arith.index_cast %parallel_loop3A_1573 : i32 to index
          %parallel_loop3A_1577 = arith.constant 96 : index
          %parallel_loop3A_1578 = tpu.vector_load %arg8[%parallel_loop3A_1574, %parallel_loop3A_1575, %parallel_loop3A_1576, %parallel_loop3A_1577] {strides = array<i32>} : memref<2x8x8x128xf32, #tpu.memory_space<vmem>>, vector<16xf32>,
          tpu.vector_store %arg8[%parallel_loop3A_1574, %parallel_loop3A_1575, %parallel_loop3A_1576, %parallel_loop3A_1577], %parallel_loop3A_1572 {strides = array<i32>} : memref<2x8x8x128xf32, #tpu.memory_space<vmem>>, vector<16xf32>,
          %parallel_loop3A_1579 = arith.constant 7 : i32
          %parallel_loop3A_1580 = vector.broadcast %parallel_loop3A_1579 : i32 to vector<16xi32>
          %parallel_loop3A_1581 = tpu.vector_load_idx %arg6[%parallel_loop3A_1515, %parallel_loop3A_1580, %parallel_loop3A_1504] : memref<66x8x128xf32, #tpu.memory_space<vmem>>[vector<16xi32>, vector<16xi32>, vector<16xi32>], vector<16xf32>,
          %parallel_loop3A_1582 = arith.constant 7 : i32
          %parallel_loop3A_1583 = arith.index_cast %rem3A_956 : i32 to index
          %parallel_loop3A_1584 = arith.index_cast %parallel_loop3A_982 : i32 to index
          %parallel_loop3A_1585 = arith.index_cast %parallel_loop3A_1582 : i32 to index
          %parallel_loop3A_1586 = arith.constant 96 : index
          %parallel_loop3A_1587 = tpu.vector_load %arg8[%parallel_loop3A_1583, %parallel_loop3A_1584, %parallel_loop3A_1585, %parallel_loop3A_1586] {strides = array<i32>} : memref<2x8x8x128xf32, #tpu.memory_space<vmem>>, vector<16xf32>,
          tpu.vector_store %arg8[%parallel_loop3A_1583, %parallel_loop3A_1584, %parallel_loop3A_1585, %parallel_loop3A_1586], %parallel_loop3A_1581 {strides = array<i32>} : memref<2x8x8x128xf32, #tpu.memory_space<vmem>>, vector<16xf32>,
          %parallel_loop3A_1588 = arith.constant 112 : i32
          %parallel_loop3A_1589 = vector.broadcast %parallel_loop3A_1588 : i32 to vector<16xi32>
          %parallel_loop3A_1590 = arith.addi %parallel_loop3A_1589, %iota3A : vector<16xi32>
          %parallel_loop3A_1591 = vector.broadcast %parallel_loop3A_985 : i32 to vector<16xi32>
          %parallel_loop3A_1592 = tpu.vector_load_idx %arg7[%parallel_loop3A_1590, %parallel_loop3A_1591] : memref<128x128xi32, #tpu.memory_space<vmem>>[vector<16xi32>, vector<16xi32>], vector<16xi32>,
          %parallel_loop3A_1593 = arith.constant 64 : i32
          %parallel_loop3A_1594 = vector.broadcast %parallel_loop3A_1593 : i32 to vector<16xi32>
          %parallel_loop3A_1595 = arith.cmpi slt, %parallel_loop3A_1592, %parallel_loop3A_1594 : vector<16xi32>
          %parallel_loop3A_1596 = arith.constant 1 : i32
          %parallel_loop3A_1597 = vector.broadcast %parallel_loop3A_1596 : i32 to vector<16xi32>
          %parallel_loop3A_1598 = arith.addi %parallel_loop3A_1592, %parallel_loop3A_1597 : vector<16xi32>
          %parallel_loop3A_1599 = arith.constant 65 : i32
          %parallel_loop3A_1600 = vector.broadcast %parallel_loop3A_1599 : i32 to vector<16xi32>
          %parallel_loop3A_1601 = arith.select %parallel_loop3A_1595, %parallel_loop3A_1598, %parallel_loop3A_1600 : vector<16xi1>, vector<16xi32>
          %parallel_loop3A_1602 = arith.constant 0 : i32
          %parallel_loop3A_1603 = vector.broadcast %parallel_loop3A_1602 : i32 to vector<16xi32>
          %parallel_loop3A_1604 = tpu.vector_load_idx %arg6[%parallel_loop3A_1601, %parallel_loop3A_1603, %parallel_loop3A_1590] : memref<66x8x128xf32, #tpu.memory_space<vmem>>[vector<16xi32>, vector<16xi32>, vector<16xi32>], vector<16xf32>,
          %parallel_loop3A_1605 = arith.constant 0 : i32
          %parallel_loop3A_1606 = arith.index_cast %rem3A_956 : i32 to index
          %parallel_loop3A_1607 = arith.index_cast %parallel_loop3A_982 : i32 to index
          %parallel_loop3A_1608 = arith.index_cast %parallel_loop3A_1605 : i32 to index
          %parallel_loop3A_1609 = arith.constant 112 : index
          %parallel_loop3A_1610 = tpu.vector_load %arg8[%parallel_loop3A_1606, %parallel_loop3A_1607, %parallel_loop3A_1608, %parallel_loop3A_1609] {strides = array<i32>} : memref<2x8x8x128xf32, #tpu.memory_space<vmem>>, vector<16xf32>,
          tpu.vector_store %arg8[%parallel_loop3A_1606, %parallel_loop3A_1607, %parallel_loop3A_1608, %parallel_loop3A_1609], %parallel_loop3A_1604 {strides = array<i32>} : memref<2x8x8x128xf32, #tpu.memory_space<vmem>>, vector<16xf32>,
          %parallel_loop3A_1611 = arith.constant 1 : i32
          %parallel_loop3A_1612 = vector.broadcast %parallel_loop3A_1611 : i32 to vector<16xi32>
          %parallel_loop3A_1613 = tpu.vector_load_idx %arg6[%parallel_loop3A_1601, %parallel_loop3A_1612, %parallel_loop3A_1590] : memref<66x8x128xf32, #tpu.memory_space<vmem>>[vector<16xi32>, vector<16xi32>, vector<16xi32>], vector<16xf32>,
          %parallel_loop3A_1614 = arith.constant 1 : i32
          %parallel_loop3A_1615 = arith.index_cast %rem3A_956 : i32 to index
          %parallel_loop3A_1616 = arith.index_cast %parallel_loop3A_982 : i32 to index
          %parallel_loop3A_1617 = arith.index_cast %parallel_loop3A_1614 : i32 to index
          %parallel_loop3A_1618 = arith.constant 112 : index
          %parallel_loop3A_1619 = tpu.vector_load %arg8[%parallel_loop3A_1615, %parallel_loop3A_1616, %parallel_loop3A_1617, %parallel_loop3A_1618] {strides = array<i32>} : memref<2x8x8x128xf32, #tpu.memory_space<vmem>>, vector<16xf32>,
          tpu.vector_store %arg8[%parallel_loop3A_1615, %parallel_loop3A_1616, %parallel_loop3A_1617, %parallel_loop3A_1618], %parallel_loop3A_1613 {strides = array<i32>} : memref<2x8x8x128xf32, #tpu.memory_space<vmem>>, vector<16xf32>,
          %parallel_loop3A_1620 = arith.constant 2 : i32
          %parallel_loop3A_1621 = vector.broadcast %parallel_loop3A_1620 : i32 to vector<16xi32>
          %parallel_loop3A_1622 = tpu.vector_load_idx %arg6[%parallel_loop3A_1601, %parallel_loop3A_1621, %parallel_loop3A_1590] : memref<66x8x128xf32, #tpu.memory_space<vmem>>[vector<16xi32>, vector<16xi32>, vector<16xi32>], vector<16xf32>,
          %parallel_loop3A_1623 = arith.constant 2 : i32
          %parallel_loop3A_1624 = arith.index_cast %rem3A_956 : i32 to index
          %parallel_loop3A_1625 = arith.index_cast %parallel_loop3A_982 : i32 to index
          %parallel_loop3A_1626 = arith.index_cast %parallel_loop3A_1623 : i32 to index
          %parallel_loop3A_1627 = arith.constant 112 : index
          %parallel_loop3A_1628 = tpu.vector_load %arg8[%parallel_loop3A_1624, %parallel_loop3A_1625, %parallel_loop3A_1626, %parallel_loop3A_1627] {strides = array<i32>} : memref<2x8x8x128xf32, #tpu.memory_space<vmem>>, vector<16xf32>,
          tpu.vector_store %arg8[%parallel_loop3A_1624, %parallel_loop3A_1625, %parallel_loop3A_1626, %parallel_loop3A_1627], %parallel_loop3A_1622 {strides = array<i32>} : memref<2x8x8x128xf32, #tpu.memory_space<vmem>>, vector<16xf32>,
          %parallel_loop3A_1629 = arith.constant 3 : i32
          %parallel_loop3A_1630 = vector.broadcast %parallel_loop3A_1629 : i32 to vector<16xi32>
          %parallel_loop3A_1631 = tpu.vector_load_idx %arg6[%parallel_loop3A_1601, %parallel_loop3A_1630, %parallel_loop3A_1590] : memref<66x8x128xf32, #tpu.memory_space<vmem>>[vector<16xi32>, vector<16xi32>, vector<16xi32>], vector<16xf32>,
          %parallel_loop3A_1632 = arith.constant 3 : i32
          %parallel_loop3A_1633 = arith.index_cast %rem3A_956 : i32 to index
          %parallel_loop3A_1634 = arith.index_cast %parallel_loop3A_982 : i32 to index
          %parallel_loop3A_1635 = arith.index_cast %parallel_loop3A_1632 : i32 to index
          %parallel_loop3A_1636 = arith.constant 112 : index
          %parallel_loop3A_1637 = tpu.vector_load %arg8[%parallel_loop3A_1633, %parallel_loop3A_1634, %parallel_loop3A_1635, %parallel_loop3A_1636] {strides = array<i32>} : memref<2x8x8x128xf32, #tpu.memory_space<vmem>>, vector<16xf32>,
          tpu.vector_store %arg8[%parallel_loop3A_1633, %parallel_loop3A_1634, %parallel_loop3A_1635, %parallel_loop3A_1636], %parallel_loop3A_1631 {strides = array<i32>} : memref<2x8x8x128xf32, #tpu.memory_space<vmem>>, vector<16xf32>,
          %parallel_loop3A_1638 = arith.constant 4 : i32
          %parallel_loop3A_1639 = vector.broadcast %parallel_loop3A_1638 : i32 to vector<16xi32>
          %parallel_loop3A_1640 = tpu.vector_load_idx %arg6[%parallel_loop3A_1601, %parallel_loop3A_1639, %parallel_loop3A_1590] : memref<66x8x128xf32, #tpu.memory_space<vmem>>[vector<16xi32>, vector<16xi32>, vector<16xi32>], vector<16xf32>,
          %parallel_loop3A_1641 = arith.constant 4 : i32
          %parallel_loop3A_1642 = arith.index_cast %rem3A_956 : i32 to index
          %parallel_loop3A_1643 = arith.index_cast %parallel_loop3A_982 : i32 to index
          %parallel_loop3A_1644 = arith.index_cast %parallel_loop3A_1641 : i32 to index
          %parallel_loop3A_1645 = arith.constant 112 : index
          %parallel_loop3A_1646 = tpu.vector_load %arg8[%parallel_loop3A_1642, %parallel_loop3A_1643, %parallel_loop3A_1644, %parallel_loop3A_1645] {strides = array<i32>} : memref<2x8x8x128xf32, #tpu.memory_space<vmem>>, vector<16xf32>,
          tpu.vector_store %arg8[%parallel_loop3A_1642, %parallel_loop3A_1643, %parallel_loop3A_1644, %parallel_loop3A_1645], %parallel_loop3A_1640 {strides = array<i32>} : memref<2x8x8x128xf32, #tpu.memory_space<vmem>>, vector<16xf32>,
          %parallel_loop3A_1647 = arith.constant 5 : i32
          %parallel_loop3A_1648 = vector.broadcast %parallel_loop3A_1647 : i32 to vector<16xi32>
          %parallel_loop3A_1649 = tpu.vector_load_idx %arg6[%parallel_loop3A_1601, %parallel_loop3A_1648, %parallel_loop3A_1590] : memref<66x8x128xf32, #tpu.memory_space<vmem>>[vector<16xi32>, vector<16xi32>, vector<16xi32>], vector<16xf32>,
          %parallel_loop3A_1650 = arith.constant 5 : i32
          %parallel_loop3A_1651 = arith.index_cast %rem3A_956 : i32 to index
          %parallel_loop3A_1652 = arith.index_cast %parallel_loop3A_982 : i32 to index
          %parallel_loop3A_1653 = arith.index_cast %parallel_loop3A_1650 : i32 to index
          %parallel_loop3A_1654 = arith.constant 112 : index
          %parallel_loop3A_1655 = tpu.vector_load %arg8[%parallel_loop3A_1651, %parallel_loop3A_1652, %parallel_loop3A_1653, %parallel_loop3A_1654] {strides = array<i32>} : memref<2x8x8x128xf32, #tpu.memory_space<vmem>>, vector<16xf32>,
          tpu.vector_store %arg8[%parallel_loop3A_1651, %parallel_loop3A_1652, %parallel_loop3A_1653, %parallel_loop3A_1654], %parallel_loop3A_1649 {strides = array<i32>} : memref<2x8x8x128xf32, #tpu.memory_space<vmem>>, vector<16xf32>,
          %parallel_loop3A_1656 = arith.constant 6 : i32
          %parallel_loop3A_1657 = vector.broadcast %parallel_loop3A_1656 : i32 to vector<16xi32>
          %parallel_loop3A_1658 = tpu.vector_load_idx %arg6[%parallel_loop3A_1601, %parallel_loop3A_1657, %parallel_loop3A_1590] : memref<66x8x128xf32, #tpu.memory_space<vmem>>[vector<16xi32>, vector<16xi32>, vector<16xi32>], vector<16xf32>,
          %parallel_loop3A_1659 = arith.constant 6 : i32
          %parallel_loop3A_1660 = arith.index_cast %rem3A_956 : i32 to index
          %parallel_loop3A_1661 = arith.index_cast %parallel_loop3A_982 : i32 to index
          %parallel_loop3A_1662 = arith.index_cast %parallel_loop3A_1659 : i32 to index
          %parallel_loop3A_1663 = arith.constant 112 : index
          %parallel_loop3A_1664 = tpu.vector_load %arg8[%parallel_loop3A_1660, %parallel_loop3A_1661, %parallel_loop3A_1662, %parallel_loop3A_1663] {strides = array<i32>} : memref<2x8x8x128xf32, #tpu.memory_space<vmem>>, vector<16xf32>,
          tpu.vector_store %arg8[%parallel_loop3A_1660, %parallel_loop3A_1661, %parallel_loop3A_1662, %parallel_loop3A_1663], %parallel_loop3A_1658 {strides = array<i32>} : memref<2x8x8x128xf32, #tpu.memory_space<vmem>>, vector<16xf32>,
          %parallel_loop3A_1665 = arith.constant 7 : i32
          %parallel_loop3A_1666 = vector.broadcast %parallel_loop3A_1665 : i32 to vector<16xi32>
          %parallel_loop3A_1667 = tpu.vector_load_idx %arg6[%parallel_loop3A_1601, %parallel_loop3A_1666, %parallel_loop3A_1590] : memref<66x8x128xf32, #tpu.memory_space<vmem>>[vector<16xi32>, vector<16xi32>, vector<16xi32>], vector<16xf32>,
          %parallel_loop3A_1668 = arith.constant 7 : i32
          %parallel_loop3A_1669 = arith.index_cast %rem3A_956 : i32 to index
          %parallel_loop3A_1670 = arith.index_cast %parallel_loop3A_982 : i32 to index
          %parallel_loop3A_1671 = arith.index_cast %parallel_loop3A_1668 : i32 to index
          %parallel_loop3A_1672 = arith.constant 112 : index
          %parallel_loop3A_1673 = tpu.vector_load %arg8[%parallel_loop3A_1669, %parallel_loop3A_1670, %parallel_loop3A_1671, %parallel_loop3A_1672] {strides = array<i32>} : memref<2x8x8x128xf32, #tpu.memory_space<vmem>>, vector<16xf32>,
          tpu.vector_store %arg8[%parallel_loop3A_1669, %parallel_loop3A_1670, %parallel_loop3A_1671, %parallel_loop3A_1672], %parallel_loop3A_1667 {strides = array<i32>} : memref<2x8x8x128xf32, #tpu.memory_space<vmem>>, vector<16xf32>,
        } {sc.loop_unroll_factor = 4 : i64, sc.parallel_access}
        %mul3A_963 = arith.constant 8 : i32
        %mul3A_964 = arith.muli %scan3A_954, %mul3A_963 : i32
        %add3A_965 = arith.addi %mul3A_279, %mul3A_964 : i32
        %add3A_966 = arith.constant 1 : i32
        %add3A_967 = arith.addi %add3A_965, %add3A_966 : i32
        %dma_start3A_968 = arith.constant 0 : i32
        %dma_start3A_969 = arith.constant 0 : i32
        %dma_start3A_970 = arith.constant 0 : i32
        %dma_start3A_971 = tpu.memref_slice %arg8[%rem3A_956, %dma_start3A_968, %dma_start3A_969, %dma_start3A_970] : memref<2x8x8x128xf32, #tpu.memory_space<vmem>> -> memref<1x8x8x128xf32, #tpu.memory_space<vmem>>
        %dma_start3A_972 = tpu.memref_squeeze %dma_start3A_971 : memref<1x8x8x128xf32, #tpu.memory_space<vmem>> -> memref<8x8x128xf32, #tpu.memory_space<vmem>>
        %dma_start3A_973 = tpu.memref_slice %arg5[%add3A_967, %multiple_of3A_223, %multiple_of3A_250] : memref<257x96x512xf32, #tpu.memory_space<hbm>> -> memref<8x8x128xf32, #tpu.memory_space<hbm>>
        %dma_start3A_974 = tpu.memref_slice %arg11[%rem3A_956] : memref<2x!tpu.dma_semaphore, #tpu.memory_space<semaphore_mem>> -> memref<1x!tpu.dma_semaphore, #tpu.memory_space<semaphore_mem>>
        %dma_start3A_975 = tpu.memref_squeeze %dma_start3A_974 : memref<1x!tpu.dma_semaphore, #tpu.memory_space<semaphore_mem>> -> memref<!tpu.dma_semaphore, #tpu.memory_space<semaphore_mem>>
        %dma_start3A_976 = tpu.memref_slice %arg5[%add3A_967, %multiple_of3A_223, %multiple_of3A_250] : memref<257x96x512xf32, #tpu.memory_space<hbm>> -> memref<8x8x128xf32, #tpu.memory_space<hbm>>
        %dma_start3A_977 = arith.constant 0 : i32
        %dma_start3A_978 = arith.constant 0 : i32
        %dma_start3A_979 = arith.constant 0 : i32
        %dma_start3A_980 = tpu.memref_slice %arg8[%rem3A_956, %dma_start3A_977, %dma_start3A_978, %dma_start3A_979] : memref<2x8x8x128xf32, #tpu.memory_space<vmem>> -> memref<1x8x8x128xf32, #tpu.memory_space<vmem>>
        %dma_start3A_981 = tpu.memref_squeeze %dma_start3A_980 : memref<1x8x8x128xf32, #tpu.memory_space<vmem>> -> memref<8x8x128xf32, #tpu.memory_space<vmem>>
        tpu.enqueue_dma source(%dma_start3A_981 : memref<8x8x128xf32, #tpu.memory_space<vmem>>) target(%dma_start3A_976 : memref<8x8x128xf32, #tpu.memory_space<hbm>>) target_semaphore(%dma_start3A_975 : memref<!tpu.dma_semaphore, #tpu.memory_space<semaphore_mem>>)
      }
      %scan3A_907 = arith.constant 16 : i32
      %add3A_908 = arith.constant 1 : i32
      %add3A_909 = arith.addi %scan3A_190, %add3A_908 : i32
      %lt3A = arith.constant 3 : i32
      %lt3A_910 = arith.cmpi slt, %add3A_909, %lt3A : i32
      %convert_element_type3A_911 = arith.extui %lt3A_910 : i1 to i32
      %cond3A_912 = arith.constant 0 : i32
      %cond3A_913 = arith.cmpi ne, %convert_element_type3A_911, %cond3A_912 : i32
      scf.if %cond3A_913 {
        %add3A_954 = arith.constant 1 : i32
        %add3A_955 = arith.addi %scan3A_190, %add3A_954 : i32
        %mul3A_956 = arith.constant 3 : i32
        %mul3A_957 = arith.muli %add3A, %mul3A_956 : i32
        %add3A_958 = arith.addi %mul3A_957, %add3A_955 : i32
        %jit3A_959 = arith.constant 8 : i32
        %div3A_960 = arith.divsi %add3A_958, %jit3A_959 : i32
        %sign3A_961 = arith.constant 0 : i32
        %sign3A_962 = arith.cmpi sgt, %add3A_958, %sign3A_961 : i32
        %sign3A_963 = arith.extui %sign3A_962 : i1 to i32
        %sign3A_964 = arith.constant 0 : i32
        %sign3A_965 = arith.cmpi slt, %add3A_958, %sign3A_964 : i32
        %sign3A_966 = arith.extui %sign3A_965 : i1 to i32
        %sign3A_967 = arith.subi %sign3A_963, %sign3A_966 : i32
        %sign3A_968 = arith.constant 0 : i32
        %sign3A_969 = arith.cmpi sgt, %jit3A_959, %sign3A_968 : i32
        %sign3A_970 = arith.extui %sign3A_969 : i1 to i32
        %sign3A_971 = arith.constant 0 : i32
        %sign3A_972 = arith.cmpi slt, %jit3A_959, %sign3A_971 : i32
        %sign3A_973 = arith.extui %sign3A_972 : i1 to i32
        %sign3A_974 = arith.subi %sign3A_970, %sign3A_973 : i32
        %ne3A_975 = arith.cmpi ne, %sign3A_967, %sign3A_974 : i32
        %rem3A_976 = arith.remsi %add3A_958, %jit3A_959 : i32
        %ne3A_977 = arith.constant 0 : i32
        %ne3A_978 = arith.cmpi ne, %rem3A_976, %ne3A_977 : i32
        %and3A_979 = arith.andi %ne3A_975, %ne3A_978 : i1
        %sub3A_980 = arith.constant 1 : i32
        %sub3A_981 = arith.subi %div3A_960, %sub3A_980 : i32
        %select_n3A_982 = arith.select %and3A_979, %sub3A_981, %div3A_960 : i32
        %mul3A_983 = arith.constant 8 : i32
        %mul3A_984 = arith.muli %select_n3A_982, %mul3A_983 : i32
        %sub3A_985 = arith.subi %add3A_958, %mul3A_984 : i32
        %mul3A_986 = arith.constant 8 : i32
        %mul3A_987 = arith.muli %select_n3A_982, %mul3A_986 : i32
        %multiple_of3A_988 = tpu.assume_multiple %mul3A_987, 8 : i32
        %jit3A_989 = arith.constant 2 : i32
        %div3A_990 = arith.divsi %sub3A_985, %jit3A_989 : i32
        %sign3A_991 = arith.constant 0 : i32
        %sign3A_992 = arith.cmpi sgt, %sub3A_985, %sign3A_991 : i32
        %sign3A_993 = arith.extui %sign3A_992 : i1 to i32
        %sign3A_994 = arith.constant 0 : i32
        %sign3A_995 = arith.cmpi slt, %sub3A_985, %sign3A_994 : i32
        %sign3A_996 = arith.extui %sign3A_995 : i1 to i32
        %sign3A_997 = arith.subi %sign3A_993, %sign3A_996 : i32
        %sign3A_998 = arith.constant 0 : i32
        %sign3A_999 = arith.cmpi sgt, %jit3A_989, %sign3A_998 : i32
        %sign3A_1000 = arith.extui %sign3A_999 : i1 to i32
        %sign3A_1001 = arith.constant 0 : i32
        %sign3A_1002 = arith.cmpi slt, %jit3A_989, %sign3A_1001 : i32
        %sign3A_1003 = arith.extui %sign3A_1002 : i1 to i32
        %sign3A_1004 = arith.subi %sign3A_1000, %sign3A_1003 : i32
        %ne3A_1005 = arith.cmpi ne, %sign3A_997, %sign3A_1004 : i32
        %rem3A_1006 = arith.remsi %sub3A_985, %jit3A_989 : i32
        %ne3A_1007 = arith.constant 0 : i32
        %ne3A_1008 = arith.cmpi ne, %rem3A_1006, %ne3A_1007 : i32
        %and3A_1009 = arith.andi %ne3A_1005, %ne3A_1008 : i1
        %sub3A_1010 = arith.constant 1 : i32
        %sub3A_1011 = arith.subi %div3A_990, %sub3A_1010 : i32
        %select_n3A_1012 = arith.select %and3A_1009, %sub3A_1011, %div3A_990 : i32
        %mul3A_1013 = arith.constant 128 : i32
        %mul3A_1014 = arith.muli %select_n3A_1012, %mul3A_1013 : i32
        %multiple_of3A_1015 = tpu.assume_multiple %mul3A_1014, 128 : i32
        %jit3A_1016 = arith.constant 2 : i32
        %div3A_1017 = arith.divsi %sub3A_985, %jit3A_1016 : i32
        %sign3A_1018 = arith.constant 0 : i32
        %sign3A_1019 = arith.cmpi sgt, %sub3A_985, %sign3A_1018 : i32
        %sign3A_1020 = arith.extui %sign3A_1019 : i1 to i32
        %sign3A_1021 = arith.constant 0 : i32
        %sign3A_1022 = arith.cmpi slt, %sub3A_985, %sign3A_1021 : i32
        %sign3A_1023 = arith.extui %sign3A_1022 : i1 to i32
        %sign3A_1024 = arith.subi %sign3A_1020, %sign3A_1023 : i32
        %sign3A_1025 = arith.constant 0 : i32
        %sign3A_1026 = arith.cmpi sgt, %jit3A_1016, %sign3A_1025 : i32
        %sign3A_1027 = arith.extui %sign3A_1026 : i1 to i32
        %sign3A_1028 = arith.constant 0 : i32
        %sign3A_1029 = arith.cmpi slt, %jit3A_1016, %sign3A_1028 : i32
        %sign3A_1030 = arith.extui %sign3A_1029 : i1 to i32
        %sign3A_1031 = arith.subi %sign3A_1027, %sign3A_1030 : i32
        %ne3A_1032 = arith.cmpi ne, %sign3A_1024, %sign3A_1031 : i32
        %rem3A_1033 = arith.remsi %sub3A_985, %jit3A_1016 : i32
        %ne3A_1034 = arith.constant 0 : i32
        %ne3A_1035 = arith.cmpi ne, %rem3A_1033, %ne3A_1034 : i32
        %and3A_1036 = arith.andi %ne3A_1032, %ne3A_1035 : i1
        %sub3A_1037 = arith.constant 1 : i32
        %sub3A_1038 = arith.subi %div3A_1017, %sub3A_1037 : i32
        %select_n3A_1039 = arith.select %and3A_1036, %sub3A_1038, %div3A_1017 : i32
        %mul3A_1040 = arith.constant 2 : i32
        %mul3A_1041 = arith.muli %select_n3A_1039, %mul3A_1040 : i32
        %sub3A_1042 = arith.subi %sub3A_985, %mul3A_1041 : i32
        %mul3A_1043 = arith.constant 128 : i32
        %mul3A_1044 = arith.muli %sub3A_1042, %mul3A_1043 : i32
        %dma_start3A_1045 = arith.constant 0 : i32
        %dma_start3A_1046 = arith.constant 0 : i32
        %dma_start3A_1047 = arith.constant 0 : i32
        %dma_start3A_1048 = tpu.memref_slice %arg6[%dma_start3A_1045, %dma_start3A_1046, %dma_start3A_1047] : memref<66x8x128xf32, #tpu.memory_space<vmem>> -> memref<65x8x128xf32, #tpu.memory_space<vmem>>
        %dma_start3A_1049 = arith.constant 0 : i32
        %dma_start3A_1050 = tpu.memref_slice %arg2[%dma_start3A_1049, %multiple_of3A_988, %multiple_of3A_1015] : memref<65x96x512xf32, #tpu.memory_space<hbm>> -> memref<65x8x128xf32, #tpu.memory_space<hbm>>
        %dma_start3A_1051 = arith.constant 0 : i32
        %dma_start3A_1052 = arith.constant 0 : i32
        %dma_start3A_1053 = arith.constant 0 : i32
        %dma_start3A_1054 = tpu.memref_slice %arg6[%dma_start3A_1051, %dma_start3A_1052, %dma_start3A_1053] : memref<66x8x128xf32, #tpu.memory_space<vmem>> -> memref<65x8x128xf32, #tpu.memory_space<vmem>>
        %dma_start3A_1055 = arith.constant 0 : i32
        %dma_start3A_1056 = tpu.memref_slice %arg2[%dma_start3A_1055, %multiple_of3A_988, %multiple_of3A_1015] : memref<65x96x512xf32, #tpu.memory_space<hbm>> -> memref<65x8x128xf32, #tpu.memory_space<hbm>>
        tpu.enqueue_dma source(%dma_start3A_1056 : memref<65x8x128xf32, #tpu.memory_space<hbm>>) target(%dma_start3A_1054 : memref<65x8x128xf32, #tpu.memory_space<vmem>>) target_semaphore(%arg10 : memref<!tpu.dma_semaphore, #tpu.memory_space<semaphore_mem>>)
        %add3A_1057 = arith.constant 1 : i32
        %add3A_1058 = arith.addi %scan3A_190, %add3A_1057 : i32
        %mul3A_1059 = arith.constant 3 : i32
        %mul3A_1060 = arith.muli %add3A, %mul3A_1059 : i32
        %add3A_1061 = arith.addi %mul3A_1060, %add3A_1058 : i32
        %jit3A_1062 = arith.constant 8 : i32
        %div3A_1063 = arith.divsi %add3A_1061, %jit3A_1062 : i32
        %sign3A_1064 = arith.constant 0 : i32
        %sign3A_1065 = arith.cmpi sgt, %add3A_1061, %sign3A_1064 : i32
        %sign3A_1066 = arith.extui %sign3A_1065 : i1 to i32
        %sign3A_1067 = arith.constant 0 : i32
        %sign3A_1068 = arith.cmpi slt, %add3A_1061, %sign3A_1067 : i32
        %sign3A_1069 = arith.extui %sign3A_1068 : i1 to i32
        %sign3A_1070 = arith.subi %sign3A_1066, %sign3A_1069 : i32
        %sign3A_1071 = arith.constant 0 : i32
        %sign3A_1072 = arith.cmpi sgt, %jit3A_1062, %sign3A_1071 : i32
        %sign3A_1073 = arith.extui %sign3A_1072 : i1 to i32
        %sign3A_1074 = arith.constant 0 : i32
        %sign3A_1075 = arith.cmpi slt, %jit3A_1062, %sign3A_1074 : i32
        %sign3A_1076 = arith.extui %sign3A_1075 : i1 to i32
        %sign3A_1077 = arith.subi %sign3A_1073, %sign3A_1076 : i32
        %ne3A_1078 = arith.cmpi ne, %sign3A_1070, %sign3A_1077 : i32
        %rem3A_1079 = arith.remsi %add3A_1061, %jit3A_1062 : i32
        %ne3A_1080 = arith.constant 0 : i32
        %ne3A_1081 = arith.cmpi ne, %rem3A_1079, %ne3A_1080 : i32
        %and3A_1082 = arith.andi %ne3A_1078, %ne3A_1081 : i1
        %sub3A_1083 = arith.constant 1 : i32
        %sub3A_1084 = arith.subi %div3A_1063, %sub3A_1083 : i32
        %select_n3A_1085 = arith.select %and3A_1082, %sub3A_1084, %div3A_1063 : i32
        %mul3A_1086 = arith.constant 8 : i32
        %mul3A_1087 = arith.muli %select_n3A_1085, %mul3A_1086 : i32
        %sub3A_1088 = arith.subi %add3A_1061, %mul3A_1087 : i32
        %mul3A_1089 = arith.constant 8 : i32
        %mul3A_1090 = arith.muli %select_n3A_1085, %mul3A_1089 : i32
        %multiple_of3A_1091 = tpu.assume_multiple %mul3A_1090, 8 : i32
        %jit3A_1092 = arith.constant 2 : i32
        %div3A_1093 = arith.divsi %sub3A_1088, %jit3A_1092 : i32
        %sign3A_1094 = arith.constant 0 : i32
        %sign3A_1095 = arith.cmpi sgt, %sub3A_1088, %sign3A_1094 : i32
        %sign3A_1096 = arith.extui %sign3A_1095 : i1 to i32
        %sign3A_1097 = arith.constant 0 : i32
        %sign3A_1098 = arith.cmpi slt, %sub3A_1088, %sign3A_1097 : i32
        %sign3A_1099 = arith.extui %sign3A_1098 : i1 to i32
        %sign3A_1100 = arith.subi %sign3A_1096, %sign3A_1099 : i32
        %sign3A_1101 = arith.constant 0 : i32
        %sign3A_1102 = arith.cmpi sgt, %jit3A_1092, %sign3A_1101 : i32
        %sign3A_1103 = arith.extui %sign3A_1102 : i1 to i32
        %sign3A_1104 = arith.constant 0 : i32
        %sign3A_1105 = arith.cmpi slt, %jit3A_1092, %sign3A_1104 : i32
        %sign3A_1106 = arith.extui %sign3A_1105 : i1 to i32
        %sign3A_1107 = arith.subi %sign3A_1103, %sign3A_1106 : i32
        %ne3A_1108 = arith.cmpi ne, %sign3A_1100, %sign3A_1107 : i32
        %rem3A_1109 = arith.remsi %sub3A_1088, %jit3A_1092 : i32
        %ne3A_1110 = arith.constant 0 : i32
        %ne3A_1111 = arith.cmpi ne, %rem3A_1109, %ne3A_1110 : i32
        %and3A_1112 = arith.andi %ne3A_1108, %ne3A_1111 : i1
        %sub3A_1113 = arith.constant 1 : i32
        %sub3A_1114 = arith.subi %div3A_1093, %sub3A_1113 : i32
        %select_n3A_1115 = arith.select %and3A_1112, %sub3A_1114, %div3A_1093 : i32
        %mul3A_1116 = arith.constant 128 : i32
        %mul3A_1117 = arith.muli %select_n3A_1115, %mul3A_1116 : i32
        %multiple_of3A_1118 = tpu.assume_multiple %mul3A_1117, 128 : i32
        %jit3A_1119 = arith.constant 2 : i32
        %div3A_1120 = arith.divsi %sub3A_1088, %jit3A_1119 : i32
        %sign3A_1121 = arith.constant 0 : i32
        %sign3A_1122 = arith.cmpi sgt, %sub3A_1088, %sign3A_1121 : i32
        %sign3A_1123 = arith.extui %sign3A_1122 : i1 to i32
        %sign3A_1124 = arith.constant 0 : i32
        %sign3A_1125 = arith.cmpi slt, %sub3A_1088, %sign3A_1124 : i32
        %sign3A_1126 = arith.extui %sign3A_1125 : i1 to i32
        %sign3A_1127 = arith.subi %sign3A_1123, %sign3A_1126 : i32
        %sign3A_1128 = arith.constant 0 : i32
        %sign3A_1129 = arith.cmpi sgt, %jit3A_1119, %sign3A_1128 : i32
        %sign3A_1130 = arith.extui %sign3A_1129 : i1 to i32
        %sign3A_1131 = arith.constant 0 : i32
        %sign3A_1132 = arith.cmpi slt, %jit3A_1119, %sign3A_1131 : i32
        %sign3A_1133 = arith.extui %sign3A_1132 : i1 to i32
        %sign3A_1134 = arith.subi %sign3A_1130, %sign3A_1133 : i32
        %ne3A_1135 = arith.cmpi ne, %sign3A_1127, %sign3A_1134 : i32
        %rem3A_1136 = arith.remsi %sub3A_1088, %jit3A_1119 : i32
        %ne3A_1137 = arith.constant 0 : i32
        %ne3A_1138 = arith.cmpi ne, %rem3A_1136, %ne3A_1137 : i32
        %and3A_1139 = arith.andi %ne3A_1135, %ne3A_1138 : i1
        %sub3A_1140 = arith.constant 1 : i32
        %sub3A_1141 = arith.subi %div3A_1120, %sub3A_1140 : i32
        %select_n3A_1142 = arith.select %and3A_1139, %sub3A_1141, %div3A_1120 : i32
        %mul3A_1143 = arith.constant 2 : i32
        %mul3A_1144 = arith.muli %select_n3A_1142, %mul3A_1143 : i32
        %sub3A_1145 = arith.subi %sub3A_1088, %mul3A_1144 : i32
        %mul3A_1146 = arith.constant 128 : i32
        %mul3A_1147 = arith.muli %sub3A_1145, %mul3A_1146 : i32
        %dma_start3A_1148 = tpu.memref_slice %arg3[%multiple_of3A_1118, %mul3A_1147] : memref<512x256xi32, #tpu.memory_space<hbm>> -> memref<128x128xi32, #tpu.memory_space<hbm>>
        %dma_start3A_1149 = tpu.memref_slice %arg3[%multiple_of3A_1118, %mul3A_1147] : memref<512x256xi32, #tpu.memory_space<hbm>> -> memref<128x128xi32, #tpu.memory_space<hbm>>
        tpu.enqueue_dma source(%dma_start3A_1149 : memref<128x128xi32, #tpu.memory_space<hbm>>) target(%arg7 : memref<128x128xi32, #tpu.memory_space<vmem>>) target_semaphore(%arg13 : memref<!tpu.dma_semaphore, #tpu.memory_space<semaphore_mem>>)
      } else {
      }
      %add3A_914 = arith.constant 112 : i32
      %add3A_915 = arith.addi %mul3A_279, %add3A_914 : i32
      %add3A_916 = arith.constant 1 : i32
      %add3A_917 = arith.addi %add3A_915, %add3A_916 : i32
      %dma_wait3A_918 = arith.constant 0 : i32
      %dma_wait3A_919 = arith.constant 0 : i32
      %dma_wait3A_920 = arith.constant 0 : i32
      %dma_wait3A_921 = arith.constant 0 : i32
      %dma_wait3A_922 = arith.constant 0 : i32
      %dma_wait3A_923 = tpu.memref_slice %arg8[%dma_wait3A_918, %dma_wait3A_920, %dma_wait3A_921, %dma_wait3A_922] : memref<2x8x8x128xf32, #tpu.memory_space<vmem>> -> memref<1x8x8x128xf32, #tpu.memory_space<vmem>>
      %dma_wait3A_924 = tpu.memref_squeeze %dma_wait3A_923 : memref<1x8x8x128xf32, #tpu.memory_space<vmem>> -> memref<8x8x128xf32, #tpu.memory_space<vmem>>
      %dma_wait3A_925 = tpu.memref_slice %arg5[%add3A_917, %multiple_of3A_223, %multiple_of3A_250] : memref<257x96x512xf32, #tpu.memory_space<hbm>> -> memref<8x8x128xf32, #tpu.memory_space<hbm>>
      %dma_wait3A_926 = tpu.memref_slice %arg11[%dma_wait3A_919] : memref<2x!tpu.dma_semaphore, #tpu.memory_space<semaphore_mem>> -> memref<1x!tpu.dma_semaphore, #tpu.memory_space<semaphore_mem>>
      %dma_wait3A_927 = tpu.memref_squeeze %dma_wait3A_926 : memref<1x!tpu.dma_semaphore, #tpu.memory_space<semaphore_mem>> -> memref<!tpu.dma_semaphore, #tpu.memory_space<semaphore_mem>>
      %dma_wait3A_928 = tpu.memref_slice %arg5[%add3A_917, %multiple_of3A_223, %multiple_of3A_250] : memref<257x96x512xf32, #tpu.memory_space<hbm>> -> memref<8x8x128xf32, #tpu.memory_space<hbm>>
      %dma_wait3A_929 = arith.constant 0 : i32
      %dma_wait3A_930 = arith.constant 0 : i32
      %dma_wait3A_931 = arith.constant 0 : i32
      %dma_wait3A_932 = tpu.memref_slice %arg8[%dma_wait3A_918, %dma_wait3A_929, %dma_wait3A_930, %dma_wait3A_931] : memref<2x8x8x128xf32, #tpu.memory_space<vmem>> -> memref<1x8x8x128xf32, #tpu.memory_space<vmem>>
      %dma_wait3A_933 = tpu.memref_squeeze %dma_wait3A_932 : memref<1x8x8x128xf32, #tpu.memory_space<vmem>> -> memref<8x8x128xf32, #tpu.memory_space<vmem>>
      tpu.wait_dma2 semaphore(%dma_wait3A_927 : memref<!tpu.dma_semaphore, #tpu.memory_space<semaphore_mem>>) src(%dma_wait3A_933 : memref<8x8x128xf32, #tpu.memory_space<vmem>>) dst(%dma_wait3A_928 : memref<8x8x128xf32, #tpu.memory_space<hbm>>)
      %add3A_934 = arith.constant 120 : i32
      %add3A_935 = arith.addi %mul3A_279, %add3A_934 : i32
      %add3A_936 = arith.constant 1 : i32
      %add3A_937 = arith.addi %add3A_935, %add3A_936 : i32
      %dma_wait3A_938 = arith.constant 1 : i32
      %dma_wait3A_939 = arith.constant 1 : i32
      %dma_wait3A_940 = arith.constant 0 : i32
      %dma_wait3A_941 = arith.constant 0 : i32
      %dma_wait3A_942 = arith.constant 0 : i32
      %dma_wait3A_943 = tpu.memref_slice %arg8[%dma_wait3A_938, %dma_wait3A_940, %dma_wait3A_941, %dma_wait3A_942] : memref<2x8x8x128xf32, #tpu.memory_space<vmem>> -> memref<1x8x8x128xf32, #tpu.memory_space<vmem>>
      %dma_wait3A_944 = tpu.memref_squeeze %dma_wait3A_943 : memref<1x8x8x128xf32, #tpu.memory_space<vmem>> -> memref<8x8x128xf32, #tpu.memory_space<vmem>>
      %dma_wait3A_945 = tpu.memref_slice %arg5[%add3A_937, %multiple_of3A_223, %multiple_of3A_250] : memref<257x96x512xf32, #tpu.memory_space<hbm>> -> memref<8x8x128xf32, #tpu.memory_space<hbm>>
      %dma_wait3A_946 = tpu.memref_slice %arg11[%dma_wait3A_939] : memref<2x!tpu.dma_semaphore, #tpu.memory_space<semaphore_mem>> -> memref<1x!tpu.dma_semaphore, #tpu.memory_space<semaphore_mem>>
      %dma_wait3A_947 = tpu.memref_squeeze %dma_wait3A_946 : memref<1x!tpu.dma_semaphore, #tpu.memory_space<semaphore_mem>> -> memref<!tpu.dma_semaphore, #tpu.memory_space<semaphore_mem>>
      %dma_wait3A_948 = tpu.memref_slice %arg5[%add3A_937, %multiple_of3A_223, %multiple_of3A_250] : memref<257x96x512xf32, #tpu.memory_space<hbm>> -> memref<8x8x128xf32, #tpu.memory_space<hbm>>
      %dma_wait3A_949 = arith.constant 0 : i32
      %dma_wait3A_950 = arith.constant 0 : i32
      %dma_wait3A_951 = arith.constant 0 : i32
      %dma_wait3A_952 = tpu.memref_slice %arg8[%dma_wait3A_938, %dma_wait3A_949, %dma_wait3A_950, %dma_wait3A_951] : memref<2x8x8x128xf32, #tpu.memory_space<vmem>> -> memref<1x8x8x128xf32, #tpu.memory_space<vmem>>
      %dma_wait3A_953 = tpu.memref_squeeze %dma_wait3A_952 : memref<1x8x8x128xf32, #tpu.memory_space<vmem>> -> memref<8x8x128xf32, #tpu.memory_space<vmem>>
      tpu.wait_dma2 semaphore(%dma_wait3A_947 : memref<!tpu.dma_semaphore, #tpu.memory_space<semaphore_mem>>) src(%dma_wait3A_953 : memref<8x8x128xf32, #tpu.memory_space<vmem>>) dst(%dma_wait3A_948 : memref<8x8x128xf32, #tpu.memory_space<hbm>>)
    }
    %scan3A_189 = arith.constant 3 : i32
    return
  }
}

</mosaic_0001>

<sc_bundles>
// kernel: kernel.3.cloned.1.call-start
scs
__scs_entry_jumppad:
0x0: {  	(pc) =	sbr.rel $0x88, $3  }
0x1: {  	(tag) =	ssettag $0x0;
	lr =	simm.s32 $0x1  }
0x2: {  	[smem:$0x3F9E] =	sst lr;
	_ =	strace $0xD0000000  }
0x3: {  	_ = 	snop  }
0x4: {  	_ = 	snop  }
0x5: {  	_ = 	snop  }
0x6: {  	_ = 	snop  }
0x7: {  	_ = 	snop  }
__scs_overlays_trampoline_lowered:
0x8: {  	[smem:$0x3FAD] =	sst s0  }
0x9: {  	[smem:$0x3FAE] =	sst s1  }
0xa: {  	[smem:$0x3FAF] =	sst s2  }
0xb: {  	[smem:$0x3FB0] =	sst s3  }
0xc: {  	[smem:$0x3FB1] =	sst s4  }
0xd: {  	[smem:$0x3FB2] =	sst s5  }
0xe: {  	[smem:$0x3FB3] =	sst s6  }
0xf: {  	[smem:$0x3FB4] =	sst s7  }
0x10: {  	[smem:$0x3FB5] =	sst s8  }
0x11: {  	[smem:$0x3FB6] =	sst s9;
	s0 =	simm.s32 @!p0 $0x0  }
0x12: {  	s1 =	sld [smem:$0x3F9C];
	s0 =	simm.s32 @p0 $0x1  }
0x13: {  	[smem:$0x3FB7] =	sst s0;
	s0 =	simm.s32 @!p1 $0x0  }
0x14: {  	s2 =	sld [smem:$0x3F9B];
	s0 =	simm.s32 @p1 $0x1  }
0x15: {  	[smem:$0x3FB8] =	sst s0;
	s0 =	simm.s32 @!p2 $0x0  }
0x16: {  	s3 =	sld [smem:$0x3FDB];
	s0 =	simm.s32 @p2 $0x1  }
0x17: {  	s4 =	simm.s32 $0x1BF5;
	[smem:$0x3FBA] =	sst s0  }
0x18: {  	s0 =	sld [smem:$0x3F9D];
	_ =	swait.ge [sflag:s4], $0x0  }
0x19: {  	s7 =	sld [smem:$0x3F9E]  }
0x1a: {  	s8 =	sadd.s32 $0xFFFFE003, lr  }
0x1b: {  	s9 =	sadd.s32 $0xFFFFFEF7, lr;
	s5 =	simm.s32 $0xFFFFFFFF;
	p2 =	slt.u32 s8, $0xFFFFF086  }
0x1c: {  	p1 =	slt.u32 s9, $0xF7A;
	s5 =	simm.s32 @!p2 $0x0  }
0x1d: {  	s5 =	simm.s32 @p1 $0x1;
	p0 =	seq.s32 s7, s2  }
0x1e: {  	s7 =	smul.u32 @!p0 $0xF7A, s2;
	p2 =	seq.s32 @!p0 s5, $0x0  }
0x1f: {  	s9 =	smul.u32 $0xF7A, s1;
	s8 =	simm.s32 @!p0 $0x1BF5;
	p2 =	por !p2, p0  }
0x20: {  	[sflag:s8] =	ssyncset.s32 @!p0 $0xFFFFF086;
	s6 =	sadd.s32 @!p0 s3, s7;
	s7 =	simm.s32 @!p0 $0x108  }
0x21: {  	s3 =	sadd.s32 s3, s9;
	s6 =	sadd.s32 @!p0 $0x88, s6;
	s7 =	simm.s32 @p2 $0x1082  }
0x22: {  	[simem:s7], [sflag:s8] =	dma.local @!p0 [hbm:s6], $0xF7A  }
0x23: {  	s9 =	sor.u32 $0xD0000000, s2;
	s6 =	simm.s32 $0x108;
	_ =	swait.ge @!p0 [sflag:s8], $0x0  }
0x24: {  	s3 =	sadd.s32 $0x88, s3;
	s6 =	simm.s32 @!p1 $0x1082;
	[sflag:s4] =	ssyncset.s32 $0xFFFFF086  }
0x25: {  	[simem:s6], [sflag:s4] =	dma.local [hbm:s3], $0xF7A  }
0x26: {  	[smem:$0x3F9E] =	sst s1;
	(tag) =	ssettag s2;
	_ =	strace s9  }
0x27: {  	s1 =	sld [smem:$0x3FAE]  }
0x28: {  	s2 =	sld [smem:$0x3FAF]  }
0x29: {  	s4 =	sld [smem:$0x3FB1]  }
0x2a: {  	p0 =	seq.s32 s5, $0x0;
	s5 =	sld [smem:$0x3FB2]  }
0x2b: {  	s6 =	sld [smem:$0x3FB3]  }
0x2c: {  	s7 =	sld [smem:$0x3FB4]  }
0x2d: {  	s3 =	simm.s32 $0x108;
	s8 =	sld [smem:$0x3FB5]  }
0x2e: {  	s3 =	simm.s32 @!p0 $0x1082;
	s9 =	sld [smem:$0x3FB6]  }
0x2f: {  	lr =	sadd.s32 s0, s3;
	s0 =	sld [smem:$0x3FAD]  }
0x30: {  	s3 =	sld [smem:$0x3FB0]  }
0x31: {  	[smem:$0x3FB9] =	sst s10  }
0x32: {  	s10 =	sld [smem:$0x3FB7];
	_ =	sdelay $0x3  }
0x33: {  	p0 =	seq.s32 s10, $0x1;
	s10 =	sld [smem:$0x3FB9];
	_ =	sdelay $0x3  }
0x34: {  	[smem:$0x3FB9] =	sst s10  }
0x35: {  	s10 =	sld [smem:$0x3FB8];
	_ =	sdelay $0x3  }
0x36: {  	p1 =	seq.s32 s10, $0x1;
	s10 =	sld [smem:$0x3FB9];
	_ =	sdelay $0x3  }
0x37: {  	[smem:$0x3FB9] =	sst s10  }
0x38: {  	s10 =	sld [smem:$0x3FBA]  }
0x39: {  	_ = 	snop;
	(pc) =	sbr.ind lr, $3  }
0x3a: {  	_ = 	snop  }
0x3b: {  	_ = 	snop  }
0x3c: {  	p2 =	seq.s32 s10, $0x1;
	s10 =	sld [smem:$0x3FB9]  }
0x3d: {  	_ =	shalt  }
0x3e: {  	_ =	shalt  }
0x3f: {  	_ =	shalt  }
0x40: {  	_ =	shalt  }
0x41: {  	_ =	shalt  }
0x42: {  	_ =	shalt  }
0x43: {  	_ =	shalt  }
0x44: {  	_ =	shalt  }
0x45: {  	_ =	shalt  }
0x46: {  	_ =	shalt  }
0x47: {  	_ =	shalt  }
0x48: {  	_ =	shalt  }
0x49: {  	_ =	shalt  }
0x4a: {  	_ =	shalt  }
0x4b: {  	_ =	shalt  }
0x4c: {  	_ =	shalt  }
0x4d: {  	_ =	shalt  }
0x4e: {  	_ =	shalt  }
0x4f: {  	_ =	shalt  }
0x50: {  	_ =	shalt  }
0x51: {  	_ =	shalt  }
0x52: {  	_ =	shalt  }
0x53: {  	_ =	shalt  }
0x54: {  	_ =	shalt  }
0x55: {  	_ =	shalt  }
0x56: {  	_ =	shalt  }
0x57: {  	_ =	shalt  }
0x58: {  	_ =	shalt  }
0x59: {  	_ =	shalt  }
0x5a: {  	_ =	shalt  }
0x5b: {  	_ =	shalt  }
0x5c: {  	_ =	shalt  }
0x5d: {  	_ =	shalt  }
0x5e: {  	_ =	shalt  }
0x5f: {  	_ =	shalt  }
0x60: {  	_ =	shalt  }
0x61: {  	_ =	shalt  }
0x62: {  	_ =	shalt  }
0x63: {  	_ =	shalt  }
0x64: {  	_ =	shalt  }
0x65: {  	_ =	shalt  }
0x66: {  	_ =	shalt  }
0x67: {  	_ =	shalt  }
0x68: {  	_ =	shalt  }
0x69: {  	_ =	shalt  }
0x6a: {  	_ =	shalt  }
0x6b: {  	_ =	shalt  }
0x6c: {  	_ =	shalt  }
0x6d: {  	_ =	shalt  }
0x6e: {  	_ =	shalt  }
0x6f: {  	_ =	shalt  }
0x70: {  	_ =	shalt  }
0x71: {  	_ =	shalt  }
0x72: {  	_ =	shalt  }
0x73: {  	_ =	shalt  }
0x74: {  	_ =	shalt  }
0x75: {  	_ =	shalt  }
0x76: {  	_ =	shalt  }
0x77: {  	_ =	shalt  }
0x78: {  	_ =	shalt  }
0x79: {  	_ =	shalt  }
0x7a: {  	_ =	shalt  }
0x7b: {  	_ =	shalt  }
0x7c: {  	_ =	shalt  }
0x7d: {  	_ =	shalt  }
0x7e: {  	_ =	shalt  }
0x7f: {  	_ =	shalt  }
0x80: {  	_ =	shalt  }
0x81: {  	_ =	shalt  }
0x82: {  	_ =	shalt  }
0x83: {  	_ =	shalt  }
0x84: {  	_ =	shalt  }
0x85: {  	_ =	shalt  }
0x86: {  	_ =	shalt  }
0x87: {  	_ =	shalt  }
.Lfunc_end0:
.L_simem_size_0:
called_computation_lowered:
.L_overlay_start_0:
0x88: {  	s2 =	sld [smem:$0x3FD9]  }
0x89: {  	s3 =	sld [smem:$0x3FFE];
	_ =	sdelay $0x1  }
0x8a: {  	s1 =	srdreg.scid  }
0x8b: {  	s0 =	sand.u32 $0x1, s1  }
0x8c: {  	s18 =	sshll.u32 s0, $0xA;
	s2 =	sadd.s32 s3, s2  }
0x8d: {  	s2 =	sadd.s32 s2, s18  }
0x8e: {  	[smem:$0x3FC5] =	sst s2  }
0x8f: {  	_ = 	snop  }
0x90: {  	s2 =	sld [smem:$0x3FC9]  }
0x91: {  	s19 =	sld [smem:$0x3FC8]  }
0x92: {  	s4 =	sld [smem:$0x3FC7]  }
0x93: {  	s5 =	sld [smem:$0x3FD0];
	(tm) =	ssettm $0x1  }
0x94: {  	s6 =	sld [smem:$0x3FFB];
	_ =	sdelay $0x3  }
0x95: {  	_ =	strace s6  }
0x96: {  	s6 =	sld [smem:$0x3FFC];
	_ =	sdelay $0x3  }
0x97: {  	_ =	strace s6  }
0x98: {  	s6 =	sld [smem:$0x3FFD];
	_ =	sdelay $0x3  }
0x99: {  	_ =	strace s6  }
0x9a: {  	_ =	strace $0x8FFFFFFF  }
0x9b: {  	s20 =	sld [smem:$0x3FDB];
	_ =	sdelay $0x1  }
0x9c: {  	s7 =	simm.s32 $_scs_section_size  }
0x9d: {  	s8 =	simm.s32 $_size__tile_overlayer_lowered;
	s9 =	simm.s32 $_tile_overlayer_lowered  }
0x9e: {  	s23 =	simm.s32 $0x1BFF;
	s22 =	sshll.u32 s9, $0x1;
	s6 =	sadd.s32 s7, s20  }
0x9f: {  	s10 =	simm.s32 $0x0;
	s21 =	sshll.u32 s8, $0x1;
	s8 =	sadd.s32 s22, s6  }
0xa0: {  	[timem:s10], [sflag:s23] =	dma.local [hbm:s8], s21  }
0xa1: {  	_ =	swait.ge [sflag:s23], s21  }
0xa2: {  	s7 =	ssub.s32 $0x0, s21;
	[sflag:s23] =	ssyncset.done $0x0  }
0xa3: {  	[sflag:s23] =	ssyncadd.s32 s7;
	_ =	sdelay $0x1  }
0xa4: {  	s24 =	simm.s32 $0x1B8B  }
0xa5: {  	_ =	swait.ge [sflag:s24], $0x1  }
0xa6: {  	[sflag:s24] =	ssyncset.done $0x0  }
0xa7: {  	s25 =	simm.s32 $0x1B8E;
	[sflag:s24] =	ssyncadd.s32 $0xFFFFFFFF  }
0xa8: {  	s26 =	simm.s32 $execute0_lowered;
	[smem:$0x3FD2] =	sst s25  }
0xa9: {  	s7 =	sshll.u32 s26, $0x1;
	_ =	strace $0x80000046;
	[dreg:$0x1] =	wrdreg $0xFFFFFFFF  }
0xaa: {  	s28 =	simm.s32 $_size_execute0_lowered;
	s6 =	sadd.s32 s6, s7;
	[dreg:$0x0] =	wrdreg $0x0  }
0xab: {  	s7 =	sshll.u32 s28, $0x1;
	[dreg:$0x2] =	wrdreg s6  }
0xac: {  	[dreg:$0x3] =	wrdreg s7  }
0xad: {  	[dreg:$0x4] =	wrdreg $0xC0  }
0xae: {  	_ =	task [dreg:s10], $0x5FFFF  }
0xaf: {  	[dreg:$0x1] =	wrdreg $0xFFFFFFFF  }
0xb0: {  	[dreg:$0x0] =	wrdreg $0x60  }
0xb1: {  	[dreg:$0x2] =	wrdreg s2  }
0xb2: {  	[dreg:$0x3] =	wrdreg s19  }
0xb3: {  	[dreg:$0x4] =	wrdreg s4  }
0xb4: {  	[dreg:$0x5] =	wrdreg s5  }
0xb5: {  	[dreg:$0x6] =	wrdreg $0x9  }
0xb6: {  	_ =	task.clear_ibuf [dreg:s10], $0x7FFFF;
	_ =	strace $0x90000046  }
0xb7: {  	s29 =	simm.s32 $0x9;
	_ =	strace $0x80000048  }
0xb8: {  	_ =	swait.ge [sflag:s29], $0x1  }
0xb9: {  	[sflag:s29] =	ssyncadd.s32 $0xFFFFFFFF  }
0xba: {  	_ =	strace $0x90000048  }
0xbb: {  	_ =	sfence  }
0xbc: {  	s30 =	sld [smem:$0x0];
	_ =	sdelay $0x2  }
0xbd: {  	s31 =	sshll.u32 s1, $0xD;
	s1 =	sshrl.u32 s1, $0x2  }
0xbe: {  	s3 =	sand.u32 $0x4000, s31;
	s1 =	sadd.s32 s1, s30  }
0xbf: {  	s0 =	sor.u32 s3, s0;
	s1 =	sshll.u32 s1, $0x11  }
0xc0: {  	s0 =	sor.u32 s1, s0  }
0xc1: {  	s0 =	sadd.s32 $0x8F2B, s0  }
0xc2: {  	[sflag:s0] =	ssyncadd.remote.s32 $0x1  }
0xc3: {  	_ =	sfence.sel $0xFFFF  }
0xc4: {  	[dreg:$0x0] =	wrdreg $0xFFFFFFFF;
	(pc) =	sbr.abs _section_cstart, $3  }
0xc5: {  	[dreg:$0x1] =	wrdreg $0xFFFFFFFF  }
0xc6: {  	_ =	task.clear_ibuf [dreg:s10], $0x2FFFF;
	_ =	strace $0x9FFFFFFF  }
0xc7: {  	(tm) =	ssettm $0x7FFFFFFF  }
tec
execute0_lowered:
.L_overlay_start_1:
0x0: {  	(tag) =	ssettag $0x1  }
0x1: {  	v0 =	vlaneseq.u32;
	s0 =	rddreg [dreg:$0x0]  }
0x2: {  	s2 =	rddreg [dreg:$0x1];
	s7 =	simm.s32 $0x0;
	v2 =	vor.u32 $0x6A0, v0  }
0x3: {  	[smem:$0x7FF] =	sst s7;
	[tilespmem:$0x1FDF0] =	vst v2;
	v2 =	vor.u32 $0x720, v0  }
0x4: {  	s5 =	rddreg [dreg:$0x3];
	v1 =	vor.u32 $0x550, v0;
	_ =	strace $0x80000047;
	[tilespmem:$0x1FE00] =	vst v2  }
0x5: {  	v9 =	vor.u32 $0x500, v0;
	[tilespmem:$0x1FF70] =	vst v1  }
0x6: {  	v13 =	vor.u32 $0x600, v0;
	[tilespmem:$0x1FFE0] =	vst v9  }
0x7: {  	v32 =	vmul.u32 $0x80, v0;
	v2 =	vor.u32 $0x7A0, v0;
	[tilespmem:$0x1FFF0] =	vst v13  }
0x8: {  	v1 =	vor.u32 $0x5D0, v0;
	[tilespmem:$0x1FE10] =	vst v2  }
0x9: {  	v2 =	vor.u32 $0x1800, v32;
	[tilespmem:$0x1FF80] =	vst v1  }
0xa: {  	v1 =	vor.u32 $0x650, v0;
	[tilespmem:$0x1FE20] =	vst v2  }
0xb: {  	v2 =	vor.u32 $0x430, v0;
	[tilespmem:$0x1FF90] =	vst v1  }
0xc: {  	v1 =	vor.u32 $0x6D0, v0;
	[tilespmem:$0x1FE30] =	vst v2  }
0xd: {  	v2 =	vor.u32 $0x4B0, v0;
	[tilespmem:$0x1FFA0] =	vst v1  }
0xe: {  	v1 =	vor.u32 $0x750, v0;
	[tilespmem:$0x1FE40] =	vst v2  }
0xf: {  	v2 =	vor.u32 $0x530, v0;
	[tilespmem:$0x1FFB0] =	vst v1  }
0x10: {  	v1 =	vor.u32 $0x7D0, v0;
	[tilespmem:$0x1FE50] =	vst v2  }
0x11: {  	v2 =	vor.u32 $0x5B0, v0;
	[tilespmem:$0x1FFC0] =	vst v1  }
0x12: {  	v1 =	vor.u32 $0x3000, v32;
	[tilespmem:$0x1FE60] =	vst v2  }
0x13: {  	v2 =	vor.u32 $0x630, v0;
	[tilespmem:$0x1FFD0] =	vst v1  }
0x14: {  	[tilespmem:$0x1FE70] =	vst v2;
	v2 =	vor.u32 $0x6B0, v0  }
0x15: {  	[tilespmem:$0x1FE80] =	vst v2;
	v2 =	vor.u32 $0x730, v0  }
0x16: {  	[tilespmem:$0x1FE90] =	vst v2;
	v2 =	vor.u32 $0x7B0, v0  }
0x17: {  	[tilespmem:$0x1FEA0] =	vst v2;
	v2 =	vor.u32 $0x2000, v32  }
0x18: {  	s1 =	srdreg.scid;
	s3 =	stileid.u32;
	s12 =	simm.s32 $0x4;
	[tilespmem:$0x1FEB0] =	vst v2;
	v2 =	vor.u32 $0x440, v0  }
0x19: {  	s13 =	simm.s32 $0x400;
	v11 =	vor.u32 $0x400, v0;
	s1 =	sand.u32 $0x1, s1;
	s4 =	sshll.u32 s3, $0x1;
	[tilespmem:$0x1FEC0] =	vst v2;
	v2 =	vor.u32 $0x4C0, v0  }
0x1a: {  	s14 =	simm.s32 $0xC000;
	s15 =	simm.s32 $0x800;
	v12 =	vor.u32 $0x480, v0;
	v10 =	vor.u32 $0x580, v0;
	s4 =	sor.u32 s1, s4;
	[tilespmem:$0x1FED0] =	vst v2;
	v2 =	vor.u32 $0x540, v0  }
0x1b: {  	s16 =	simm.s32 $0x10800;
	s17 =	simm.s32 $0x1;
	v14 =	vor.u32 $0x680, v0;
	v15 =	vor.u32 $0x700, v0;
	s6 =	smul.u32 $0x3, s4;
	[tilespmem:$0x1FEE0] =	vst v2;
	v2 =	vor.u32 $0x5C0, v0  }
0x1c: {  	s18 =	simm.s32 $0x5;
	s19 =	simm.s32 $0x2;
	s20 =	simm.s32 $0x3;
	v16 =	vor.u32 $0x780, v0;
	v18 =	vor.u32 $0x410, v0;
	[tilespmem:$0x1FEF0] =	vst v2;
	v2 =	vor.u32 $0x640, v0  }
0x1d: {  	v19 =	vor.u32 $0x490, v0;
	v20 =	vor.u32 $0x510, v0;
	s1 =	ssub.s32 $0x2, s1;
	s4 =	smul.u32 $0x600, s4;
	s8 =	sand.u32 $0x7, s6;
	[tilespmem:$0x1FF00] =	vst v2;
	v2 =	vor.u32 $0x6C0, v0  }
0x1e: {  	s21 =	simm.s32 $0x0;
	v21 =	vor.u32 $0x590, v0;
	v22 =	vor.u32 $0x610, v0;
	s30 =	sshrl.u32 s1, $0x1;
	s9 =	sshrl.u32 s8, $0x1;
	[tilespmem:$0x1FF10] =	vst v2;
	v2 =	vor.u32 $0x740, v0  }
0x1f: {  	v23 =	vor.u32 $0x690, v0;
	s4 =	sand.u32 $0xF000, s4;
	s8 =	sshll.u32 s8, $0xA;
	s10 =	sshll.u32 s9, $0xB;
	[tilespmem:$0x1FF20] =	vst v2;
	v2 =	vor.u32 $0x7C0, v0  }
0x20: {  	v24 =	vor.u32 $0x710, v0;
	v25 =	vor.u32 $0x790, v0;
	s11 =	sshll.u32 s9, $0xA;
	s9 =	sshll.u32 s9, $0xF;
	s8 =	ssub.s32 s8, s10;
	[tilespmem:$0x1FF30] =	vst v2;
	v2 =	vor.u32 $0x2800, v32  }
0x21: {  	v27 =	vor.u32 $0x420, v0;
	v28 =	vor.u32 $0x4A0, v0;
	s1 =	ssub.s32 s1, s30;
	s4 =	sor.u32 s4, s11;
	s8 =	sadd.s32 s9, s8;
	[tilespmem:$0x1FF40] =	vst v2;
	v2 =	vor.u32 $0x450, v0  }
0x22: {  	v29 =	vor.u32 $0x520, v0;
	v30 =	vor.u32 $0x5A0, v0;
	s10 =	smax.u32 s1, $0x1;
	s4 =	sshrl.u32 s4, $0x3;
	s31 =	sshrl.u32 s8, $0x3;
	[tilespmem:$0x1FF50] =	vst v2;
	v2 =	vor.u32 $0x4D0, v0  }
0x23: {  	v31 =	vor.u32 $0x620, v0;
	v17 =	vor.u32 $0x800, v32;
	v26 =	vor.u32 $0x1000, v32;
	s11 =	simm.s32 $0x18800;
	s8 =	sadd.s32 s0, s4;
	s9 =	sadd.s32 s2, s31;
	[tilespmem:$0x1FF60] =	vst v2  }
.LBB2_1:
0x24: {  	s1 =	rddreg [dreg:$0x2]  }
0x25: {  	[tilespmem:s11], [sflag:$0x4] =	stream.linear.gather [hbm4b:s1+s7], $0x80, $0x38;
	[tilespmem:$0x18880] =	vst v63  }
0x26: {  	_ =	swait.ge [sflag:s12], $0x80  }
0x27: {  	[sflag:s12] =	ssyncset.done $0x0  }
0x28: {  	[sflag:s12] =	ssyncadd.s32 $0xFFFFFF80  }
0x29: {  	[tilespmem:s7], [sflag:$0x1] =	stream.strided.gather [hbm4b:s8+s13], $0x10400, s14, s13, $0x38;
	[tilespmem:$0x18880] =	vst v63  }
0x2a: {  	s22 =	simm.s32 $0x0  }
0x2b: {  	[tilespmem:s16], [sflag:$0x5] =	stream.strided.gather [hbm4b:s9+s13], $0x4000, s15, s13, $0x38;
	[tilespmem:$0x18880] =	vst v63  }
.LBB2_2:
0x2c: {  	s1 =	sadd.s32 s6, s22  }
0x2d: {  	s4 =	sand.u32 $0xF8, s1  }
0x2e: {  	v56 =	vmov s4  }
0x2f: {  	v56 =	vbroadcast v56, $0x0;
	_ =	sdelay $0x5  }
0x30: {  	v56 =	vld.idx.msk [tilespmem:v56+s11+$0x0], $0xffff;
	_ =	sdelay $0x4  }
0x31: {  	s23 =	sor.u32 $0x1, s4;
	[tilespmem:$0x10400] =	vst v56  }
0x32: {  	v57 =	vmov s23;
	[tilespmem:$0x10410] =	vst v56  }
0x33: {  	v57 =	vbroadcast v57, $0x0;
	[tilespmem:$0x10420] =	vst v56  }
0x34: {  	[tilespmem:$0x10430] =	vst v56  }
0x35: {  	[tilespmem:$0x10440] =	vst v56  }
0x36: {  	[tilespmem:$0x10450] =	vst v56  }
0x37: {  	[tilespmem:$0x10460] =	vst v56  }
0x38: {  	[tilespmem:$0x10470] =	vst v56  }
0x39: {  	v56 =	vld.idx.msk [tilespmem:v57+s11+$0x0], $0xffff;
	_ =	sdelay $0x4  }
0x3a: {  	s3 =	sor.u32 $0x2, s4;
	[tilespmem:$0x10480] =	vst v56  }
0x3b: {  	v54 =	vmov s3;
	[tilespmem:$0x10490] =	vst v56  }
0x3c: {  	v57 =	vbroadcast v54, $0x0;
	[tilespmem:$0x104A0] =	vst v56  }
0x3d: {  	[tilespmem:$0x104B0] =	vst v56  }
0x3e: {  	[tilespmem:$0x104C0] =	vst v56  }
0x3f: {  	[tilespmem:$0x104D0] =	vst v56  }
0x40: {  	[tilespmem:$0x104E0] =	vst v56  }
0x41: {  	[tilespmem:$0x104F0] =	vst v56  }
0x42: {  	v56 =	vld.idx.msk [tilespmem:v57+s11+$0x0], $0xffff;
	_ =	sdelay $0x4  }
0x43: {  	s24 =	sor.u32 $0x3, s4;
	[tilespmem:$0x10500] =	vst v56  }
0x44: {  	v55 =	vmov s24;
	[tilespmem:$0x10510] =	vst v56  }
0x45: {  	v57 =	vbroadcast v55, $0x0;
	[tilespmem:$0x10520] =	vst v56  }
0x46: {  	[tilespmem:$0x10530] =	vst v56  }
0x47: {  	[tilespmem:$0x10540] =	vst v56  }
0x48: {  	[tilespmem:$0x10550] =	vst v56  }
0x49: {  	[tilespmem:$0x10560] =	vst v56  }
0x4a: {  	[tilespmem:$0x10570] =	vst v56  }
0x4b: {  	v56 =	vld.idx.msk [tilespmem:v57+s11+$0x0], $0xffff;
	_ =	sdelay $0x4  }
0x4c: {  	s25 =	sor.u32 $0x4, s4;
	[tilespmem:$0x10580] =	vst v56  }
0x4d: {  	v60 =	vmov s25;
	[tilespmem:$0x10590] =	vst v56  }
0x4e: {  	v57 =	vbroadcast v60, $0x0;
	[tilespmem:$0x105A0] =	vst v56  }
0x4f: {  	[tilespmem:$0x105B0] =	vst v56  }
0x50: {  	[tilespmem:$0x105C0] =	vst v56  }
0x51: {  	[tilespmem:$0x105D0] =	vst v56  }
0x52: {  	[tilespmem:$0x105E0] =	vst v56  }
0x53: {  	[tilespmem:$0x105F0] =	vst v56  }
0x54: {  	v56 =	vld.idx.msk [tilespmem:v57+s11+$0x0], $0xffff;
	_ =	sdelay $0x4  }
0x55: {  	s26 =	sor.u32 $0x5, s4;
	[tilespmem:$0x10600] =	vst v56  }
0x56: {  	v61 =	vmov s26;
	[tilespmem:$0x10610] =	vst v56  }
0x57: {  	v57 =	vbroadcast v61, $0x0;
	[tilespmem:$0x10620] =	vst v56  }
0x58: {  	[tilespmem:$0x10630] =	vst v56  }
0x59: {  	[tilespmem:$0x10640] =	vst v56  }
0x5a: {  	[tilespmem:$0x10650] =	vst v56  }
0x5b: {  	[tilespmem:$0x10660] =	vst v56  }
0x5c: {  	[tilespmem:$0x10670] =	vst v56  }
0x5d: {  	v56 =	vld.idx.msk [tilespmem:v57+s11+$0x0], $0xffff;
	_ =	sdelay $0x4  }
0x5e: {  	s28 =	sor.u32 $0x6, s4;
	[tilespmem:$0x10680] =	vst v56  }
0x5f: {  	v62 =	vmov s28;
	[tilespmem:$0x10690] =	vst v56  }
0x60: {  	v57 =	vbroadcast v62, $0x0;
	[tilespmem:$0x106A0] =	vst v56  }
0x61: {  	[tilespmem:$0x106B0] =	vst v56  }
0x62: {  	[tilespmem:$0x106C0] =	vst v56  }
0x63: {  	[tilespmem:$0x106D0] =	vst v56  }
0x64: {  	[tilespmem:$0x106E0] =	vst v56  }
0x65: {  	[tilespmem:$0x106F0] =	vst v56  }
0x66: {  	v56 =	vld.idx.msk [tilespmem:v57+s11+$0x0], $0xffff;
	_ =	sdelay $0x4  }
0x67: {  	[tilespmem:$0x10700] =	vst v56  }
0x68: {  	[tilespmem:$0x10710] =	vst v56  }
0x69: {  	s29 =	sor.u32 $0x7, s4;
	[tilespmem:$0x10720] =	vst v56  }
0x6a: {  	v63 =	vmov s29;
	[tilespmem:$0x10730] =	vst v56  }
0x6b: {  	[tilespmem:$0x10740] =	vst v56  }
0x6c: {  	[tilespmem:$0x10750] =	vst v56  }
0x6d: {  	[tilespmem:$0x10760] =	vst v56  }
0x6e: {  	[tilespmem:$0x10770] =	vst v56  }
0x6f: {  	v56 =	vld.idx.msk [tilespmem:v63+s11+$0x0], $0xffff;
	_ =	sdelay $0x4  }
0x70: {  	[tilespmem:$0x10780] =	vst v56  }
0x71: {  	[tilespmem:$0x10790] =	vst v56  }
0x72: {  	[tilespmem:$0x107A0] =	vst v56  }
0x73: {  	s30 =	sand.u32 $0x1, s1;
	[tilespmem:$0x107B0] =	vst v56  }
0x74: {  	p0 =	seq.s32 s1, s4;
	p1 =	seq.s32 s30, $0x1;
	[tilespmem:$0x107C0] =	vst v56  }
0x75: {  	p0 =	por !p0, !p1;
	[tilespmem:$0x107D0] =	vst v56  }
0x76: {  	s31 =	sand.u32 $0x7, s1;
	s23 =	simm.s32 $0x1;
	p0 =	por !p0, !p0;
	[tilespmem:$0x107E0] =	vst v56  }
0x77: {  	s24 =	sshrl.u32 s31, $0x1;
	s23 =	simm.s32 @!p0 $0x0;
	[tilespmem:$0x107F0] =	vst v56  }
0x78: {  	s1 =	sshll.u32 s1, $0x9;
	s23 =	ssub.s32 s24, s23;
	_ =	swait.ge [sflag:s17], $0x10400  }
0x79: {  	s1 =	sand.u32 $0x7FFFF000, s1;
	s24 =	sshll.u32 s23, $0x1;
	[sflag:s17] =	ssyncset.done $0x0  }
0x7a: {  	s25 =	sshll.u32 s23, $0xA;
	p0 =	sne.s32 s31, s24;
	[sflag:s17] =	ssyncadd.s32 $0xFFFEFC00  }
0x7b: {  	s23 =	sadd.s32 @!p0 s1, s25;
	_ =	swait.ge [sflag:s18], $0x4000  }
0x7c: {  	s23 =	sshrl.u32 @!p0 s23, $0x3;
	[sflag:s18] =	ssyncset.done $0x0  }
0x7d: {  	s26 =	simm.s32 @!p0 $0x0;
	s23 =	sadd.s32 @!p0 s5, s23;
	[sflag:s18] =	ssyncadd.s32 $0xFFFFC000  }
0x7e: {  	[hbm4b:s23+s26] =	stream.linear.scatter @!p0 [tilespmem:s26], [sflag:$0x4], $0x400, $0x38;
	[tilespmem:$0x18880] =	vst v63  }
0x7f: {  	s26 =	simm.s32 @!p0 $0x4  }
0x80: {  	s4 =	ssub.s32 s31, s24;
	_ =	swait.ge @!p0 [sflag:s26], $0x400  }
0x81: {  	s1 =	sadd.s32 s25, s1;
	s25 =	simm.s32 $0x0;
	[sflag:s26] =	ssyncset.done @!p0 $0x0  }
0x82: {  	s24 =	sadd.s32 $0xC000, s1;
	s23 =	sshll.u32 s4, $0x7;
	[sflag:s26] =	ssyncadd.s32 @!p0 $0xFFFFFC00  }
.LBB2_3:
0x83: {  	s26 =	sand.u32 $0x1, s25;
	p0 =	slt.u32 s25, $0x2  }
0x84: {  	s1 =	sor.u32 @!p0 $0x2, s26  }
0x85: {  	_ =	swait.ge @!p0 [sflag:s1], $0x2000  }
0x86: {  	v40 =	vld [tilespmem:$0x1FE70]  }
0x87: {  	v41 =	vld [tilespmem:$0x1FE80]  }
0x88: {  	v42 =	vld [tilespmem:$0x1FE90]  }
0x89: {  	v43 =	vld [tilespmem:$0x1FEA0]  }
0x8a: {  	v44 =	vld [tilespmem:$0x1FEB0]  }
0x8b: {  	v45 =	vld [tilespmem:$0x1FEC0]  }
0x8c: {  	v46 =	vld [tilespmem:$0x1FED0]  }
0x8d: {  	v47 =	vld [tilespmem:$0x1FEE0]  }
0x8e: {  	v48 =	vld [tilespmem:$0x1FEF0]  }
0x8f: {  	v49 =	vld [tilespmem:$0x1FF00]  }
0x90: {  	v50 =	vld [tilespmem:$0x1FF10]  }
0x91: {  	v51 =	vld [tilespmem:$0x1FF20]  }
0x92: {  	v52 =	vld [tilespmem:$0x1FF30]  }
0x93: {  	v53 =	vld [tilespmem:$0x1FF40]  }
0x94: {  	v54 =	vld [tilespmem:$0x1FF50]  }
0x95: {  	v55 =	vld [tilespmem:$0x1FF60]  }
0x96: {  	v1 =	vld [tilespmem:$0x1FF70]  }
0x97: {  	v33 =	vld [tilespmem:$0x1FF80]  }
0x98: {  	v34 =	vld [tilespmem:$0x1FF90]  }
0x99: {  	v35 =	vld [tilespmem:$0x1FFA0]  }
0x9a: {  	s4 =	sshll.u32 s26, $0xD;
	v36 =	vld [tilespmem:$0x1FFB0]  }
0x9b: {  	s29 =	sshll.u32 s25, $0x3;
	s28 =	sor.u32 $0x14800, s4;
	[sflag:s1] =	ssyncset.done @!p0 $0x0;
	v37 =	vld [tilespmem:$0x1FFC0]  }
0x9c: {  	v56 =	vmov s28;
	v38 =	vld [tilespmem:$0x1FFD0];
	[sflag:s1] =	ssyncadd.s32 @!p0 $0xFFFFE000;
	p0 =	por $0x1, $0x1;
	s1 =	simm.s32 $0x0  }
.LBB2_4:
0x9d: {  	s4 =	sor.u32 s29, s1  }
0x9e: {  	v57 =	vmov s4  }
0x9f: {  	v57 =	vand.u32 $0x7C, v57  }
0xa0: {  	v57 =	vbroadcast v57, $0x0;
	_ =	sdelay $0x1  }
0xa1: {  	v58 =	vor.u32 v32, v57;
	_ =	sdelay $0x4  }
0xa2: {  	v58 =	vld.idx.msk [tilespmem:v58+s16+$0x0], $0xffff;
	_ =	sdelay $0x4  }
0xa3: {  	vm0 =	vlt.s32 v58, $0x40  }
0xa4: {  	v58 =	vnsel vm0, $0x40, v58  }
0xa5: {  	v58 =	vshll.u32 v58, $0xA  }
0xa6: {  	v59 =	vadd.s32 v11, v58;
	_ =	sdelay $0x4  }
0xa7: {  	v59 =	vld.idx.msk [tilespmem:v59+s7+$0x0], $0xffff  }
0xa8: {  	v60 =	vadd.s32 v12, v58;
	_ =	sdelay $0x1  }
0xa9: {  	s3 =	sshll.u32 s1, $0xA  }
0xaa: {  	s30 =	sand.u32 $0x3FFFFC00, s3  }
0xab: {  	[tilespmem:v56+s30+$0x0 ss:$0x1] =	vst.idx.msk $0xffff, v59  }
0xac: {  	v59 =	vld.idx.msk [tilespmem:v60+s7+$0x0], $0xffff  }
0xad: {  	v6 =	vadd.s32 v9, v58;
	_ =	sdelay $0x3  }
0xae: {  	[tilespmem:v56+s30+$0x80 ss:$0x1] =	vst.idx.msk $0xffff, v59  }
0xaf: {  	v59 =	vld.idx.msk [tilespmem:v6+s7+$0x0], $0xffff  }
0xb0: {  	v7 =	vadd.s32 v10, v58;
	_ =	sdelay $0x3  }
0xb1: {  	[tilespmem:v56+s30+$0x100 ss:$0x1] =	vst.idx.msk $0xffff, v59  }
0xb2: {  	v59 =	vld.idx.msk [tilespmem:v7+s7+$0x0], $0xffff  }
0xb3: {  	v39 =	vadd.s32 v13, v58;
	_ =	sdelay $0x3  }
0xb4: {  	[tilespmem:v56+s30+$0x180 ss:$0x1] =	vst.idx.msk $0xffff, v59  }
0xb5: {  	v59 =	vld.idx.msk [tilespmem:v39+s7+$0x0], $0xffff  }
0xb6: {  	v4 =	vadd.s32 v14, v58;
	_ =	sdelay $0x3  }
0xb7: {  	[tilespmem:v56+s30+$0x200 ss:$0x1] =	vst.idx.msk $0xffff, v59  }
0xb8: {  	v59 =	vld.idx.msk [tilespmem:v4+s7+$0x0], $0xffff  }
0xb9: {  	v5 =	vadd.s32 v15, v58;
	_ =	sdelay $0x3  }
0xba: {  	[tilespmem:v56+s30+$0x280 ss:$0x1] =	vst.idx.msk $0xffff, v59  }
0xbb: {  	v59 =	vld.idx.msk [tilespmem:v5+s7+$0x0], $0xffff  }
0xbc: {  	v58 =	vadd.s32 v16, v58;
	_ =	sdelay $0x3  }
0xbd: {  	[tilespmem:v56+s30+$0x300 ss:$0x1] =	vst.idx.msk $0xffff, v59  }
0xbe: {  	v58 =	vld.idx.msk [tilespmem:v58+s7+$0x0], $0xffff  }
0xbf: {  	v6 =	vor.u32 v17, v57;
	_ =	sdelay $0x3  }
0xc0: {  	[tilespmem:v56+s30+$0x380 ss:$0x1] =	vst.idx.msk $0xffff, v58  }
0xc1: {  	v58 =	vld.idx.msk [tilespmem:v6+s16+$0x0], $0xffff;
	_ =	sdelay $0x4  }
0xc2: {  	vm9 =	vlt.s32 v58, $0x40  }
0xc3: {  	v58 =	vnsel vm9, $0x40, v58  }
0xc4: {  	v58 =	vshll.u32 v58, $0xA  }
0xc5: {  	v7 =	vadd.s32 v18, v58;
	_ =	sdelay $0x4  }
0xc6: {  	v59 =	vld.idx.msk [tilespmem:v7+s7+$0x0], $0xffff  }
0xc7: {  	v39 =	vadd.s32 v19, v58;
	_ =	sdelay $0x3  }
0xc8: {  	[tilespmem:v56+s30+$0x10 ss:$0x1] =	vst.idx.msk $0xffff, v59  }
0xc9: {  	v59 =	vld.idx.msk [tilespmem:v39+s7+$0x0], $0xffff  }
0xca: {  	v4 =	vadd.s32 v20, v58;
	_ =	sdelay $0x3  }
0xcb: {  	[tilespmem:v56+s30+$0x90 ss:$0x1] =	vst.idx.msk $0xffff, v59  }
0xcc: {  	v59 =	vld.idx.msk [tilespmem:v4+s7+$0x0], $0xffff  }
0xcd: {  	v5 =	vadd.s32 v21, v58;
	_ =	sdelay $0x3  }
0xce: {  	[tilespmem:v56+s30+$0x110 ss:$0x1] =	vst.idx.msk $0xffff, v59  }
0xcf: {  	v59 =	vld.idx.msk [tilespmem:v5+s7+$0x0], $0xffff  }
0xd0: {  	v6 =	vadd.s32 v22, v58;
	_ =	sdelay $0x3  }
0xd1: {  	[tilespmem:v56+s30+$0x190 ss:$0x1] =	vst.idx.msk $0xffff, v59  }
0xd2: {  	v59 =	vld.idx.msk [tilespmem:v6+s7+$0x0], $0xffff  }
0xd3: {  	v7 =	vadd.s32 v23, v58;
	_ =	sdelay $0x3  }
0xd4: {  	[tilespmem:v56+s30+$0x210 ss:$0x1] =	vst.idx.msk $0xffff, v59  }
0xd5: {  	v59 =	vld.idx.msk [tilespmem:v7+s7+$0x0], $0xffff  }
0xd6: {  	v39 =	vadd.s32 v24, v58;
	_ =	sdelay $0x3  }
0xd7: {  	[tilespmem:v56+s30+$0x290 ss:$0x1] =	vst.idx.msk $0xffff, v59  }
0xd8: {  	v59 =	vld.idx.msk [tilespmem:v39+s7+$0x0], $0xffff  }
0xd9: {  	v58 =	vadd.s32 v25, v58;
	_ =	sdelay $0x3  }
0xda: {  	[tilespmem:v56+s30+$0x310 ss:$0x1] =	vst.idx.msk $0xffff, v59  }
0xdb: {  	v58 =	vld.idx.msk [tilespmem:v58+s7+$0x0], $0xffff  }
0xdc: {  	v61 =	vor.u32 v26, v57;
	_ =	sdelay $0x3  }
0xdd: {  	[tilespmem:v56+s30+$0x390 ss:$0x1] =	vst.idx.msk $0xffff, v58  }
0xde: {  	v58 =	vld.idx.msk [tilespmem:v61+s16+$0x0], $0xffff;
	_ =	sdelay $0x4  }
0xdf: {  	vm10 =	vlt.s32 v58, $0x40  }
0xe0: {  	v58 =	vnsel vm10, $0x40, v58  }
0xe1: {  	v61 =	vshll.u32 v58, $0xA  }
0xe2: {  	v58 =	vadd.s32 v27, v61;
	_ =	sdelay $0x4  }
0xe3: {  	v58 =	vld.idx.msk [tilespmem:v58+s7+$0x0], $0xffff  }
0xe4: {  	v62 =	vadd.s32 v28, v61;
	_ =	sdelay $0x3  }
0xe5: {  	[tilespmem:v56+s30+$0x20 ss:$0x1] =	vst.idx.msk $0xffff, v58  }
0xe6: {  	v58 =	vld.idx.msk [tilespmem:v62+s7+$0x0], $0xffff  }
0xe7: {  	v63 =	vadd.s32 v29, v61;
	_ =	sdelay $0x3  }
0xe8: {  	[tilespmem:v56+s30+$0xA0 ss:$0x1] =	vst.idx.msk $0xffff, v58  }
0xe9: {  	v58 =	vld.idx.msk [tilespmem:v63+s7+$0x0], $0xffff  }
0xea: {  	v4 =	vadd.s32 v30, v61;
	_ =	sdelay $0x3  }
0xeb: {  	[tilespmem:v56+s30+$0x120 ss:$0x1] =	vst.idx.msk $0xffff, v58  }
0xec: {  	v58 =	vld.idx.msk [tilespmem:v4+s7+$0x0], $0xffff  }
0xed: {  	s4 =	sor.u32 $0x1, s1;
	v5 =	vadd.s32 v31, v61  }
0xee: {  	s3 =	sor.u32 $0x2, s1;
	s31 =	sor.u32 s29, s4  }
0xef: {  	s1 =	sor.u32 $0x3, s1;
	v6 =	vmov s31;
	s31 =	sor.u32 s29, s3  }
0xf0: {  	v60 =	vand.u32 $0x7D, v6;
	v62 =	vmov s31;
	s31 =	sor.u32 s29, s1  }
0xf1: {  	v7 =	vand.u32 $0x7E, v62;
	v63 =	vmov s31;
	[tilespmem:v56+s30+$0x1A0 ss:$0x1] =	vst.idx.msk $0xffff, v58;
	v58 =	vbroadcast v60, $0x0  }
0xf2: {  	v59 =	vbroadcast v7, $0x0;
	v39 =	vld.idx.msk [tilespmem:v5+s7+$0x0], $0xffff;
	v5 =	vand.u32 $0x7F, v63  }
0xf3: {  	v6 =	vor.u32 v32, v58;
	v60 =	vbroadcast v5, $0x0  }
0xf4: {  	v2 =	vor.u32 v32, v59  }
0xf5: {  	v3 =	vor.u32 v32, v60;
	_ =	sdelay $0x2  }
0xf6: {  	v7 =	vld.idx.msk [tilespmem:v6+s16+$0x0], $0xffff  }
0xf7: {  	v2 =	vld.idx.msk [tilespmem:v2+s16+$0x0], $0xffff  }
0xf8: {  	v3 =	vld.idx.msk [tilespmem:v3+s16+$0x0], $0xffff;
	_ =	sdelay $0x2  }
0xf9: {  	vm11 =	vlt.s32 v7, $0x40  }
0xfa: {  	vm12 =	vlt.s32 v2, $0x40;
	v62 =	vnsel vm11, $0x40, v7  }
0xfb: {  	v2 =	vnsel vm12, $0x40, v2;
	v62 =	vshll.u32 v62, $0xA;
	vm13 =	vlt.s32 v3, $0x40  }
0xfc: {  	v2 =	vshll.u32 v2, $0xA;
	[tilespmem:v56+s30+$0x220 ss:$0x1] =	vst.idx.msk $0xffff, v39;
	v39 =	vadd.s32 v11, v62;
	v3 =	vnsel vm13, $0x40, v3  }
0xfd: {  	v4 =	vadd.s32 v11, v2;
	v3 =	vshll.u32 v3, $0xA  }
0xfe: {  	v5 =	vadd.s32 v11, v3;
	_ =	sdelay $0x2  }
0xff: {  	v63 =	vld.idx.msk [tilespmem:v39+s7+$0x0], $0xffff  }
0x100: {  	v4 =	vld.idx.msk [tilespmem:v4+s7+$0x0], $0xffff;
	v6 =	vadd.s32 v12, v62  }
0x101: {  	v7 =	vadd.s32 v12, v2;
	v5 =	vld.idx.msk [tilespmem:v5+s7+$0x0], $0xffff  }
0x102: {  	s4 =	sshll.u32 s4, $0xA;
	v8 =	vadd.s32 v12, v3  }
0x103: {  	s4 =	sand.u32 $0x3FFFFC00, s4;
	s3 =	sshll.u32 s3, $0xA  }
0x104: {  	s3 =	sand.u32 $0x3FFFFC00, s3;
	s1 =	sshll.u32 s1, $0xA;
	[tilespmem:v56+s4+$0x0 ss:$0x1] =	vst.idx.msk $0xffff, v63  }
0x105: {  	s1 =	sand.u32 $0x3FFFFC00, s1;
	[tilespmem:v56+s3+$0x0 ss:$0x1] =	vst.idx.msk $0xffff, v4;
	v6 =	vld.idx.msk [tilespmem:v6+s7+$0x0], $0xffff  }
0x106: {  	v4 =	vadd.s32 v9, v62;
	v7 =	vld.idx.msk [tilespmem:v7+s7+$0x0], $0xffff;
	[tilespmem:v56+s1+$0x0 ss:$0x1] =	vst.idx.msk $0xffff, v5  }
0x107: {  	v5 =	vadd.s32 v9, v2;
	v8 =	vld.idx.msk [tilespmem:v8+s7+$0x0], $0xffff  }
0x108: {  	v39 =	vadd.s32 v9, v3;
	_ =	sdelay $0x1  }
0x109: {  	[tilespmem:v56+s4+$0x80 ss:$0x1] =	vst.idx.msk $0xffff, v6  }
0x10a: {  	[tilespmem:v56+s3+$0x80 ss:$0x1] =	vst.idx.msk $0xffff, v7;
	v4 =	vld.idx.msk [tilespmem:v4+s7+$0x0], $0xffff  }
0x10b: {  	v6 =	vadd.s32 v10, v62;
	v5 =	vld.idx.msk [tilespmem:v5+s7+$0x0], $0xffff;
	[tilespmem:v56+s1+$0x80 ss:$0x1] =	vst.idx.msk $0xffff, v8  }
0x10c: {  	v7 =	vadd.s32 v10, v2;
	v8 =	vld.idx.msk [tilespmem:v39+s7+$0x0], $0xffff  }
0x10d: {  	v39 =	vadd.s32 v10, v3;
	_ =	sdelay $0x1  }
0x10e: {  	[tilespmem:v56+s4+$0x100 ss:$0x1] =	vst.idx.msk $0xffff, v4  }
0x10f: {  	[tilespmem:v56+s3+$0x100 ss:$0x1] =	vst.idx.msk $0xffff, v5;
	v4 =	vld.idx.msk [tilespmem:v6+s7+$0x0], $0xffff  }
0x110: {  	v5 =	vadd.s32 v13, v62;
	v6 =	vld.idx.msk [tilespmem:v7+s7+$0x0], $0xffff;
	[tilespmem:v56+s1+$0x100 ss:$0x1] =	vst.idx.msk $0xffff, v8  }
0x111: {  	v7 =	vadd.s32 v13, v2;
	v8 =	vld.idx.msk [tilespmem:v39+s7+$0x0], $0xffff  }
0x112: {  	v39 =	vadd.s32 v13, v3;
	_ =	sdelay $0x1  }
0x113: {  	[tilespmem:v56+s4+$0x180 ss:$0x1] =	vst.idx.msk $0xffff, v4  }
0x114: {  	[tilespmem:v56+s3+$0x180 ss:$0x1] =	vst.idx.msk $0xffff, v6;
	v4 =	vld.idx.msk [tilespmem:v5+s7+$0x0], $0xffff  }
0x115: {  	v5 =	vadd.s32 v14, v62;
	v6 =	vld.idx.msk [tilespmem:v7+s7+$0x0], $0xffff;
	[tilespmem:v56+s1+$0x180 ss:$0x1] =	vst.idx.msk $0xffff, v8  }
0x116: {  	v7 =	vadd.s32 v14, v2;
	v8 =	vld.idx.msk [tilespmem:v39+s7+$0x0], $0xffff  }
0x117: {  	v39 =	vadd.s32 v14, v3;
	_ =	sdelay $0x1  }
0x118: {  	[tilespmem:v56+s4+$0x200 ss:$0x1] =	vst.idx.msk $0xffff, v4  }
0x119: {  	[tilespmem:v56+s3+$0x200 ss:$0x1] =	vst.idx.msk $0xffff, v6;
	v4 =	vld.idx.msk [tilespmem:v5+s7+$0x0], $0xffff  }
0x11a: {  	v5 =	vadd.s32 v15, v62;
	v6 =	vld.idx.msk [tilespmem:v7+s7+$0x0], $0xffff;
	[tilespmem:v56+s1+$0x200 ss:$0x1] =	vst.idx.msk $0xffff, v8  }
0x11b: {  	v7 =	vadd.s32 v15, v2;
	v8 =	vld.idx.msk [tilespmem:v39+s7+$0x0], $0xffff  }
0x11c: {  	v39 =	vadd.s32 v15, v3;
	_ =	sdelay $0x1  }
0x11d: {  	[tilespmem:v56+s4+$0x280 ss:$0x1] =	vst.idx.msk $0xffff, v4  }
0x11e: {  	[tilespmem:v56+s3+$0x280 ss:$0x1] =	vst.idx.msk $0xffff, v6;
	v4 =	vld.idx.msk [tilespmem:v5+s7+$0x0], $0xffff  }
0x11f: {  	v62 =	vadd.s32 v16, v62;
	v6 =	vld.idx.msk [tilespmem:v7+s7+$0x0], $0xffff;
	[tilespmem:v56+s1+$0x280 ss:$0x1] =	vst.idx.msk $0xffff, v8  }
0x120: {  	v2 =	vadd.s32 v16, v2;
	v39 =	vld.idx.msk [tilespmem:v39+s7+$0x0], $0xffff  }
0x121: {  	v3 =	vadd.s32 v16, v3;
	_ =	sdelay $0x1  }
0x122: {  	[tilespmem:v56+s4+$0x300 ss:$0x1] =	vst.idx.msk $0xffff, v4  }
0x123: {  	[tilespmem:v56+s3+$0x300 ss:$0x1] =	vst.idx.msk $0xffff, v6;
	v4 =	vld.idx.msk [tilespmem:v62+s7+$0x0], $0xffff  }
0x124: {  	v62 =	vor.u32 v17, v58;
	v2 =	vld.idx.msk [tilespmem:v2+s7+$0x0], $0xffff;
	[tilespmem:v56+s1+$0x300 ss:$0x1] =	vst.idx.msk $0xffff, v39  }
0x125: {  	v63 =	vor.u32 v17, v59;
	v3 =	vld.idx.msk [tilespmem:v3+s7+$0x0], $0xffff  }
0x126: {  	v39 =	vor.u32 v17, v60;
	_ =	sdelay $0x1  }
0x127: {  	[tilespmem:v56+s4+$0x380 ss:$0x1] =	vst.idx.msk $0xffff, v4  }
0x128: {  	[tilespmem:v56+s3+$0x380 ss:$0x1] =	vst.idx.msk $0xffff, v2;
	v4 =	vld.idx.msk [tilespmem:v62+s16+$0x0], $0xffff  }
0x129: {  	v2 =	vld.idx.msk [tilespmem:v63+s16+$0x0], $0xffff;
	[tilespmem:v56+s1+$0x380 ss:$0x1] =	vst.idx.msk $0xffff, v3  }
0x12a: {  	v3 =	vld.idx.msk [tilespmem:v39+s16+$0x0], $0xffff;
	_ =	sdelay $0x2  }
0x12b: {  	vm14 =	vlt.s32 v4, $0x40  }
0x12c: {  	vm15 =	vlt.s32 v2, $0x40;
	v4 =	vnsel vm14, $0x40, v4  }
0x12d: {  	v2 =	vnsel vm15, $0x40, v2;
	v4 =	vshll.u32 v4, $0xA;
	vm4 =	vlt.s32 v3, $0x40  }
0x12e: {  	v2 =	vshll.u32 v2, $0xA;
	v62 =	vadd.s32 v18, v4;
	v3 =	vnsel vm4, $0x40, v3  }
0x12f: {  	v63 =	vadd.s32 v18, v2;
	v3 =	vshll.u32 v3, $0xA  }
0x130: {  	v39 =	vadd.s32 v18, v3;
	_ =	sdelay $0x2  }
0x131: {  	v5 =	vld.idx.msk [tilespmem:v62+s7+$0x0], $0xffff  }
0x132: {  	v8 =	vadd.s32 v19, v4;
	v6 =	vld.idx.msk [tilespmem:v63+s7+$0x0], $0xffff  }
0x133: {  	v62 =	vadd.s32 v19, v2;
	v7 =	vld.idx.msk [tilespmem:v39+s7+$0x0], $0xffff  }
0x134: {  	v39 =	vadd.s32 v19, v3;
	_ =	sdelay $0x1  }
0x135: {  	[tilespmem:v56+s4+$0x10 ss:$0x1] =	vst.idx.msk $0xffff, v5  }
0x136: {  	[tilespmem:v56+s3+$0x10 ss:$0x1] =	vst.idx.msk $0xffff, v6;
	v5 =	vld.idx.msk [tilespmem:v8+s7+$0x0], $0xffff  }
0x137: {  	v6 =	vadd.s32 v20, v4;
	v8 =	vld.idx.msk [tilespmem:v62+s7+$0x0], $0xffff;
	[tilespmem:v56+s1+$0x10 ss:$0x1] =	vst.idx.msk $0xffff, v7  }
0x138: {  	v7 =	vadd.s32 v20, v2;
	v62 =	vld.idx.msk [tilespmem:v39+s7+$0x0], $0xffff  }
0x139: {  	v39 =	vadd.s32 v20, v3;
	_ =	sdelay $0x1  }
0x13a: {  	[tilespmem:v56+s4+$0x90 ss:$0x1] =	vst.idx.msk $0xffff, v5  }
0x13b: {  	[tilespmem:v56+s3+$0x90 ss:$0x1] =	vst.idx.msk $0xffff, v8;
	v5 =	vld.idx.msk [tilespmem:v6+s7+$0x0], $0xffff  }
0x13c: {  	v6 =	vadd.s32 v21, v4;
	v7 =	vld.idx.msk [tilespmem:v7+s7+$0x0], $0xffff;
	[tilespmem:v56+s1+$0x90 ss:$0x1] =	vst.idx.msk $0xffff, v62  }
0x13d: {  	v8 =	vadd.s32 v21, v2;
	v62 =	vld.idx.msk [tilespmem:v39+s7+$0x0], $0xffff  }
0x13e: {  	v39 =	vadd.s32 v21, v3;
	_ =	sdelay $0x1  }
0x13f: {  	[tilespmem:v56+s4+$0x110 ss:$0x1] =	vst.idx.msk $0xffff, v5  }
0x140: {  	[tilespmem:v56+s3+$0x110 ss:$0x1] =	vst.idx.msk $0xffff, v7;
	v5 =	vld.idx.msk [tilespmem:v6+s7+$0x0], $0xffff  }
0x141: {  	v6 =	vadd.s32 v22, v4;
	v7 =	vld.idx.msk [tilespmem:v8+s7+$0x0], $0xffff;
	[tilespmem:v56+s1+$0x110 ss:$0x1] =	vst.idx.msk $0xffff, v62  }
0x142: {  	v8 =	vadd.s32 v22, v2;
	v62 =	vld.idx.msk [tilespmem:v39+s7+$0x0], $0xffff  }
0x143: {  	v39 =	vadd.s32 v22, v3;
	_ =	sdelay $0x1  }
0x144: {  	[tilespmem:v56+s4+$0x190 ss:$0x1] =	vst.idx.msk $0xffff, v5  }
0x145: {  	[tilespmem:v56+s3+$0x190 ss:$0x1] =	vst.idx.msk $0xffff, v7;
	v5 =	vld.idx.msk [tilespmem:v6+s7+$0x0], $0xffff  }
0x146: {  	v6 =	vadd.s32 v23, v4;
	v7 =	vld.idx.msk [tilespmem:v8+s7+$0x0], $0xffff;
	[tilespmem:v56+s1+$0x190 ss:$0x1] =	vst.idx.msk $0xffff, v62  }
0x147: {  	v8 =	vadd.s32 v23, v2;
	v62 =	vld.idx.msk [tilespmem:v39+s7+$0x0], $0xffff  }
0x148: {  	v39 =	vadd.s32 v23, v3;
	_ =	sdelay $0x1  }
0x149: {  	[tilespmem:v56+s4+$0x210 ss:$0x1] =	vst.idx.msk $0xffff, v5  }
0x14a: {  	[tilespmem:v56+s3+$0x210 ss:$0x1] =	vst.idx.msk $0xffff, v7;
	v5 =	vld.idx.msk [tilespmem:v6+s7+$0x0], $0xffff  }
0x14b: {  	v6 =	vadd.s32 v24, v4;
	v7 =	vld.idx.msk [tilespmem:v8+s7+$0x0], $0xffff;
	[tilespmem:v56+s1+$0x210 ss:$0x1] =	vst.idx.msk $0xffff, v62  }
0x14c: {  	v8 =	vadd.s32 v24, v2;
	v62 =	vld.idx.msk [tilespmem:v39+s7+$0x0], $0xffff  }
0x14d: {  	v39 =	vadd.s32 v24, v3;
	_ =	sdelay $0x1  }
0x14e: {  	[tilespmem:v56+s4+$0x290 ss:$0x1] =	vst.idx.msk $0xffff, v5  }
0x14f: {  	[tilespmem:v56+s3+$0x290 ss:$0x1] =	vst.idx.msk $0xffff, v7;
	v5 =	vld.idx.msk [tilespmem:v6+s7+$0x0], $0xffff  }
0x150: {  	v4 =	vadd.s32 v25, v4;
	v6 =	vld.idx.msk [tilespmem:v8+s7+$0x0], $0xffff;
	[tilespmem:v56+s1+$0x290 ss:$0x1] =	vst.idx.msk $0xffff, v62  }
0x151: {  	v2 =	vadd.s32 v25, v2;
	v39 =	vld.idx.msk [tilespmem:v39+s7+$0x0], $0xffff  }
0x152: {  	v3 =	vadd.s32 v25, v3;
	_ =	sdelay $0x1  }
0x153: {  	[tilespmem:v56+s4+$0x310 ss:$0x1] =	vst.idx.msk $0xffff, v5  }
0x154: {  	[tilespmem:v56+s3+$0x310 ss:$0x1] =	vst.idx.msk $0xffff, v6;
	v4 =	vld.idx.msk [tilespmem:v4+s7+$0x0], $0xffff  }
0x155: {  	v62 =	vor.u32 v26, v58;
	v2 =	vld.idx.msk [tilespmem:v2+s7+$0x0], $0xffff;
	[tilespmem:v56+s1+$0x310 ss:$0x1] =	vst.idx.msk $0xffff, v39  }
0x156: {  	v63 =	vor.u32 v26, v59;
	v3 =	vld.idx.msk [tilespmem:v3+s7+$0x0], $0xffff  }
0x157: {  	v39 =	vor.u32 v26, v60;
	_ =	sdelay $0x1  }
0x158: {  	[tilespmem:v56+s4+$0x390 ss:$0x1] =	vst.idx.msk $0xffff, v4  }
0x159: {  	[tilespmem:v56+s3+$0x390 ss:$0x1] =	vst.idx.msk $0xffff, v2;
	v4 =	vld.idx.msk [tilespmem:v62+s16+$0x0], $0xffff  }
0x15a: {  	v2 =	vld.idx.msk [tilespmem:v63+s16+$0x0], $0xffff;
	[tilespmem:v56+s1+$0x390 ss:$0x1] =	vst.idx.msk $0xffff, v3  }
0x15b: {  	v3 =	vld.idx.msk [tilespmem:v39+s16+$0x0], $0xffff;
	_ =	sdelay $0x2  }
0x15c: {  	vm5 =	vlt.s32 v4, $0x40  }
0x15d: {  	vm6 =	vlt.s32 v2, $0x40;
	v4 =	vnsel vm5, $0x40, v4  }
0x15e: {  	v2 =	vnsel vm6, $0x40, v2;
	v4 =	vshll.u32 v4, $0xA;
	vm7 =	vlt.s32 v3, $0x40  }
0x15f: {  	v2 =	vshll.u32 v2, $0xA;
	v62 =	vadd.s32 v27, v4;
	v3 =	vnsel vm7, $0x40, v3  }
0x160: {  	v63 =	vadd.s32 v27, v2;
	v3 =	vshll.u32 v3, $0xA  }
0x161: {  	v39 =	vadd.s32 v27, v3;
	_ =	sdelay $0x2  }
0x162: {  	v5 =	vld.idx.msk [tilespmem:v62+s7+$0x0], $0xffff  }
0x163: {  	v8 =	vadd.s32 v28, v4;
	v6 =	vld.idx.msk [tilespmem:v63+s7+$0x0], $0xffff  }
0x164: {  	v62 =	vadd.s32 v28, v2;
	v7 =	vld.idx.msk [tilespmem:v39+s7+$0x0], $0xffff  }
0x165: {  	v39 =	vadd.s32 v28, v3;
	_ =	sdelay $0x1  }
0x166: {  	[tilespmem:v56+s4+$0x20 ss:$0x1] =	vst.idx.msk $0xffff, v5  }
0x167: {  	[tilespmem:v56+s3+$0x20 ss:$0x1] =	vst.idx.msk $0xffff, v6;
	v5 =	vld.idx.msk [tilespmem:v8+s7+$0x0], $0xffff  }
0x168: {  	v8 =	vld.idx.msk [tilespmem:v62+s7+$0x0], $0xffff;
	[tilespmem:v56+s1+$0x20 ss:$0x1] =	vst.idx.msk $0xffff, v7  }
0x169: {  	v62 =	vld.idx.msk [tilespmem:v39+s7+$0x0], $0xffff  }
0x16a: {  	v39 =	vadd.s32 v29, v3;
	_ =	sdelay $0x1  }
0x16b: {  	v6 =	vadd.s32 v29, v4  }
0x16c: {  	v7 =	vadd.s32 v29, v2  }
0x16d: {  	[tilespmem:v56+s1+$0xA0 ss:$0x1] =	vst.idx.msk $0xffff, v62  }
0x16e: {  	v62 =	vld.idx.msk [tilespmem:v39+s7+$0x0], $0xffff  }
0x16f: {  	[tilespmem:v56+s4+$0xA0 ss:$0x1] =	vst.idx.msk $0xffff, v5;
	v39 =	vadd.s32 v30, v3  }
0x170: {  	[tilespmem:v56+s3+$0xA0 ss:$0x1] =	vst.idx.msk $0xffff, v8;
	v5 =	vld.idx.msk [tilespmem:v6+s7+$0x0], $0xffff  }
0x171: {  	v6 =	vadd.s32 v30, v4;
	v7 =	vld.idx.msk [tilespmem:v7+s7+$0x0], $0xffff  }
0x172: {  	v8 =	vadd.s32 v30, v2  }
0x173: {  	[tilespmem:v56+s1+$0x120 ss:$0x1] =	vst.idx.msk $0xffff, v62  }
0x174: {  	v62 =	vld.idx.msk [tilespmem:v39+s7+$0x0], $0xffff  }
0x175: {  	v13 =	vld [tilespmem:$0x1FDF0];
	[tilespmem:v56+s4+$0x120 ss:$0x1] =	vst.idx.msk $0xffff, v5;
	v39 =	vadd.s32 v31, v3  }
0x176: {  	[tilespmem:v56+s3+$0x120 ss:$0x1] =	vst.idx.msk $0xffff, v7;
	v5 =	vld.idx.msk [tilespmem:v6+s7+$0x0], $0xffff  }
0x177: {  	v6 =	vadd.s32 v31, v4;
	v7 =	vld.idx.msk [tilespmem:v8+s7+$0x0], $0xffff  }
0x178: {  	v8 =	vadd.s32 v31, v2  }
0x179: {  	[tilespmem:v56+s1+$0x1A0 ss:$0x1] =	vst.idx.msk $0xffff, v62  }
0x17a: {  	v9 =	vadd.s32 v13, v61;
	v62 =	vld.idx.msk [tilespmem:v39+s7+$0x0], $0xffff  }
0x17b: {  	[tilespmem:v56+s4+$0x1A0 ss:$0x1] =	vst.idx.msk $0xffff, v5;
	v39 =	vld [tilespmem:$0x1FE00]  }
0x17c: {  	[tilespmem:v56+s3+$0x1A0 ss:$0x1] =	vst.idx.msk $0xffff, v7;
	v5 =	vld.idx.msk [tilespmem:v6+s7+$0x0], $0xffff  }
0x17d: {  	v6 =	vadd.s32 v13, v4;
	v7 =	vld.idx.msk [tilespmem:v8+s7+$0x0], $0xffff  }
0x17e: {  	v8 =	vadd.s32 v13, v2  }
0x17f: {  	v9 =	vld.idx.msk [tilespmem:v9+s7+$0x0], $0xffff  }
0x180: {  	v63 =	vadd.s32 v13, v3;
	v13 =	vmov v10;
	v10 =	vadd.s32 v39, v61  }
0x181: {  	[tilespmem:v56+s4+$0x220 ss:$0x1] =	vst.idx.msk $0xffff, v5  }
0x182: {  	[tilespmem:v56+s3+$0x220 ss:$0x1] =	vst.idx.msk $0xffff, v7;
	v5 =	vld.idx.msk [tilespmem:v6+s7+$0x0], $0xffff  }
0x183: {  	v7 =	vld.idx.msk [tilespmem:v8+s7+$0x0], $0xffff;
	v6 =	vadd.s32 v39, v4  }
0x184: {  	[tilespmem:v56+s30+$0x2A0 ss:$0x1] =	vst.idx.msk $0xffff, v9;
	v8 =	vadd.s32 v39, v2;
	v9 =	vadd.s32 v39, v3;
	v39 =	vld [tilespmem:$0x1FE10]  }
0x185: {  	[tilespmem:v56+s1+$0x220 ss:$0x1] =	vst.idx.msk $0xffff, v62;
	v10 =	vld.idx.msk [tilespmem:v10+s7+$0x0], $0xffff  }
0x186: {  	v62 =	vld.idx.msk [tilespmem:v63+s7+$0x0], $0xffff  }
0x187: {  	[tilespmem:v56+s4+$0x2A0 ss:$0x1] =	vst.idx.msk $0xffff, v5  }
0x188: {  	[tilespmem:v56+s3+$0x2A0 ss:$0x1] =	vst.idx.msk $0xffff, v7;
	v5 =	vld.idx.msk [tilespmem:v6+s7+$0x0], $0xffff  }
0x189: {  	v61 =	vadd.s32 v39, v61;
	v6 =	vld.idx.msk [tilespmem:v8+s7+$0x0], $0xffff  }
0x18a: {  	v4 =	vadd.s32 v39, v4;
	[tilespmem:v56+s30+$0x320 ss:$0x1] =	vst.idx.msk $0xffff, v10;
	v10 =	vld [tilespmem:$0x1FE20]  }
0x18b: {  	v2 =	vadd.s32 v39, v2;
	[tilespmem:v56+s1+$0x2A0 ss:$0x1] =	vst.idx.msk $0xffff, v62  }
0x18c: {  	v63 =	vld.idx.msk [tilespmem:v9+s7+$0x0], $0xffff  }
0x18d: {  	v3 =	vadd.s32 v39, v3  }
0x18e: {  	[tilespmem:v56+s4+$0x320 ss:$0x1] =	vst.idx.msk $0xffff, v5;
	v8 =	vld.idx.msk [tilespmem:v61+s7+$0x0], $0xffff  }
0x18f: {  	[tilespmem:v56+s3+$0x320 ss:$0x1] =	vst.idx.msk $0xffff, v6;
	v4 =	vld.idx.msk [tilespmem:v4+s7+$0x0], $0xffff;
	v9 =	vor.u32 v10, v57  }
0x190: {  	v2 =	vld.idx.msk [tilespmem:v2+s7+$0x0], $0xffff;
	v62 =	vor.u32 v10, v58  }
0x191: {  	[tilespmem:v56+s1+$0x320 ss:$0x1] =	vst.idx.msk $0xffff, v63;
	v63 =	vor.u32 v10, v59  }
0x192: {  	v3 =	vld.idx.msk [tilespmem:v3+s7+$0x0], $0xffff  }
0x193: {  	v39 =	vor.u32 v10, v60;
	[tilespmem:v56+s30+$0x3A0 ss:$0x1] =	vst.idx.msk $0xffff, v8  }
0x194: {  	[tilespmem:v56+s4+$0x3A0 ss:$0x1] =	vst.idx.msk $0xffff, v4;
	v8 =	vld.idx.msk [tilespmem:v9+s16+$0x0], $0xffff  }
0x195: {  	[tilespmem:v56+s3+$0x3A0 ss:$0x1] =	vst.idx.msk $0xffff, v2;
	v4 =	vld.idx.msk [tilespmem:v62+s16+$0x0], $0xffff  }
0x196: {  	v2 =	vld.idx.msk [tilespmem:v63+s16+$0x0], $0xffff  }
0x197: {  	[tilespmem:v56+s1+$0x3A0 ss:$0x1] =	vst.idx.msk $0xffff, v3;
	v9 =	vld [tilespmem:$0x1FE30]  }
0x198: {  	v3 =	vld.idx.msk [tilespmem:v39+s16+$0x0], $0xffff  }
0x199: {  	vm8 =	vlt.s32 v8, $0x40  }
0x19a: {  	v61 =	vnsel vm8, $0x40, v8  }
0x19b: {  	vm9 =	vlt.s32 v4, $0x40;
	v5 =	vshll.u32 v61, $0xA  }
0x19c: {  	vm10 =	vlt.s32 v2, $0x40;
	v4 =	vnsel vm9, $0x40, v4;
	v62 =	vadd.s32 v9, v5  }
0x19d: {  	v39 =	vld [tilespmem:$0x1FE40];
	vm11 =	vlt.s32 v3, $0x40;
	v2 =	vnsel vm10, $0x40, v2;
	v4 =	vshll.u32 v4, $0xA  }
0x19e: {  	v3 =	vnsel vm11, $0x40, v3;
	v2 =	vshll.u32 v2, $0xA;
	v63 =	vadd.s32 v9, v4  }
0x19f: {  	v3 =	vshll.u32 v3, $0xA;
	v8 =	vadd.s32 v9, v2  }
0x1a0: {  	v9 =	vadd.s32 v9, v3  }
0x1a1: {  	v6 =	vld.idx.msk [tilespmem:v62+s7+$0x0], $0xffff  }
0x1a2: {  	v10 =	vadd.s32 v39, v5  }
0x1a3: {  	v7 =	vld.idx.msk [tilespmem:v63+s7+$0x0], $0xffff  }
0x1a4: {  	v8 =	vld.idx.msk [tilespmem:v8+s7+$0x0], $0xffff  }
0x1a5: {  	v61 =	vadd.s32 v39, v4;
	v9 =	vld.idx.msk [tilespmem:v9+s7+$0x0], $0xffff  }
0x1a6: {  	v62 =	vadd.s32 v39, v2;
	[tilespmem:v56+s30+$0x30 ss:$0x1] =	vst.idx.msk $0xffff, v6;
	v6 =	vadd.s32 v39, v3;
	v39 =	vld [tilespmem:$0x1FE50]  }
0x1a7: {  	v10 =	vld.idx.msk [tilespmem:v10+s7+$0x0], $0xffff;
	_ =	sdelay $0x1  }
0x1a8: {  	[tilespmem:v56+s4+$0x30 ss:$0x1] =	vst.idx.msk $0xffff, v7  }
0x1a9: {  	[tilespmem:v56+s3+$0x30 ss:$0x1] =	vst.idx.msk $0xffff, v8  }
0x1aa: {  	[tilespmem:v56+s1+$0x30 ss:$0x1] =	vst.idx.msk $0xffff, v9;
	v7 =	vld.idx.msk [tilespmem:v61+s7+$0x0], $0xffff;
	v63 =	vadd.s32 v39, v5;
	v8 =	vadd.s32 v39, v4  }
0x1ab: {  	v9 =	vadd.s32 v39, v2;
	[tilespmem:v56+s30+$0xB0 ss:$0x1] =	vst.idx.msk $0xffff, v10;
	v10 =	vadd.s32 v39, v3;
	v39 =	vld [tilespmem:$0x1FE60]  }
0x1ac: {  	v61 =	vld.idx.msk [tilespmem:v62+s7+$0x0], $0xffff  }
0x1ad: {  	v6 =	vld.idx.msk [tilespmem:v6+s7+$0x0], $0xffff;
	_ =	sdelay $0x1  }
0x1ae: {  	[tilespmem:v56+s4+$0xB0 ss:$0x1] =	vst.idx.msk $0xffff, v7;
	v62 =	vld.idx.msk [tilespmem:v63+s7+$0x0], $0xffff  }
0x1af: {  	v7 =	vld.idx.msk [tilespmem:v8+s7+$0x0], $0xffff;
	v63 =	vadd.s32 v39, v5  }
0x1b0: {  	[tilespmem:v56+s3+$0xB0 ss:$0x1] =	vst.idx.msk $0xffff, v61;
	v8 =	vadd.s32 v39, v4  }
0x1b1: {  	v9 =	vld.idx.msk [tilespmem:v9+s7+$0x0], $0xffff;
	[tilespmem:v56+s1+$0xB0 ss:$0x1] =	vst.idx.msk $0xffff, v6  }
0x1b2: {  	v6 =	vadd.s32 v39, v2;
	v10 =	vld.idx.msk [tilespmem:v10+s7+$0x0], $0xffff  }
0x1b3: {  	v61 =	vadd.s32 v39, v3;
	[tilespmem:v56+s30+$0x130 ss:$0x1] =	vst.idx.msk $0xffff, v62  }
0x1b4: {  	[tilespmem:v56+s4+$0x130 ss:$0x1] =	vst.idx.msk $0xffff, v7;
	v62 =	vld.idx.msk [tilespmem:v63+s7+$0x0], $0xffff  }
0x1b5: {  	v39 =	vadd.s32 v40, v5;
	v7 =	vld.idx.msk [tilespmem:v8+s7+$0x0], $0xffff  }
0x1b6: {  	[tilespmem:v56+s3+$0x130 ss:$0x1] =	vst.idx.msk $0xffff, v9;
	v8 =	vadd.s32 v40, v4  }
0x1b7: {  	v6 =	vld.idx.msk [tilespmem:v6+s7+$0x0], $0xffff;
	[tilespmem:v56+s1+$0x130 ss:$0x1] =	vst.idx.msk $0xffff, v10  }
0x1b8: {  	v9 =	vadd.s32 v40, v2;
	v10 =	vld.idx.msk [tilespmem:v61+s7+$0x0], $0xffff  }
0x1b9: {  	v61 =	vadd.s32 v40, v3;
	[tilespmem:v56+s30+$0x1B0 ss:$0x1] =	vst.idx.msk $0xffff, v62  }
0x1ba: {  	[tilespmem:v56+s4+$0x1B0 ss:$0x1] =	vst.idx.msk $0xffff, v7;
	v62 =	vld.idx.msk [tilespmem:v39+s7+$0x0], $0xffff  }
0x1bb: {  	v63 =	vadd.s32 v41, v5;
	v7 =	vld.idx.msk [tilespmem:v8+s7+$0x0], $0xffff  }
0x1bc: {  	[tilespmem:v56+s3+$0x1B0 ss:$0x1] =	vst.idx.msk $0xffff, v6;
	v39 =	vadd.s32 v41, v4  }
0x1bd: {  	v8 =	vld.idx.msk [tilespmem:v9+s7+$0x0], $0xffff;
	[tilespmem:v56+s1+$0x1B0 ss:$0x1] =	vst.idx.msk $0xffff, v10  }
0x1be: {  	v9 =	vadd.s32 v41, v2;
	v10 =	vld.idx.msk [tilespmem:v61+s7+$0x0], $0xffff  }
0x1bf: {  	v61 =	vadd.s32 v41, v3;
	[tilespmem:v56+s30+$0x230 ss:$0x1] =	vst.idx.msk $0xffff, v62  }
0x1c0: {  	[tilespmem:v56+s4+$0x230 ss:$0x1] =	vst.idx.msk $0xffff, v7;
	v62 =	vld.idx.msk [tilespmem:v63+s7+$0x0], $0xffff  }
0x1c1: {  	v63 =	vadd.s32 v42, v5;
	v6 =	vld.idx.msk [tilespmem:v39+s7+$0x0], $0xffff  }
0x1c2: {  	[tilespmem:v56+s3+$0x230 ss:$0x1] =	vst.idx.msk $0xffff, v8;
	v39 =	vadd.s32 v42, v4  }
0x1c3: {  	v8 =	vld.idx.msk [tilespmem:v9+s7+$0x0], $0xffff;
	[tilespmem:v56+s1+$0x230 ss:$0x1] =	vst.idx.msk $0xffff, v10  }
0x1c4: {  	v9 =	vadd.s32 v42, v2;
	v10 =	vld.idx.msk [tilespmem:v61+s7+$0x0], $0xffff  }
0x1c5: {  	v61 =	vadd.s32 v42, v3;
	[tilespmem:v56+s30+$0x2B0 ss:$0x1] =	vst.idx.msk $0xffff, v62  }
0x1c6: {  	[tilespmem:v56+s4+$0x2B0 ss:$0x1] =	vst.idx.msk $0xffff, v6;
	v62 =	vld.idx.msk [tilespmem:v63+s7+$0x0], $0xffff  }
0x1c7: {  	v5 =	vadd.s32 v43, v5;
	v6 =	vld.idx.msk [tilespmem:v39+s7+$0x0], $0xffff  }
0x1c8: {  	v4 =	vadd.s32 v43, v4;
	[tilespmem:v56+s3+$0x2B0 ss:$0x1] =	vst.idx.msk $0xffff, v8  }
0x1c9: {  	v39 =	vld.idx.msk [tilespmem:v9+s7+$0x0], $0xffff;
	[tilespmem:v56+s1+$0x2B0 ss:$0x1] =	vst.idx.msk $0xffff, v10  }
0x1ca: {  	v2 =	vadd.s32 v43, v2;
	v8 =	vld.idx.msk [tilespmem:v61+s7+$0x0], $0xffff  }
0x1cb: {  	v3 =	vadd.s32 v43, v3;
	[tilespmem:v56+s30+$0x330 ss:$0x1] =	vst.idx.msk $0xffff, v62  }
0x1cc: {  	[tilespmem:v56+s4+$0x330 ss:$0x1] =	vst.idx.msk $0xffff, v6;
	v5 =	vld.idx.msk [tilespmem:v5+s7+$0x0], $0xffff  }
0x1cd: {  	v9 =	vor.u32 v44, v57;
	v4 =	vld.idx.msk [tilespmem:v4+s7+$0x0], $0xffff  }
0x1ce: {  	[tilespmem:v56+s3+$0x330 ss:$0x1] =	vst.idx.msk $0xffff, v39;
	v62 =	vor.u32 v44, v58  }
0x1cf: {  	v2 =	vld.idx.msk [tilespmem:v2+s7+$0x0], $0xffff;
	[tilespmem:v56+s1+$0x330 ss:$0x1] =	vst.idx.msk $0xffff, v8  }
0x1d0: {  	v63 =	vor.u32 v44, v59;
	v3 =	vld.idx.msk [tilespmem:v3+s7+$0x0], $0xffff  }
0x1d1: {  	v39 =	vor.u32 v44, v60;
	[tilespmem:v56+s30+$0x3B0 ss:$0x1] =	vst.idx.msk $0xffff, v5  }
0x1d2: {  	[tilespmem:v56+s4+$0x3B0 ss:$0x1] =	vst.idx.msk $0xffff, v4;
	v8 =	vld.idx.msk [tilespmem:v9+s16+$0x0], $0xffff  }
0x1d3: {  	v4 =	vld.idx.msk [tilespmem:v62+s16+$0x0], $0xffff  }
0x1d4: {  	[tilespmem:v56+s3+$0x3B0 ss:$0x1] =	vst.idx.msk $0xffff, v2  }
0x1d5: {  	v2 =	vld.idx.msk [tilespmem:v63+s16+$0x0], $0xffff;
	[tilespmem:v56+s1+$0x3B0 ss:$0x1] =	vst.idx.msk $0xffff, v3  }
0x1d6: {  	v3 =	vld.idx.msk [tilespmem:v39+s16+$0x0], $0xffff  }
0x1d7: {  	vm12 =	vlt.s32 v8, $0x40  }
0x1d8: {  	vm13 =	vlt.s32 v4, $0x40;
	v61 =	vnsel vm12, $0x40, v8  }
0x1d9: {  	v4 =	vnsel vm13, $0x40, v4;
	v5 =	vshll.u32 v61, $0xA  }
0x1da: {  	vm14 =	vlt.s32 v2, $0x40;
	v4 =	vshll.u32 v4, $0xA;
	v62 =	vadd.s32 v45, v5  }
0x1db: {  	v2 =	vnsel vm14, $0x40, v2;
	vm15 =	vlt.s32 v3, $0x40;
	v63 =	vadd.s32 v45, v4  }
0x1dc: {  	v2 =	vshll.u32 v2, $0xA;
	v3 =	vnsel vm15, $0x40, v3  }
0x1dd: {  	v8 =	vadd.s32 v45, v2;
	v3 =	vshll.u32 v3, $0xA  }
0x1de: {  	v9 =	vadd.s32 v45, v3  }
0x1df: {  	v6 =	vld.idx.msk [tilespmem:v62+s7+$0x0], $0xffff  }
0x1e0: {  	v10 =	vadd.s32 v46, v5;
	v7 =	vld.idx.msk [tilespmem:v63+s7+$0x0], $0xffff  }
0x1e1: {  	v61 =	vadd.s32 v46, v4  }
0x1e2: {  	v8 =	vld.idx.msk [tilespmem:v8+s7+$0x0], $0xffff  }
0x1e3: {  	v62 =	vadd.s32 v46, v2;
	v9 =	vld.idx.msk [tilespmem:v9+s7+$0x0], $0xffff  }
0x1e4: {  	[tilespmem:v56+s30+$0x40 ss:$0x1] =	vst.idx.msk $0xffff, v6;
	v6 =	vadd.s32 v46, v3  }
0x1e5: {  	[tilespmem:v56+s4+$0x40 ss:$0x1] =	vst.idx.msk $0xffff, v7;
	v10 =	vld.idx.msk [tilespmem:v10+s7+$0x0], $0xffff  }
0x1e6: {  	v39 =	vadd.s32 v47, v5;
	v7 =	vld.idx.msk [tilespmem:v61+s7+$0x0], $0xffff  }
0x1e7: {  	[tilespmem:v56+s3+$0x40 ss:$0x1] =	vst.idx.msk $0xffff, v8;
	v8 =	vadd.s32 v47, v4  }
0x1e8: {  	v61 =	vld.idx.msk [tilespmem:v62+s7+$0x0], $0xffff;
	[tilespmem:v56+s1+$0x40 ss:$0x1] =	vst.idx.msk $0xffff, v9  }
0x1e9: {  	v9 =	vadd.s32 v47, v2;
	v6 =	vld.idx.msk [tilespmem:v6+s7+$0x0], $0xffff  }
0x1ea: {  	[tilespmem:v56+s30+$0xC0 ss:$0x1] =	vst.idx.msk $0xffff, v10;
	v10 =	vadd.s32 v47, v3  }
0x1eb: {  	[tilespmem:v56+s4+$0xC0 ss:$0x1] =	vst.idx.msk $0xffff, v7;
	v62 =	vld.idx.msk [tilespmem:v39+s7+$0x0], $0xffff  }
0x1ec: {  	v39 =	vadd.s32 v48, v5;
	v7 =	vld.idx.msk [tilespmem:v8+s7+$0x0], $0xffff  }
0x1ed: {  	[tilespmem:v56+s3+$0xC0 ss:$0x1] =	vst.idx.msk $0xffff, v61;
	v8 =	vadd.s32 v48, v4  }
0x1ee: {  	v9 =	vld.idx.msk [tilespmem:v9+s7+$0x0], $0xffff;
	[tilespmem:v56+s1+$0xC0 ss:$0x1] =	vst.idx.msk $0xffff, v6  }
0x1ef: {  	v6 =	vadd.s32 v48, v2;
	v10 =	vld.idx.msk [tilespmem:v10+s7+$0x0], $0xffff  }
0x1f0: {  	v61 =	vadd.s32 v48, v3;
	[tilespmem:v56+s30+$0x140 ss:$0x1] =	vst.idx.msk $0xffff, v62  }
0x1f1: {  	[tilespmem:v56+s4+$0x140 ss:$0x1] =	vst.idx.msk $0xffff, v7;
	v62 =	vld.idx.msk [tilespmem:v39+s7+$0x0], $0xffff  }
0x1f2: {  	v39 =	vadd.s32 v49, v5;
	v7 =	vld.idx.msk [tilespmem:v8+s7+$0x0], $0xffff  }
0x1f3: {  	[tilespmem:v56+s3+$0x140 ss:$0x1] =	vst.idx.msk $0xffff, v9;
	v8 =	vadd.s32 v49, v4  }
0x1f4: {  	v6 =	vld.idx.msk [tilespmem:v6+s7+$0x0], $0xffff;
	[tilespmem:v56+s1+$0x140 ss:$0x1] =	vst.idx.msk $0xffff, v10  }
0x1f5: {  	v9 =	vadd.s32 v49, v2;
	v10 =	vld.idx.msk [tilespmem:v61+s7+$0x0], $0xffff  }
0x1f6: {  	v61 =	vadd.s32 v49, v3;
	[tilespmem:v56+s30+$0x1C0 ss:$0x1] =	vst.idx.msk $0xffff, v62  }
0x1f7: {  	[tilespmem:v56+s4+$0x1C0 ss:$0x1] =	vst.idx.msk $0xffff, v7;
	v62 =	vld.idx.msk [tilespmem:v39+s7+$0x0], $0xffff  }
0x1f8: {  	v63 =	vadd.s32 v50, v5;
	v7 =	vld.idx.msk [tilespmem:v8+s7+$0x0], $0xffff  }
0x1f9: {  	v39 =	vadd.s32 v50, v4;
	[tilespmem:v56+s3+$0x1C0 ss:$0x1] =	vst.idx.msk $0xffff, v6  }
0x1fa: {  	v8 =	vld.idx.msk [tilespmem:v9+s7+$0x0], $0xffff;
	[tilespmem:v56+s1+$0x1C0 ss:$0x1] =	vst.idx.msk $0xffff, v10  }
0x1fb: {  	v9 =	vadd.s32 v50, v2;
	v10 =	vld.idx.msk [tilespmem:v61+s7+$0x0], $0xffff  }
0x1fc: {  	v61 =	vadd.s32 v50, v3;
	[tilespmem:v56+s30+$0x240 ss:$0x1] =	vst.idx.msk $0xffff, v62  }
0x1fd: {  	[tilespmem:v56+s4+$0x240 ss:$0x1] =	vst.idx.msk $0xffff, v7;
	v62 =	vld.idx.msk [tilespmem:v63+s7+$0x0], $0xffff  }
0x1fe: {  	v63 =	vadd.s32 v51, v5;
	v6 =	vld.idx.msk [tilespmem:v39+s7+$0x0], $0xffff  }
0x1ff: {  	v39 =	vadd.s32 v51, v4;
	[tilespmem:v56+s3+$0x240 ss:$0x1] =	vst.idx.msk $0xffff, v8  }
0x200: {  	v8 =	vld.idx.msk [tilespmem:v9+s7+$0x0], $0xffff;
	[tilespmem:v56+s1+$0x240 ss:$0x1] =	vst.idx.msk $0xffff, v10  }
0x201: {  	v9 =	vadd.s32 v51, v2;
	v10 =	vld.idx.msk [tilespmem:v61+s7+$0x0], $0xffff  }
0x202: {  	v61 =	vadd.s32 v51, v3;
	[tilespmem:v56+s30+$0x2C0 ss:$0x1] =	vst.idx.msk $0xffff, v62  }
0x203: {  	[tilespmem:v56+s4+$0x2C0 ss:$0x1] =	vst.idx.msk $0xffff, v6;
	v62 =	vld.idx.msk [tilespmem:v63+s7+$0x0], $0xffff  }
0x204: {  	v5 =	vadd.s32 v52, v5;
	v6 =	vld.idx.msk [tilespmem:v39+s7+$0x0], $0xffff  }
0x205: {  	v4 =	vadd.s32 v52, v4;
	[tilespmem:v56+s3+$0x2C0 ss:$0x1] =	vst.idx.msk $0xffff, v8  }
0x206: {  	v39 =	vld.idx.msk [tilespmem:v9+s7+$0x0], $0xffff;
	[tilespmem:v56+s1+$0x2C0 ss:$0x1] =	vst.idx.msk $0xffff, v10  }
0x207: {  	v2 =	vadd.s32 v52, v2;
	v8 =	vld.idx.msk [tilespmem:v61+s7+$0x0], $0xffff  }
0x208: {  	v3 =	vadd.s32 v52, v3;
	[tilespmem:v56+s30+$0x340 ss:$0x1] =	vst.idx.msk $0xffff, v62  }
0x209: {  	[tilespmem:v56+s4+$0x340 ss:$0x1] =	vst.idx.msk $0xffff, v6;
	v5 =	vld.idx.msk [tilespmem:v5+s7+$0x0], $0xffff  }
0x20a: {  	v9 =	vor.u32 v53, v57;
	v4 =	vld.idx.msk [tilespmem:v4+s7+$0x0], $0xffff  }
0x20b: {  	v62 =	vor.u32 v53, v58;
	[tilespmem:v56+s3+$0x340 ss:$0x1] =	vst.idx.msk $0xffff, v39  }
0x20c: {  	v2 =	vld.idx.msk [tilespmem:v2+s7+$0x0], $0xffff;
	[tilespmem:v56+s1+$0x340 ss:$0x1] =	vst.idx.msk $0xffff, v8  }
0x20d: {  	v63 =	vor.u32 v53, v59;
	v3 =	vld.idx.msk [tilespmem:v3+s7+$0x0], $0xffff  }
0x20e: {  	v39 =	vor.u32 v53, v60;
	[tilespmem:v56+s30+$0x3C0 ss:$0x1] =	vst.idx.msk $0xffff, v5  }
0x20f: {  	[tilespmem:v56+s4+$0x3C0 ss:$0x1] =	vst.idx.msk $0xffff, v4;
	v8 =	vld.idx.msk [tilespmem:v9+s16+$0x0], $0xffff  }
0x210: {  	v4 =	vld.idx.msk [tilespmem:v62+s16+$0x0], $0xffff  }
0x211: {  	[tilespmem:v56+s3+$0x3C0 ss:$0x1] =	vst.idx.msk $0xffff, v2  }
0x212: {  	v2 =	vld.idx.msk [tilespmem:v63+s16+$0x0], $0xffff;
	[tilespmem:v56+s1+$0x3C0 ss:$0x1] =	vst.idx.msk $0xffff, v3  }
0x213: {  	v3 =	vld.idx.msk [tilespmem:v39+s16+$0x0], $0xffff  }
0x214: {  	vm4 =	vlt.s32 v8, $0x40  }
0x215: {  	vm5 =	vlt.s32 v4, $0x40;
	v61 =	vnsel vm4, $0x40, v8  }
0x216: {  	v4 =	vnsel vm5, $0x40, v4;
	v5 =	vshll.u32 v61, $0xA  }
0x217: {  	vm6 =	vlt.s32 v2, $0x40;
	v4 =	vshll.u32 v4, $0xA;
	v62 =	vadd.s32 v54, v5  }
0x218: {  	v2 =	vnsel vm6, $0x40, v2;
	v63 =	vadd.s32 v54, v4;
	vm7 =	vlt.s32 v3, $0x40  }
0x219: {  	v2 =	vshll.u32 v2, $0xA;
	v3 =	vnsel vm7, $0x40, v3  }
0x21a: {  	v8 =	vadd.s32 v54, v2;
	v3 =	vshll.u32 v3, $0xA  }
0x21b: {  	v9 =	vadd.s32 v54, v3  }
0x21c: {  	v6 =	vld.idx.msk [tilespmem:v62+s7+$0x0], $0xffff  }
0x21d: {  	v10 =	vadd.s32 v55, v5;
	v7 =	vld.idx.msk [tilespmem:v63+s7+$0x0], $0xffff  }
0x21e: {  	v61 =	vadd.s32 v55, v4  }
0x21f: {  	v8 =	vld.idx.msk [tilespmem:v8+s7+$0x0], $0xffff  }
0x220: {  	v62 =	vadd.s32 v55, v2;
	v9 =	vld.idx.msk [tilespmem:v9+s7+$0x0], $0xffff  }
0x221: {  	[tilespmem:v56+s30+$0x50 ss:$0x1] =	vst.idx.msk $0xffff, v6;
	v6 =	vadd.s32 v55, v3  }
0x222: {  	[tilespmem:v56+s4+$0x50 ss:$0x1] =	vst.idx.msk $0xffff, v7;
	v10 =	vld.idx.msk [tilespmem:v10+s7+$0x0], $0xffff  }
0x223: {  	v39 =	vadd.s32 v1, v5;
	v7 =	vld.idx.msk [tilespmem:v61+s7+$0x0], $0xffff  }
0x224: {  	[tilespmem:v56+s3+$0x50 ss:$0x1] =	vst.idx.msk $0xffff, v8;
	v8 =	vadd.s32 v1, v4  }
0x225: {  	v61 =	vld.idx.msk [tilespmem:v62+s7+$0x0], $0xffff;
	[tilespmem:v56+s1+$0x50 ss:$0x1] =	vst.idx.msk $0xffff, v9  }
0x226: {  	v9 =	vadd.s32 v1, v2;
	v6 =	vld.idx.msk [tilespmem:v6+s7+$0x0], $0xffff  }
0x227: {  	[tilespmem:v56+s30+$0xD0 ss:$0x1] =	vst.idx.msk $0xffff, v10;
	v10 =	vadd.s32 v1, v3  }
0x228: {  	[tilespmem:v56+s4+$0xD0 ss:$0x1] =	vst.idx.msk $0xffff, v7;
	v62 =	vld.idx.msk [tilespmem:v39+s7+$0x0], $0xffff  }
0x229: {  	v39 =	vadd.s32 v33, v5;
	v7 =	vld.idx.msk [tilespmem:v8+s7+$0x0], $0xffff  }
0x22a: {  	v8 =	vadd.s32 v33, v4;
	[tilespmem:v56+s3+$0xD0 ss:$0x1] =	vst.idx.msk $0xffff, v61  }
0x22b: {  	v9 =	vld.idx.msk [tilespmem:v9+s7+$0x0], $0xffff;
	[tilespmem:v56+s1+$0xD0 ss:$0x1] =	vst.idx.msk $0xffff, v6  }
0x22c: {  	v6 =	vadd.s32 v33, v2;
	v10 =	vld.idx.msk [tilespmem:v10+s7+$0x0], $0xffff  }
0x22d: {  	v61 =	vadd.s32 v33, v3;
	[tilespmem:v56+s30+$0x150 ss:$0x1] =	vst.idx.msk $0xffff, v62  }
0x22e: {  	[tilespmem:v56+s4+$0x150 ss:$0x1] =	vst.idx.msk $0xffff, v7;
	v62 =	vld.idx.msk [tilespmem:v39+s7+$0x0], $0xffff  }
0x22f: {  	v39 =	vadd.s32 v34, v5;
	v7 =	vld.idx.msk [tilespmem:v8+s7+$0x0], $0xffff  }
0x230: {  	v8 =	vadd.s32 v34, v4;
	[tilespmem:v56+s3+$0x150 ss:$0x1] =	vst.idx.msk $0xffff, v9  }
0x231: {  	v6 =	vld.idx.msk [tilespmem:v6+s7+$0x0], $0xffff;
	[tilespmem:v56+s1+$0x150 ss:$0x1] =	vst.idx.msk $0xffff, v10  }
0x232: {  	v9 =	vadd.s32 v34, v2;
	v10 =	vld.idx.msk [tilespmem:v61+s7+$0x0], $0xffff  }
0x233: {  	v61 =	vadd.s32 v34, v3;
	[tilespmem:v56+s30+$0x1D0 ss:$0x1] =	vst.idx.msk $0xffff, v62  }
0x234: {  	[tilespmem:v56+s4+$0x1D0 ss:$0x1] =	vst.idx.msk $0xffff, v7;
	v62 =	vld.idx.msk [tilespmem:v39+s7+$0x0], $0xffff  }
0x235: {  	v63 =	vadd.s32 v35, v5;
	v7 =	vld.idx.msk [tilespmem:v8+s7+$0x0], $0xffff  }
0x236: {  	v39 =	vadd.s32 v35, v4;
	[tilespmem:v56+s3+$0x1D0 ss:$0x1] =	vst.idx.msk $0xffff, v6  }
0x237: {  	v8 =	vld.idx.msk [tilespmem:v9+s7+$0x0], $0xffff;
	[tilespmem:v56+s1+$0x1D0 ss:$0x1] =	vst.idx.msk $0xffff, v10  }
0x238: {  	v9 =	vadd.s32 v35, v2;
	v10 =	vld.idx.msk [tilespmem:v61+s7+$0x0], $0xffff  }
0x239: {  	v61 =	vadd.s32 v35, v3;
	[tilespmem:v56+s30+$0x250 ss:$0x1] =	vst.idx.msk $0xffff, v62  }
0x23a: {  	[tilespmem:v56+s4+$0x250 ss:$0x1] =	vst.idx.msk $0xffff, v7;
	v62 =	vld.idx.msk [tilespmem:v63+s7+$0x0], $0xffff  }
0x23b: {  	v63 =	vadd.s32 v36, v5;
	v6 =	vld.idx.msk [tilespmem:v39+s7+$0x0], $0xffff  }
0x23c: {  	v39 =	vadd.s32 v36, v4;
	[tilespmem:v56+s3+$0x250 ss:$0x1] =	vst.idx.msk $0xffff, v8  }
0x23d: {  	v8 =	vld.idx.msk [tilespmem:v9+s7+$0x0], $0xffff;
	[tilespmem:v56+s1+$0x250 ss:$0x1] =	vst.idx.msk $0xffff, v10  }
0x23e: {  	v9 =	vadd.s32 v36, v2;
	v10 =	vld.idx.msk [tilespmem:v61+s7+$0x0], $0xffff  }
0x23f: {  	v61 =	vadd.s32 v36, v3;
	[tilespmem:v56+s30+$0x2D0 ss:$0x1] =	vst.idx.msk $0xffff, v62  }
0x240: {  	[tilespmem:v56+s4+$0x2D0 ss:$0x1] =	vst.idx.msk $0xffff, v6;
	v62 =	vld.idx.msk [tilespmem:v63+s7+$0x0], $0xffff  }
0x241: {  	v5 =	vadd.s32 v37, v5;
	v6 =	vld.idx.msk [tilespmem:v39+s7+$0x0], $0xffff  }
0x242: {  	v4 =	vadd.s32 v37, v4;
	[tilespmem:v56+s3+$0x2D0 ss:$0x1] =	vst.idx.msk $0xffff, v8  }
0x243: {  	v39 =	vld.idx.msk [tilespmem:v9+s7+$0x0], $0xffff;
	[tilespmem:v56+s1+$0x2D0 ss:$0x1] =	vst.idx.msk $0xffff, v10  }
0x244: {  	v2 =	vadd.s32 v37, v2;
	v8 =	vld.idx.msk [tilespmem:v61+s7+$0x0], $0xffff  }
0x245: {  	v3 =	vadd.s32 v37, v3;
	[tilespmem:v56+s30+$0x350 ss:$0x1] =	vst.idx.msk $0xffff, v62  }
0x246: {  	[tilespmem:v56+s4+$0x350 ss:$0x1] =	vst.idx.msk $0xffff, v6;
	v5 =	vld.idx.msk [tilespmem:v5+s7+$0x0], $0xffff  }
0x247: {  	v9 =	vor.u32 v38, v57;
	v4 =	vld.idx.msk [tilespmem:v4+s7+$0x0], $0xffff  }
0x248: {  	v62 =	vor.u32 v38, v58;
	[tilespmem:v56+s3+$0x350 ss:$0x1] =	vst.idx.msk $0xffff, v39  }
0x249: {  	v2 =	vld.idx.msk [tilespmem:v2+s7+$0x0], $0xffff;
	[tilespmem:v56+s1+$0x350 ss:$0x1] =	vst.idx.msk $0xffff, v8  }
0x24a: {  	v63 =	vor.u32 v38, v59;
	v3 =	vld.idx.msk [tilespmem:v3+s7+$0x0], $0xffff  }
0x24b: {  	v39 =	vor.u32 v38, v60;
	[tilespmem:v56+s30+$0x3D0 ss:$0x1] =	vst.idx.msk $0xffff, v5  }
0x24c: {  	[tilespmem:v56+s4+$0x3D0 ss:$0x1] =	vst.idx.msk $0xffff, v4;
	v8 =	vld.idx.msk [tilespmem:v9+s16+$0x0], $0xffff  }
0x24d: {  	v4 =	vld.idx.msk [tilespmem:v62+s16+$0x0], $0xffff  }
0x24e: {  	[tilespmem:v56+s3+$0x3D0 ss:$0x1] =	vst.idx.msk $0xffff, v2  }
0x24f: {  	v2 =	vld.idx.msk [tilespmem:v63+s16+$0x0], $0xffff;
	[tilespmem:v56+s1+$0x3D0 ss:$0x1] =	vst.idx.msk $0xffff, v3  }
0x250: {  	v3 =	vld.idx.msk [tilespmem:v39+s16+$0x0], $0xffff  }
0x251: {  	vm8 =	vlt.s32 v8, $0x40  }
0x252: {  	vm9 =	vlt.s32 v4, $0x40;
	v61 =	vnsel vm8, $0x40, v8  }
0x253: {  	v62 =	vor.u32 $0x460, v0;
	v4 =	vnsel vm9, $0x40, v4;
	v5 =	vshll.u32 v61, $0xA  }
0x254: {  	vm10 =	vlt.s32 v2, $0x40;
	v4 =	vshll.u32 v4, $0xA;
	v63 =	vadd.s32 v62, v5  }
0x255: {  	v2 =	vnsel vm10, $0x40, v2;
	v8 =	vadd.s32 v62, v4;
	vm11 =	vlt.s32 v3, $0x40  }
0x256: {  	v2 =	vshll.u32 v2, $0xA;
	v3 =	vnsel vm11, $0x40, v3  }
0x257: {  	v9 =	vadd.s32 v62, v2;
	v3 =	vshll.u32 v3, $0xA  }
0x258: {  	v6 =	vadd.s32 v62, v3  }
0x259: {  	v10 =	vor.u32 $0x4E0, v0;
	v7 =	vld.idx.msk [tilespmem:v63+s7+$0x0], $0xffff  }
0x25a: {  	v39 =	vadd.s32 v10, v5;
	v8 =	vld.idx.msk [tilespmem:v8+s7+$0x0], $0xffff  }
0x25b: {  	v62 =	vadd.s32 v10, v4  }
0x25c: {  	v9 =	vld.idx.msk [tilespmem:v9+s7+$0x0], $0xffff  }
0x25d: {  	v63 =	vadd.s32 v10, v2;
	v6 =	vld.idx.msk [tilespmem:v6+s7+$0x0], $0xffff  }
0x25e: {  	[tilespmem:v56+s30+$0x60 ss:$0x1] =	vst.idx.msk $0xffff, v7;
	v7 =	vadd.s32 v10, v3  }
0x25f: {  	[tilespmem:v56+s4+$0x60 ss:$0x1] =	vst.idx.msk $0xffff, v8;
	v10 =	vld.idx.msk [tilespmem:v39+s7+$0x0], $0xffff;
	v39 =	vor.u32 $0x560, v0  }
0x260: {  	v62 =	vld.idx.msk [tilespmem:v62+s7+$0x0], $0xffff;
	v8 =	vadd.s32 v39, v5  }
0x261: {  	[tilespmem:v56+s3+$0x60 ss:$0x1] =	vst.idx.msk $0xffff, v9;
	v9 =	vadd.s32 v39, v4  }
0x262: {  	v63 =	vld.idx.msk [tilespmem:v63+s7+$0x0], $0xffff;
	[tilespmem:v56+s1+$0x60 ss:$0x1] =	vst.idx.msk $0xffff, v6  }
0x263: {  	v6 =	vadd.s32 v39, v2;
	v7 =	vld.idx.msk [tilespmem:v7+s7+$0x0], $0xffff  }
0x264: {  	[tilespmem:v56+s30+$0xE0 ss:$0x1] =	vst.idx.msk $0xffff, v10;
	v10 =	vadd.s32 v39, v3  }
0x265: {  	v61 =	vor.u32 $0x5E0, v0;
	[tilespmem:v56+s4+$0xE0 ss:$0x1] =	vst.idx.msk $0xffff, v62;
	v8 =	vld.idx.msk [tilespmem:v8+s7+$0x0], $0xffff  }
0x266: {  	v39 =	vadd.s32 v61, v5;
	v9 =	vld.idx.msk [tilespmem:v9+s7+$0x0], $0xffff  }
0x267: {  	[tilespmem:v56+s3+$0xE0 ss:$0x1] =	vst.idx.msk $0xffff, v63;
	v63 =	vadd.s32 v61, v4  }
0x268: {  	v6 =	vld.idx.msk [tilespmem:v6+s7+$0x0], $0xffff;
	[tilespmem:v56+s1+$0xE0 ss:$0x1] =	vst.idx.msk $0xffff, v7  }
0x269: {  	v7 =	vadd.s32 v61, v2;
	v10 =	vld.idx.msk [tilespmem:v10+s7+$0x0], $0xffff  }
0x26a: {  	[tilespmem:v56+s30+$0x160 ss:$0x1] =	vst.idx.msk $0xffff, v8;
	v8 =	vadd.s32 v61, v3  }
0x26b: {  	[tilespmem:v56+s4+$0x160 ss:$0x1] =	vst.idx.msk $0xffff, v9;
	v61 =	vld.idx.msk [tilespmem:v39+s7+$0x0], $0xffff;
	v39 =	vor.u32 $0x660, v0  }
0x26c: {  	v63 =	vld.idx.msk [tilespmem:v63+s7+$0x0], $0xffff;
	v9 =	vadd.s32 v39, v5  }
0x26d: {  	[tilespmem:v56+s3+$0x160 ss:$0x1] =	vst.idx.msk $0xffff, v6;
	v6 =	vadd.s32 v39, v4  }
0x26e: {  	v7 =	vld.idx.msk [tilespmem:v7+s7+$0x0], $0xffff;
	[tilespmem:v56+s1+$0x160 ss:$0x1] =	vst.idx.msk $0xffff, v10  }
0x26f: {  	v10 =	vadd.s32 v39, v2;
	v8 =	vld.idx.msk [tilespmem:v8+s7+$0x0], $0xffff  }
0x270: {  	[tilespmem:v56+s30+$0x1E0 ss:$0x1] =	vst.idx.msk $0xffff, v61;
	v61 =	vadd.s32 v39, v3  }
0x271: {  	v62 =	vor.u32 $0x6E0, v0;
	[tilespmem:v56+s4+$0x1E0 ss:$0x1] =	vst.idx.msk $0xffff, v63;
	v9 =	vld.idx.msk [tilespmem:v9+s7+$0x0], $0xffff  }
0x272: {  	v39 =	vadd.s32 v62, v5;
	v6 =	vld.idx.msk [tilespmem:v6+s7+$0x0], $0xffff  }
0x273: {  	[tilespmem:v56+s3+$0x1E0 ss:$0x1] =	vst.idx.msk $0xffff, v7;
	v7 =	vadd.s32 v62, v4  }
0x274: {  	v10 =	vld.idx.msk [tilespmem:v10+s7+$0x0], $0xffff;
	[tilespmem:v56+s1+$0x1E0 ss:$0x1] =	vst.idx.msk $0xffff, v8  }
0x275: {  	v8 =	vadd.s32 v62, v2;
	v61 =	vld.idx.msk [tilespmem:v61+s7+$0x0], $0xffff  }
0x276: {  	[tilespmem:v56+s30+$0x260 ss:$0x1] =	vst.idx.msk $0xffff, v9;
	v9 =	vadd.s32 v62, v3  }
0x277: {  	v63 =	vor.u32 $0x760, v0;
	[tilespmem:v56+s4+$0x260 ss:$0x1] =	vst.idx.msk $0xffff, v6;
	v62 =	vld.idx.msk [tilespmem:v39+s7+$0x0], $0xffff  }
0x278: {  	v39 =	vadd.s32 v63, v5;
	v7 =	vld.idx.msk [tilespmem:v7+s7+$0x0], $0xffff  }
0x279: {  	[tilespmem:v56+s3+$0x260 ss:$0x1] =	vst.idx.msk $0xffff, v10;
	v10 =	vadd.s32 v63, v4  }
0x27a: {  	v8 =	vld.idx.msk [tilespmem:v8+s7+$0x0], $0xffff;
	[tilespmem:v56+s1+$0x260 ss:$0x1] =	vst.idx.msk $0xffff, v61  }
0x27b: {  	v61 =	vadd.s32 v63, v2;
	v9 =	vld.idx.msk [tilespmem:v9+s7+$0x0], $0xffff  }
0x27c: {  	[tilespmem:v56+s30+$0x2E0 ss:$0x1] =	vst.idx.msk $0xffff, v62;
	v62 =	vadd.s32 v63, v3  }
0x27d: {  	[tilespmem:v56+s4+$0x2E0 ss:$0x1] =	vst.idx.msk $0xffff, v7;
	v6 =	vld.idx.msk [tilespmem:v39+s7+$0x0], $0xffff;
	v39 =	vor.u32 $0x7E0, v0  }
0x27e: {  	v7 =	vld.idx.msk [tilespmem:v10+s7+$0x0], $0xffff;
	v5 =	vadd.s32 v39, v5  }
0x27f: {  	[tilespmem:v56+s3+$0x2E0 ss:$0x1] =	vst.idx.msk $0xffff, v8;
	v4 =	vadd.s32 v39, v4  }
0x280: {  	v8 =	vld.idx.msk [tilespmem:v61+s7+$0x0], $0xffff;
	[tilespmem:v56+s1+$0x2E0 ss:$0x1] =	vst.idx.msk $0xffff, v9  }
0x281: {  	v2 =	vadd.s32 v39, v2;
	v9 =	vld.idx.msk [tilespmem:v62+s7+$0x0], $0xffff  }
0x282: {  	v3 =	vadd.s32 v39, v3;
	[tilespmem:v56+s30+$0x360 ss:$0x1] =	vst.idx.msk $0xffff, v6  }
0x283: {  	v39 =	vor.u32 $0x3800, v32;
	[tilespmem:v56+s4+$0x360 ss:$0x1] =	vst.idx.msk $0xffff, v7;
	v5 =	vld.idx.msk [tilespmem:v5+s7+$0x0], $0xffff  }
0x284: {  	v10 =	vor.u32 v39, v57;
	v4 =	vld.idx.msk [tilespmem:v4+s7+$0x0], $0xffff  }
0x285: {  	v57 =	vor.u32 v39, v58;
	[tilespmem:v56+s3+$0x360 ss:$0x1] =	vst.idx.msk $0xffff, v8  }
0x286: {  	v2 =	vld.idx.msk [tilespmem:v2+s7+$0x0], $0xffff;
	[tilespmem:v56+s1+$0x360 ss:$0x1] =	vst.idx.msk $0xffff, v9  }
0x287: {  	v8 =	vor.u32 v39, v59;
	v3 =	vld.idx.msk [tilespmem:v3+s7+$0x0], $0xffff  }
0x288: {  	v58 =	vor.u32 v39, v60;
	[tilespmem:v56+s30+$0x3E0 ss:$0x1] =	vst.idx.msk $0xffff, v5  }
0x289: {  	[tilespmem:v56+s4+$0x3E0 ss:$0x1] =	vst.idx.msk $0xffff, v4;
	v59 =	vld.idx.msk [tilespmem:v10+s16+$0x0], $0xffff  }
0x28a: {  	v4 =	vld.idx.msk [tilespmem:v57+s16+$0x0], $0xffff  }
0x28b: {  	[tilespmem:v56+s3+$0x3E0 ss:$0x1] =	vst.idx.msk $0xffff, v2  }
0x28c: {  	v2 =	vld.idx.msk [tilespmem:v8+s16+$0x0], $0xffff;
	[tilespmem:v56+s1+$0x3E0 ss:$0x1] =	vst.idx.msk $0xffff, v3  }
0x28d: {  	v3 =	vld.idx.msk [tilespmem:v58+s16+$0x0], $0xffff;
	_ =	sdelay $0x1  }
0x28e: {  	vm12 =	vlt.s32 v59, $0x40;
	vm13 =	vlt.s32 v4, $0x40  }
0x28f: {  	v61 =	vor.u32 $0x470, v0;
	v60 =	vnsel vm12, $0x40, v59;
	v4 =	vnsel vm13, $0x40, v4  }
0x290: {  	v5 =	vshll.u32 v60, $0xA;
	vm14 =	vlt.s32 v2, $0x40;
	v4 =	vshll.u32 v4, $0xA  }
0x291: {  	v62 =	vadd.s32 v61, v5;
	v2 =	vnsel vm14, $0x40, v2;
	vm15 =	vlt.s32 v3, $0x40  }
0x292: {  	v8 =	vadd.s32 v61, v4;
	v2 =	vshll.u32 v2, $0xA;
	v3 =	vnsel vm15, $0x40, v3  }
0x293: {  	v9 =	vadd.s32 v61, v2;
	v3 =	vshll.u32 v3, $0xA  }
0x294: {  	v6 =	vadd.s32 v61, v3;
	_ =	sdelay $0x1  }
0x295: {  	v10 =	vor.u32 $0x4F0, v0;
	v7 =	vld.idx.msk [tilespmem:v62+s7+$0x0], $0xffff  }
0x296: {  	v63 =	vadd.s32 v10, v5;
	v8 =	vld.idx.msk [tilespmem:v8+s7+$0x0], $0xffff  }
0x297: {  	v39 =	vadd.s32 v10, v4;
	v9 =	vld.idx.msk [tilespmem:v9+s7+$0x0], $0xffff  }
0x298: {  	v60 =	vadd.s32 v10, v2;
	v6 =	vld.idx.msk [tilespmem:v6+s7+$0x0], $0xffff  }
0x299: {  	v10 =	vadd.s32 v10, v3  }
0x29a: {  	[tilespmem:v56+s30+$0x70 ss:$0x1] =	vst.idx.msk $0xffff, v7  }
0x29b: {  	v61 =	vor.u32 $0x570, v0;
	[tilespmem:v56+s4+$0x70 ss:$0x1] =	vst.idx.msk $0xffff, v8;
	v7 =	vld.idx.msk [tilespmem:v63+s7+$0x0], $0xffff  }
0x29c: {  	v8 =	vadd.s32 v61, v5;
	v58 =	vld.idx.msk [tilespmem:v39+s7+$0x0], $0xffff;
	[tilespmem:v56+s3+$0x70 ss:$0x1] =	vst.idx.msk $0xffff, v9  }
0x29d: {  	v9 =	vadd.s32 v61, v4;
	v59 =	vld.idx.msk [tilespmem:v60+s7+$0x0], $0xffff;
	[tilespmem:v56+s1+$0x70 ss:$0x1] =	vst.idx.msk $0xffff, v6  }
0x29e: {  	v62 =	vadd.s32 v61, v2;
	v10 =	vld.idx.msk [tilespmem:v10+s7+$0x0], $0xffff  }
0x29f: {  	v57 =	vadd.s32 v61, v3  }
0x2a0: {  	[tilespmem:v56+s30+$0xF0 ss:$0x1] =	vst.idx.msk $0xffff, v7  }
0x2a1: {  	[tilespmem:v56+s4+$0xF0 ss:$0x1] =	vst.idx.msk $0xffff, v58;
	v7 =	vld.idx.msk [tilespmem:v8+s7+$0x0], $0xffff;
	v8 =	vor.u32 $0x5F0, v0  }
0x2a2: {  	v9 =	vld.idx.msk [tilespmem:v9+s7+$0x0], $0xffff;
	v63 =	vadd.s32 v8, v5;
	[tilespmem:v56+s3+$0xF0 ss:$0x1] =	vst.idx.msk $0xffff, v59  }
0x2a3: {  	v39 =	vadd.s32 v8, v4;
	v6 =	vld.idx.msk [tilespmem:v62+s7+$0x0], $0xffff;
	[tilespmem:v56+s1+$0xF0 ss:$0x1] =	vst.idx.msk $0xffff, v10  }
0x2a4: {  	v10 =	vadd.s32 v8, v2;
	v57 =	vld.idx.msk [tilespmem:v57+s7+$0x0], $0xffff  }
0x2a5: {  	v8 =	vadd.s32 v8, v3  }
0x2a6: {  	[tilespmem:v56+s30+$0x170 ss:$0x1] =	vst.idx.msk $0xffff, v7  }
0x2a7: {  	v60 =	vor.u32 $0x670, v0;
	[tilespmem:v56+s4+$0x170 ss:$0x1] =	vst.idx.msk $0xffff, v9;
	v7 =	vld.idx.msk [tilespmem:v63+s7+$0x0], $0xffff  }
0x2a8: {  	v9 =	vadd.s32 v60, v5;
	v59 =	vld.idx.msk [tilespmem:v39+s7+$0x0], $0xffff;
	[tilespmem:v56+s3+$0x170 ss:$0x1] =	vst.idx.msk $0xffff, v6  }
0x2a9: {  	v61 =	vadd.s32 v60, v4;
	v10 =	vld.idx.msk [tilespmem:v10+s7+$0x0], $0xffff;
	[tilespmem:v56+s1+$0x170 ss:$0x1] =	vst.idx.msk $0xffff, v57  }
0x2aa: {  	v62 =	vadd.s32 v60, v2;
	v8 =	vld.idx.msk [tilespmem:v8+s7+$0x0], $0xffff  }
0x2ab: {  	v58 =	vadd.s32 v60, v3  }
0x2ac: {  	[tilespmem:v56+s30+$0x1F0 ss:$0x1] =	vst.idx.msk $0xffff, v7  }
0x2ad: {  	[tilespmem:v56+s4+$0x1F0 ss:$0x1] =	vst.idx.msk $0xffff, v59;
	v7 =	vld.idx.msk [tilespmem:v9+s7+$0x0], $0xffff;
	v9 =	vor.u32 $0x6F0, v0  }
0x2ae: {  	v6 =	vld.idx.msk [tilespmem:v61+s7+$0x0], $0xffff;
	v63 =	vadd.s32 v9, v5;
	[tilespmem:v56+s3+$0x1F0 ss:$0x1] =	vst.idx.msk $0xffff, v10  }
0x2af: {  	v10 =	vadd.s32 v9, v4;
	v57 =	vld.idx.msk [tilespmem:v62+s7+$0x0], $0xffff;
	[tilespmem:v56+s1+$0x1F0 ss:$0x1] =	vst.idx.msk $0xffff, v8  }
0x2b0: {  	v8 =	vadd.s32 v9, v2;
	v58 =	vld.idx.msk [tilespmem:v58+s7+$0x0], $0xffff  }
0x2b1: {  	v9 =	vadd.s32 v9, v3  }
0x2b2: {  	[tilespmem:v56+s30+$0x270 ss:$0x1] =	vst.idx.msk $0xffff, v7  }
0x2b3: {  	v39 =	vor.u32 $0x770, v0;
	[tilespmem:v56+s4+$0x270 ss:$0x1] =	vst.idx.msk $0xffff, v6;
	v7 =	vld.idx.msk [tilespmem:v63+s7+$0x0], $0xffff  }
0x2b4: {  	v60 =	vadd.s32 v39, v5;
	v10 =	vld.idx.msk [tilespmem:v10+s7+$0x0], $0xffff;
	[tilespmem:v56+s3+$0x270 ss:$0x1] =	vst.idx.msk $0xffff, v57  }
0x2b5: {  	v61 =	vadd.s32 v39, v4;
	v8 =	vld.idx.msk [tilespmem:v8+s7+$0x0], $0xffff;
	[tilespmem:v56+s1+$0x270 ss:$0x1] =	vst.idx.msk $0xffff, v58  }
0x2b6: {  	v62 =	vadd.s32 v39, v2;
	v9 =	vld.idx.msk [tilespmem:v9+s7+$0x0], $0xffff  }
0x2b7: {  	v59 =	vadd.s32 v39, v3  }
0x2b8: {  	[tilespmem:v56+s30+$0x2F0 ss:$0x1] =	vst.idx.msk $0xffff, v7  }
0x2b9: {  	v63 =	vor.u32 $0x7F0, v0;
	[tilespmem:v56+s4+$0x2F0 ss:$0x1] =	vst.idx.msk $0xffff, v10;
	v6 =	vld.idx.msk [tilespmem:v60+s7+$0x0], $0xffff  }
0x2ba: {  	v5 =	vadd.s32 v63, v5;
	[tilespmem:v56+s3+$0x2F0 ss:$0x1] =	vst.idx.msk $0xffff, v8;
	v8 =	vld.idx.msk [tilespmem:v61+s7+$0x0], $0xffff  }
0x2bb: {  	v4 =	vadd.s32 v63, v4;
	[tilespmem:v56+s1+$0x2F0 ss:$0x1] =	vst.idx.msk $0xffff, v9;
	v9 =	vld.idx.msk [tilespmem:v62+s7+$0x0], $0xffff  }
0x2bc: {  	v2 =	vadd.s32 v63, v2;
	v10 =	vld.idx.msk [tilespmem:v59+s7+$0x0], $0xffff  }
0x2bd: {  	v3 =	vadd.s32 v63, v3  }
0x2be: {  	[tilespmem:v56+s30+$0x370 ss:$0x1] =	vst.idx.msk $0xffff, v6  }
0x2bf: {  	[tilespmem:v56+s4+$0x370 ss:$0x1] =	vst.idx.msk $0xffff, v8;
	v5 =	vld.idx.msk [tilespmem:v5+s7+$0x0], $0xffff  }
0x2c0: {  	v4 =	vld.idx.msk [tilespmem:v4+s7+$0x0], $0xffff;
	[tilespmem:v56+s3+$0x370 ss:$0x1] =	vst.idx.msk $0xffff, v9  }
0x2c1: {  	[tilespmem:v56+s1+$0x370 ss:$0x1] =	vst.idx.msk $0xffff, v10;
	v2 =	vld.idx.msk [tilespmem:v2+s7+$0x0], $0xffff  }
0x2c2: {  	p1 =	por p0, p0;
	v3 =	vld.idx.msk [tilespmem:v3+s7+$0x0], $0xffff  }
.Ltmp0:
0x2c3: {  	_ = 	snop;
	(pc) =	sbr.rel @p1 .LBB2_4-.Ltmp0, $4  }
0x2c4: {  	[tilespmem:v56+s30+$0x3F0 ss:$0x1] =	vst.idx.msk $0xffff, v5  }
0x2c5: {  	[tilespmem:v56+s4+$0x3F0 ss:$0x1] =	vst.idx.msk $0xffff, v4  }
0x2c6: {  	v9 =	vld [tilespmem:$0x1FFE0];
	[tilespmem:v56+s3+$0x3F0 ss:$0x1] =	vst.idx.msk $0xffff, v2  }
0x2c7: {  	p0 =	por $0x0, $0x0;
	v10 =	vmov v13;
	v13 =	vld [tilespmem:$0x1FFF0];
	[tilespmem:v56+s1+$0x3F0 ss:$0x1] =	vst.idx.msk $0xffff, v3;
	s1 =	simm.s32 $0x4  }
0x2c8: {  	s1 =	sadd.s32 s23, s29;
	s25 =	sadd.s32 $0x1, s25  }
0x2c9: {  	s1 =	smul.u32 $0xC000, s1;
	p0 =	sne.s32 s25, $0x10  }
.Ltmp1:
0x2ca: {  	_ = 	snop;
	(pc) =	sbr.rel @p0 .LBB2_3-.Ltmp1, $4  }
0x2cb: {  	s1 =	sadd.s32 s1, s24  }
0x2cc: {  	s1 =	sshrl.u32 s1, $0x3  }
0x2cd: {  	s3 =	sor.u32 $0x2, s26;
	s1 =	sadd.s32 s5, s1  }
0x2ce: {  	[hbm4b:s1+s13] =	stream.strided.scatter [tilespmem:s28], [sflag:s3], $0x2000, s14, s13, $0x38;
	[tilespmem:$0x18880] =	vst v63  }
0x2cf: {  	s1 =	sadd.s32 $0x1, s22;
	p0 =	seq.s32 s22, $0x2  }
0x2d0: {  	s3 =	sadd.s32 @!p0 s6, s1  }
0x2d1: {  	s4 =	sshll.u32 @!p0 s3, $0x6;
	s3 =	sand.u32 @!p0 $0x7, s3  }
0x2d2: {  	s4 =	sand.u32 @!p0 $0xFFFFE00, s4;
	s22 =	sshrl.u32 @!p0 s3, $0x1  }
0x2d3: {  	s24 =	simm.s32 @!p0 $0xC000;
	s23 =	sshll.u32 @!p0 s22, $0x7;
	s4 =	sadd.s32 @!p0 s0, s4  }
0x2d4: {  	s25 =	simm.s32 @!p0 $0x0;
	s4 =	sadd.s32 @!p0 s23, s4;
	s23 =	simm.s32 @!p0 $0x400  }
0x2d5: {  	[tilespmem:s25], [sflag:$0x1] =	stream.strided.gather @!p0 [hbm4b:s4+s23], $0x10400, s24, s23, $0x38;
	[tilespmem:$0x18880] =	vst v63  }
0x2d6: {  	s3 =	sshll.u32 @!p0 s3, $0xA;
	s4 =	sshll.u32 @!p0 s22, $0xB  }
0x2d7: {  	s22 =	sshll.u32 @!p0 s22, $0xF;
	s3 =	ssub.s32 @!p0 s3, s4  }
0x2d8: {  	s3 =	sadd.s32 @!p0 s22, s3  }
0x2d9: {  	s3 =	sshrl.u32 @!p0 s3, $0x3  }
0x2da: {  	s4 =	simm.s32 @!p0 $0x800;
	s22 =	simm.s32 @!p0 $0x10800;
	s3 =	sadd.s32 @!p0 s2, s3  }
0x2db: {  	[tilespmem:s22], [sflag:$0x5] =	stream.strided.gather @!p0 [hbm4b:s3+s23], $0x4000, s4, s23, $0x38;
	[tilespmem:$0x18880] =	vst v63  }
0x2dc: {  	p0 =	sne.s32 s1, $0x3;
	_ =	swait.ge [sflag:s19], $0x2000  }
.Ltmp2:
0x2dd: {  	[sflag:s19] =	ssyncset.done $0x0;
	(pc) =	sbr.rel @p0 .LBB2_2-.Ltmp2, $4  }
0x2de: {  	[sflag:s19] =	ssyncadd.s32 $0xFFFFE000  }
0x2df: {  	_ =	swait.ge [sflag:s20], $0x2000  }
0x2e0: {  	[sflag:s20] =	ssyncset.done $0x0  }
0x2e1: {  	s22 =	smov.u32 s1;
	[sflag:s20] =	ssyncadd.s32 $0xFFFFE000  }
0x2e2: {  	s21 =	sadd.s32 $0x1, s21  }
0x2e3: {  	p0 =	sne.s32 s21, s10  }
.Ltmp3:
0x2e4: {  	_ = 	snop;
	(pc) =	sbr.rel @p0 .LBB2_1-.Ltmp3, $1  }
0x2e5: {  	_ =	sdelay $0x3  }
0x2e6: {  	_ =	sfence.sel $0x180000  }
0x2e7: {  	[bflag:$0x0] =	sbarrier.arrive $0xFFFF  }
0x2e8: {  	_ =	strace $0x90000047  }
0x2e9: {  	s0 =	stileid.u32;
	[bflag:$0x2] =	sbarrier.arrive $0xFFFF  }
0x2ea: {  	p0 =	sne.s32 s0, $0x0;
	s0 =	rddreg [dreg:$0x4]  }
0x2eb: {  	s0 =	sadd.s32 @!p0 $0x100000, s0  }
0x2ec: {  	[sflag:s0] =	ssyncadd.tile.s32 @!p0 $0x1;
	_ =	shalt  }
.Lfunc_end2:
_tile_overlayer_lowered:
.L_overlay_start_2:
0x2ed: {  	(tag) =	ssettag $0x2  }
0x2ee: {  	s0 =	rddreg [dreg:$0x0];
	s2 =	stileid.u32  }
0x2ef: {  	s1 =	rddreg [dreg:$0x1];
	p0 =	sne.s32 s2, $0x0  }
0x2f0: {  	s3 =	rddreg [dreg:$0x2];
	[bflag:$0x3] =	sbarrier.arrive $0xFFFF;
	s2 =	simm.s32 @!p0 $0x1C06  }
0x2f1: {  	[timem:s3], [sflag:s2] =	dma.local @!p0 [hbm:s0], s1  }
0x2f2: {  	s0 =	simm.s32 @!p0 $0x6  }
0x2f3: {  	_ =	swait.ge @!p0 [sflag:s0], s1  }
0x2f4: {  	s1 =	ssub.s32 @!p0 $0x0, s1;
	[sflag:s0] =	ssyncset.done @!p0 $0x0  }
0x2f5: {  	[sflag:s0] =	ssyncadd.s32 @!p0 s1  }
0x2f6: {  	[bflag:$0x3] =	sbarrier.arrive $0xFFFF  }
0x2f7: {  	_ =	shalt  }

</sc_bundles>
